<compile_context>
chip_gen: v7x
topology: tpu7x:2x2x1
jax: 0.10.2.dev20260603
libtpu: 0.0.44.dev20260713+nightly
codegen_flags: <defaults>
</compile_context>

<pallas_src>
import functools

import jax
import jax.numpy as jnp
import numpy as np
from jax import lax
from jax.experimental import pallas as pl
from jax.experimental.pallas import tpu as pltpu
from jax.experimental.pallas import tpu_sc as plsc

N = 10000
E = 320000
G = 64
H = 128
NF = 32

_HIGH = jax.lax.Precision.HIGHEST


def _dot(a, b):
    return jnp.dot(a, b, precision=_HIGH, preferred_element_type=jnp.float32)


def _dotf(a, b):
    return jnp.dot(a, b, preferred_element_type=jnp.float32)


def _silu(x):
    return x / (1.0 + jnp.exp(-x))


_NB1 = 2000


def _s1_body(h_ref, g_ref, b_ref, wa_ref, wb_ref, hn_ref, p1_ref, p2_ref):
    x = h_ref[...]
    mu = jnp.mean(x, axis=1, keepdims=True)
    var = jnp.mean((x - mu) ** 2, axis=1, keepdims=True)
    hn = (x - mu) * lax.rsqrt(var + 1e-5) * g_ref[...] + b_ref[...]
    hn_ref[...] = hn
    p1_ref[...] = _dot(hn, wa_ref[...])
    p2_ref[...] = _dot(hn, wb_ref[...])


def _stage1(h, ln_g, ln_b, wa, wb):
    nblk = N // _NB1
    return pl.pallas_call(
        _s1_body,
        grid=(nblk,),
        in_specs=[
            pl.BlockSpec((_NB1, H), lambda i: (i, 0)),
            pl.BlockSpec((1, H), lambda i: (0, 0)),
            pl.BlockSpec((1, H), lambda i: (0, 0)),
            pl.BlockSpec((H, H), lambda i: (0, 0)),
            pl.BlockSpec((H, H), lambda i: (0, 0)),
        ],
        out_specs=[
            pl.BlockSpec((_NB1, H), lambda i: (i, 0)),
            pl.BlockSpec((_NB1, H), lambda i: (i, 0)),
            pl.BlockSpec((_NB1, H), lambda i: (i, 0)),
        ],
        out_shape=[jax.ShapeDtypeStruct((N, H), jnp.float32)] * 3,
    )(h, ln_g, ln_b, wa, wb)


def _stage2(p1, p2, src, dst):
    info = plsc.get_sparse_core_info()
    nc, ns = info.num_cores, info.num_subcores
    nw = nc * ns
    ew = E // nw
    c = 80
    nch = ew // c
    mesh = plsc.VectorSubcoreMesh(core_axis_name="c", subcore_axis_name="s")

    gb = 5
    gr = gb * c
    ngr = ew // gr

    @functools.partial(
        pl.kernel,
        out_type=[jax.ShapeDtypeStruct((E, H), jnp.float32)] * 2,
        mesh=mesh,
        scratch_types=[
            pltpu.VMEM((ew,), jnp.int32),
            pltpu.VMEM((ew,), jnp.int32),
            pltpu.VMEM((gr, H), jnp.float32),
            pltpu.VMEM((gr, H), jnp.float32),
            pltpu.SemaphoreType.DMA,
            pltpu.SemaphoreType.DMA,
        ],
    )
    def k(p1_hbm, p2_hbm, src_hbm, dst_hbm, pa_hbm, pb_hbm,
          srcv, dstv, bufa, bufb, sema, semb):
        wid = lax.axis_index("s") * nc + lax.axis_index("c")
        base = wid * ew
        pltpu.sync_copy(src_hbm.at[pl.ds(base, ew)], srcv)
        pltpu.sync_copy(dst_hbm.at[pl.ds(base, ew)], dstv)

        def group(g, carry):
            goff = g * gr
            cps = []
            for b in range(gb):
                o = b * c
                cps.append(pltpu.async_copy(
                    p1_hbm.at[srcv.at[pl.ds(goff + o, c)]],
                    bufa.at[pl.ds(o, c)], sema))
                cps.append(pltpu.async_copy(
                    p2_hbm.at[dstv.at[pl.ds(goff + o, c)]],
                    bufb.at[pl.ds(o, c)], semb))
            for cp in cps:
                cp.wait()
            pltpu.sync_copy(bufa, pa_hbm.at[pl.ds(base + goff, gr)])
            pltpu.sync_copy(bufb, pb_hbm.at[pl.ds(base + goff, gr)])
            return carry

        lax.fori_loop(0, ngr, group, 0)

    return k(p1, p2, src, dst)


_BE = 3200


def _s3_body(pa_ref, pb_ref, fd_ref, eg_ref, lat_ref, wc_ref, be1_ref,
             wd_ref, w2_ref, b2_ref, out_ref):
    q = jnp.broadcast_to(be1_ref[...], (G, H))
    for i in range(3):
        for j in range(3):
            ip = (lat_ref[:, 3 * i + 0:3 * i + 1] * lat_ref[:, 3 * j + 0:3 * j + 1]
                  + lat_ref[:, 3 * i + 1:3 * i + 2] * lat_ref[:, 3 * j + 1:3 * j + 2]
                  + lat_ref[:, 3 * i + 2:3 * i + 3] * lat_ref[:, 3 * j + 2:3 * j + 3])
            q = q + ip * wc_ref[3 * i + j:3 * i + j + 1, :]
    eg = eg_ref[...]
    onehot = (eg == lax.broadcasted_iota(jnp.int32, (1, G), 1)).astype(jnp.float32)
    zq = _dotf(onehot, q)
    fd = fd_ref[...]
    freqs = 2.0 * np.pi * lax.broadcasted_iota(jnp.int32, (1, NF), 1).astype(jnp.float32)
    theta = jnp.concatenate([fd[:, d:d + 1] * freqs for d in range(3)], axis=1)
    emb = jnp.concatenate([jnp.sin(theta), jnp.cos(theta)], axis=1)
    z = pa_ref[...] + pb_ref[...] + zq + _dotf(emb, wd_ref[...])
    t = _silu(z)
    out_ref[...] = _silu(_dotf(t, w2_ref[...]) + b2_ref[...])


def _stage3(pa, pb, fd, eg2, lat9, wc, be1, wd, w2, b2):
    nblk = E // _BE
    return pl.pallas_call(
        _s3_body,
        grid=(nblk,),
        in_specs=[
            pl.BlockSpec((_BE, H), lambda i: (i, 0)),
            pl.BlockSpec((_BE, H), lambda i: (i, 0)),
            pl.BlockSpec((_BE, 3), lambda i: (i, 0)),
            pl.BlockSpec((_BE, 1), lambda i: (i, 0)),
            pl.BlockSpec((G, 9), lambda i: (0, 0)),
            pl.BlockSpec((9, H), lambda i: (0, 0)),
            pl.BlockSpec((1, H), lambda i: (0, 0)),
            pl.BlockSpec((2 * 3 * NF, H), lambda i: (0, 0)),
            pl.BlockSpec((H, H), lambda i: (0, 0)),
            pl.BlockSpec((1, H), lambda i: (0, 0)),
        ],
        out_specs=pl.BlockSpec((_BE, H), lambda i: (i, 0)),
        out_shape=jax.ShapeDtypeStruct((E, H), jnp.float32),
    )(pa, pb, fd, eg2, lat9, wc, be1, wd, w2, b2)


def _stage4(e, src, zeros_h):
    info = plsc.get_sparse_core_info()
    nc, ns = info.num_cores, info.num_subcores
    nw = nc * ns
    ew = E // nw
    c = 80
    nch = ew // c
    mesh = plsc.VectorSubcoreMesh(core_axis_name="c", subcore_axis_name="s")

    @functools.partial(
        pl.kernel,
        out_type=[
            jax.ShapeDtypeStruct((N, H), jnp.float32),
            jax.ShapeDtypeStruct((N, H), jnp.float32),
        ],
        mesh=mesh,
        scratch_types=[
            pltpu.VMEM_SHARED((N, H), jnp.float32),
            [pltpu.VMEM((c,), jnp.int32) for _ in range(4)],
            pltpu.VMEM((4 * c, H), jnp.float32),
            pltpu.SemaphoreType.DMA,
            pltpu.SemaphoreType.DMA,
        ],
    )
    def k(e_hbm, src_hbm, zh_hbm, s0_hbm, s1_hbm, acc_s, idxs, ebuf,
          seme, semi):
        cid = lax.axis_index("c")
        sid = lax.axis_index("s")
        wid = sid * nc + cid
        base = wid * ew

        nzc = N // 128
        for kk in range(nzc // ns + 1):
            j = sid + kk * ns

            @pl.when(j < nzc)
            def _():
                pltpu.sync_copy(zh_hbm.at[pl.ds(j * 128, 128)],
                                acc_s.at[pl.ds(j * 128, 128)])

        @pl.when(sid == 0)
        def _():
            pltpu.sync_copy(zh_hbm.at[pl.ds(nzc * 128, N - nzc * 128)],
                            acc_s.at[pl.ds(nzc * 128, N - nzc * 128)])

        plsc.subcore_barrier()

        def group(g, carry):
            goff = base + g * (4 * c)
            cpe = pltpu.async_copy(e_hbm.at[pl.ds(goff, 4 * c)], ebuf, seme)
            cpi = [pltpu.async_copy(src_hbm.at[pl.ds(goff + b * c, c)],
                                    idxs[b], semi) for b in range(4)]
            cpe.wait()
            for cp in cpi:
                cp.wait()
            for b in range(4):
                pltpu.sync_copy(ebuf.at[pl.ds(b * c, c)],
                                acc_s.at[idxs[b]], add=True)
            return carry

        ngr4 = nch // 4
        lax.fori_loop(0, ngr4, group, 0)
        toff = base + ngr4 * (4 * c)
        pltpu.sync_copy(src_hbm.at[pl.ds(toff, c)], idxs[0])
        pltpu.sync_copy(e_hbm.at[pl.ds(toff, c)], ebuf.at[pl.ds(0, c)])
        pltpu.sync_copy(ebuf.at[pl.ds(0, c)], acc_s.at[idxs[0]], add=True)
        plsc.subcore_barrier()

        def dump(r0, nr):
            @pl.when(cid == 0)
            def _():
                pltpu.sync_copy(acc_s.at[pl.ds(r0, nr)],
                                s0_hbm.at[pl.ds(r0, nr)])

            @pl.when(cid == 1)
            def _():
                pltpu.sync_copy(acc_s.at[pl.ds(r0, nr)],
                                s1_hbm.at[pl.ds(r0, nr)])

        for kk in range(nzc // ns + 1):
            j = sid + kk * ns

            @pl.when(j < nzc)
            def _():
                dump(j * 128, 128)

        @pl.when(sid == 0)
        def _():
            dump(nzc * 128, N - nzc * 128)

    return k(e, src, zeros_h)


def _stage4b(src, zeros_h, ones_h):
    info = plsc.get_sparse_core_info()
    nc, ns = info.num_cores, info.num_subcores
    nw = nc * ns
    ew = E // nw
    c = 80
    nch = ew // c
    mesh = plsc.VectorSubcoreMesh(core_axis_name="c", subcore_axis_name="s")

    @functools.partial(
        pl.kernel,
        out_type=[
            jax.ShapeDtypeStruct((N, H), jnp.float32),
            jax.ShapeDtypeStruct((N, H), jnp.float32),
        ],
        mesh=mesh,
        scratch_types=[
            pltpu.VMEM_SHARED((N, H), jnp.float32),
            [pltpu.VMEM((c,), jnp.int32) for _ in range(5)],
            pltpu.VMEM((c, H), jnp.float32),
            pltpu.SemaphoreType.DMA,
        ],
    )
    def k(src_hbm, zh_hbm, ones_hbm, c0_hbm, c1_hbm, acc_s, idxs, obuf,
          semi):
        cid = lax.axis_index("c")
        sid = lax.axis_index("s")
        wid = sid * nc + cid
        base = wid * ew
        pltpu.sync_copy(ones_hbm, obuf)

        nzc = N // 128
        for kk in range(nzc // ns + 1):
            j = sid + kk * ns

            @pl.when(j < nzc)
            def _():
                pltpu.sync_copy(zh_hbm.at[pl.ds(j * 128, 128)],
                                acc_s.at[pl.ds(j * 128, 128)])

        @pl.when(sid == 0)
        def _():
            pltpu.sync_copy(zh_hbm.at[pl.ds(nzc * 128, N - nzc * 128)],
                            acc_s.at[pl.ds(nzc * 128, N - nzc * 128)])

        plsc.subcore_barrier()

        def group(g, carry):
            goff = base + g * (5 * c)
            cpi = [pltpu.async_copy(src_hbm.at[pl.ds(goff + b * c, c)],
                                    idxs[b], semi) for b in range(5)]
            for cp in cpi:
                cp.wait()
            for b in range(5):
                pltpu.sync_copy(obuf, acc_s.at[idxs[b]], add=True)
            return carry

        lax.fori_loop(0, nch // 5, group, 0)
        plsc.subcore_barrier()

        def dump(r0, nr):
            @pl.when(cid == 0)
            def _():
                pltpu.sync_copy(acc_s.at[pl.ds(r0, nr)],
                                c0_hbm.at[pl.ds(r0, nr)])

            @pl.when(cid == 1)
            def _():
                pltpu.sync_copy(acc_s.at[pl.ds(r0, nr)],
                                c1_hbm.at[pl.ds(r0, nr)])

        for kk in range(nzc // ns + 1):
            j = sid + kk * ns

            @pl.when(j < nzc)
            def _():
                dump(j * 128, 128)

        @pl.when(sid == 0)
        def _():
            dump(nzc * 128, N - nzc * 128)

    return k(src, zeros_h, ones_h)


_NB5 = 2000


def _s5_body(h_ref, hn_ref, s0_ref, s1_ref, c0_ref, c1_ref, w1a_ref, w1b_ref,
             b1_ref, w2_ref, b2_ref, out_ref):
    sums = s0_ref[...] + s1_ref[...]
    cnt = c0_ref[:, 0:1] + c1_ref[:, 0:1]
    agg = sums / jnp.maximum(cnt, 1.0)
    t = _silu(_dot(hn_ref[...], w1a_ref[...]) + _dot(agg, w1b_ref[...])
              + b1_ref[...])
    out_ref[...] = h_ref[...] + _silu(_dot(t, w2_ref[...]) + b2_ref[...])


def _stage5(h, hn, s0, s1, c0, c1, w1a, w1b, b1, w2, b2):
    nblk = N // _NB5
    return pl.pallas_call(
        _s5_body,
        grid=(nblk,),
        in_specs=[
            pl.BlockSpec((_NB5, H), lambda i: (i, 0)),
            pl.BlockSpec((_NB5, H), lambda i: (i, 0)),
            pl.BlockSpec((_NB5, H), lambda i: (i, 0)),
            pl.BlockSpec((_NB5, H), lambda i: (i, 0)),
            pl.BlockSpec((_NB5, H), lambda i: (i, 0)),
            pl.BlockSpec((_NB5, H), lambda i: (i, 0)),
            pl.BlockSpec((H, H), lambda i: (0, 0)),
            pl.BlockSpec((H, H), lambda i: (0, 0)),
            pl.BlockSpec((1, H), lambda i: (0, 0)),
            pl.BlockSpec((H, H), lambda i: (0, 0)),
            pl.BlockSpec((1, H), lambda i: (0, 0)),
        ],
        out_specs=pl.BlockSpec((_NB5, H), lambda i: (i, 0)),
        out_shape=jax.ShapeDtypeStruct((N, H), jnp.float32),
    )(h, hn, s0, s1, c0, c1, w1a, w1b, b1, w2, b2)


def kernel(h, frac_coords, lattices, frac_diff,
           W_e1, b_e1, W_e2, b_e2, W_n1, b_n1, W_n2, b_n2,
           ln_g, ln_b, edge_index, edge2graph):
    src = edge_index[0]
    dst = edge_index[1]
    wa = W_e1[:H]
    wb = W_e1[H:2 * H]
    wc = W_e1[2 * H:2 * H + 9]
    wd = W_e1[2 * H + 9:]
    lat9 = lattices.reshape(G, 9)
    eg2 = edge2graph.reshape(E, 1)

    hn, p1, p2 = _stage1(h, ln_g.reshape(1, H), ln_b.reshape(1, H), wa, wb)
    pa, pb = _stage2(p1, p2, src, dst)
    e = _stage3(pa, pb, frac_diff, eg2, lat9, wc, b_e1.reshape(1, H),
                wd, W_e2, b_e2.reshape(1, H))
    zeros_h = jnp.zeros((N, H), jnp.float32)
    c0, c1 = _stage4b(src, zeros_h, jnp.ones((80, H), jnp.float32))
    s0, s1 = _stage4(e, src, zeros_h)
    out = _stage5(h, hn, s0, s1, c0, c1, W_n1[:H], W_n1[H:],
                  b_n1.reshape(1, H), W_n2, b_n2.reshape(1, H))
    return out

# --- scband reference (transcript-rebuilt; emitter-appended) ---
"""Pipeline reference for scband-csplayer-25280177504324 (READ-ONLY COPY).

The authoritative reference and input builder live on the scoring server;
editing this copy changes nothing except your own understanding.
"""

import jax, jax.numpy as jnp
import numpy as np

N = 10000
E = 320000
G = 64
H = 128
NF = 32
DIS = NF * 2 * 3
EIN = 2 * H + 9 + DIS


def _lin(k, fin, fout):
    k1, k2 = jax.random.split(k)
    lim = 1.0 / np.sqrt(fin)
    W = jax.random.uniform(k1, (fin, fout), jnp.float32, -lim, lim)
    b = jax.random.uniform(k2, (fout,), jnp.float32, -lim, lim)
    return W, b


def setup_inputs(seed: int = 0) -> dict:
    key = jax.random.key(seed)
    ks = jax.random.split(key, 12)
    h = jax.random.normal(ks[0], (N, H), jnp.float32)
    frac_coords = jax.random.uniform(ks[1], (N, 3), dtype=jnp.float32)
    lattices = jax.random.normal(ks[2], (G, 3, 3), jnp.float32)
    edge_index = jax.random.randint(ks[3], (2, E), 0, N)
    edge2graph = jnp.sort(jax.random.randint(ks[4], (E,), 0, G))
    frac_diff = jax.random.uniform(ks[5], (E, 3), dtype=jnp.float32)
    W_e1, b_e1 = _lin(ks[6], EIN, H)
    W_e2, b_e2 = _lin(ks[7], H, H)
    W_n1, b_n1 = _lin(ks[8], 2 * H, H)
    W_n2, b_n2 = _lin(ks[9], H, H)
    ln_g = jnp.ones((H,), jnp.float32)
    ln_b = jnp.zeros((H,), jnp.float32)
    return {
        'h': h, 'frac_coords': frac_coords, 'lattices': lattices,
        'frac_diff': frac_diff,
        'W_e1': W_e1, 'b_e1': b_e1, 'W_e2': W_e2, 'b_e2': b_e2,
        'W_n1': W_n1, 'b_n1': b_n1, 'W_n2': W_n2, 'b_n2': b_n2,
        'ln_g': ln_g, 'ln_b': ln_b,
        'edge_index': edge_index, 'edge2graph': edge2graph,
    }


def reference(h, frac_coords, lattices, frac_diff,
              W_e1, b_e1, W_e2, b_e2, W_n1, b_n1, W_n2, b_n2,
              ln_g, ln_b, edge_index, edge2graph):
    silu = jax.nn.silu
    h_in = h
    # LayerNorm (ln=True)
    mu = jnp.mean(h, axis=-1, keepdims=True)
    var = jnp.mean((h - mu) ** 2, axis=-1, keepdims=True)
    hn = (h - mu) / jnp.sqrt(var + 1e-5) * ln_g + ln_b
    hi = hn[edge_index[0]]
    hj = hn[edge_index[1]]
    # ip=True: lattice inner products
    lat_ip = jnp.matmul(lattices, jnp.swapaxes(lattices, -1, -2))
    lat_ip_edges = lat_ip.reshape(-1, 9)[edge2graph]
    # SinusoidsEmbedding
    freqs = 2.0 * np.pi * jnp.arange(NF, dtype=jnp.float32)
    emb = frac_diff[:, :, None] * freqs[None, None, :]
    emb = emb.reshape(-1, NF * 3)
    frac_diff_emb = jnp.concatenate([jnp.sin(emb), jnp.cos(emb)], axis=-1)
    # edge MLP
    e_in = jnp.concatenate([hi, hj, lat_ip_edges, frac_diff_emb], axis=1)
    e = silu(silu(e_in @ W_e1 + b_e1) @ W_e2 + b_e2)
    # scatter mean over source nodes
    src = edge_index[0]
    sums = jax.ops.segment_sum(e, src, num_segments=N)
    cnt = jax.ops.segment_sum(jnp.ones((E, 1), jnp.float32), src, num_segments=N)
    agg = sums / jnp.maximum(cnt, 1.0)
    # node MLP
    n_in = jnp.concatenate([hn, agg], axis=1)
    out = silu(silu(n_in @ W_n1 + b_n1) @ W_n2 + b_n2)
    return h_in + out

if __name__ == "__main__":
    import jax
    _d = setup_inputs()
    print(jax.jit(kernel)(*tuple(_d.values())))

</pallas_src>

<mosaic_0001>
#map = affine_map<(d0, d1) -> (0)>
#map1 = affine_map<(d0, d1) -> (0, 0)>
module attributes {stable_mosaic.version = 14 : i64} {
  func.func @k(%arg0: i32, %arg1: i32, %arg2: memref<320000xi32, #tpu.memory_space<hbm>>, %arg3: memref<10000x128xf32, #tpu.memory_space<hbm>>, %arg4: memref<80x128xf32, #tpu.memory_space<hbm>>, %arg5: memref<10000x128xf32, #tpu.memory_space<hbm>>, %arg6: memref<10000x128xf32, #tpu.memory_space<hbm>>, %arg7: memref<10000x128xf32, #tpu.memory_space<vmem_shared>>, %arg8: memref<80xi32, #tpu.memory_space<vmem>>, %arg9: memref<80xi32, #tpu.memory_space<vmem>>, %arg10: memref<80xi32, #tpu.memory_space<vmem>>, %arg11: memref<80xi32, #tpu.memory_space<vmem>>, %arg12: memref<80xi32, #tpu.memory_space<vmem>>, %arg13: memref<80x128xf32, #tpu.memory_space<vmem>>, %arg14: memref<!tpu.dma_semaphore, #tpu.memory_space<semaphore_mem>>) attributes {dimension_semantics = [#tpu.dimension_semantics<core_parallel>, #tpu.dimension_semantics<subcore_parallel>], iteration_bounds = array<i64: 2, 16>, scalar_prefetch = 0 : i64, scratch_operands = 8 : i64, tpu.core_type = #tpu.core_type<sc_vector_subcore>, window_params = [{transform_indices = #map}, {transform_indices = #map1}, {transform_indices = #map1}, {transform_indices = #map1}, {transform_indices = #map1}]} {
    %mul3A = arith.constant 2 : i32
    %mul3A_0 = arith.muli %arg1, %mul3A : i32
    %add3A = arith.addi %mul3A_0, %arg0 : i32
    %mul3A_1 = arith.constant 10000 : i32
    %mul3A_2 = arith.muli %add3A, %mul3A_1 : i32
    "tpu.region"() ({
      %run_scoped3A = tpu.sem_alloc : memref<!tpu.dma_semaphore, #tpu.memory_space<semaphore_mem>>
      tpu.enqueue_dma source(%arg4 : memref<80x128xf32, #tpu.memory_space<hbm>>) target(%arg13 : memref<80x128xf32, #tpu.memory_space<vmem>>) target_semaphore(%run_scoped3A : memref<!tpu.dma_semaphore, #tpu.memory_space<semaphore_mem>>)
      tpu.wait_dma2 semaphore(%run_scoped3A : memref<!tpu.dma_semaphore, #tpu.memory_space<semaphore_mem>>) src(%arg4 : memref<80x128xf32, #tpu.memory_space<hbm>>) dst(%arg13 : memref<80x128xf32, #tpu.memory_space<vmem>>)
      tpu.yield
    }) : () -> ()
    %add3A_3 = arith.constant 0 : i32
    %add3A_4 = arith.addi %arg1, %add3A_3 : i32
    %lt3A = arith.constant 78 : i32
    %lt3A_5 = arith.cmpi slt, %add3A_4, %lt3A : i32
    %convert_element_type3A = arith.extui %lt3A_5 : i1 to i32
    %cond3A = arith.constant 0 : i32
    %cond3A_6 = arith.cmpi ne, %convert_element_type3A, %cond3A : i32
    scf.if %cond3A_6 {
      %mul3A_85 = arith.constant 128 : i32
      %mul3A_86 = arith.muli %add3A_4, %mul3A_85 : i32
      %mul3A_87 = arith.constant 128 : i32
      %mul3A_88 = arith.muli %add3A_4, %mul3A_87 : i32
      "tpu.region"() ({
        %run_scoped3A = tpu.sem_alloc : memref<!tpu.dma_semaphore, #tpu.memory_space<semaphore_mem>>
        %dma_start3A = arith.constant 0 : i32
        %dma_start3A_89 = tpu.memref_slice %arg7[%mul3A_88, %dma_start3A] : memref<10000x128xf32, #tpu.memory_space<vmem_shared>> -> memref<128x128xf32, #tpu.memory_space<vmem_shared>>
        %dma_start3A_90 = arith.constant 0 : i32
        %dma_start3A_91 = tpu.memref_slice %arg3[%mul3A_86, %dma_start3A_90] : memref<10000x128xf32, #tpu.memory_space<hbm>> -> memref<128x128xf32, #tpu.memory_space<hbm>>
        tpu.enqueue_dma source(%dma_start3A_91 : memref<128x128xf32, #tpu.memory_space<hbm>>) target(%dma_start3A_89 : memref<128x128xf32, #tpu.memory_space<vmem_shared>>) target_semaphore(%run_scoped3A : memref<!tpu.dma_semaphore, #tpu.memory_space<semaphore_mem>>)
        %dma_wait3A = arith.constant 0 : i32
        %dma_wait3A_92 = tpu.memref_slice %arg7[%mul3A_88, %dma_wait3A] : memref<10000x128xf32, #tpu.memory_space<vmem_shared>> -> memref<128x128xf32, #tpu.memory_space<vmem_shared>>
        %dma_wait3A_93 = arith.constant 0 : i32
        %dma_wait3A_94 = tpu.memref_slice %arg3[%mul3A_86, %dma_wait3A_93] : memref<10000x128xf32, #tpu.memory_space<hbm>> -> memref<128x128xf32, #tpu.memory_space<hbm>>
        tpu.wait_dma2 semaphore(%run_scoped3A : memref<!tpu.dma_semaphore, #tpu.memory_space<semaphore_mem>>) src(%dma_wait3A_94 : memref<128x128xf32, #tpu.memory_space<hbm>>) dst(%dma_wait3A_92 : memref<128x128xf32, #tpu.memory_space<vmem_shared>>)
        tpu.yield
      }) : () -> ()
    } else {
    }
    %add3A_7 = arith.constant 16 : i32
    %add3A_8 = arith.addi %arg1, %add3A_7 : i32
    %lt3A_9 = arith.constant 78 : i32
    %lt3A_10 = arith.cmpi slt, %add3A_8, %lt3A_9 : i32
    %convert_element_type3A_11 = arith.extui %lt3A_10 : i1 to i32
    %cond3A_12 = arith.constant 0 : i32
    %cond3A_13 = arith.cmpi ne, %convert_element_type3A_11, %cond3A_12 : i32
    scf.if %cond3A_13 {
      %mul3A_85 = arith.constant 128 : i32
      %mul3A_86 = arith.muli %add3A_8, %mul3A_85 : i32
      %mul3A_87 = arith.constant 128 : i32
      %mul3A_88 = arith.muli %add3A_8, %mul3A_87 : i32
      "tpu.region"() ({
        %run_scoped3A = tpu.sem_alloc : memref<!tpu.dma_semaphore, #tpu.memory_space<semaphore_mem>>
        %dma_start3A = arith.constant 0 : i32
        %dma_start3A_89 = tpu.memref_slice %arg7[%mul3A_88, %dma_start3A] : memref<10000x128xf32, #tpu.memory_space<vmem_shared>> -> memref<128x128xf32, #tpu.memory_space<vmem_shared>>
        %dma_start3A_90 = arith.constant 0 : i32
        %dma_start3A_91 = tpu.memref_slice %arg3[%mul3A_86, %dma_start3A_90] : memref<10000x128xf32, #tpu.memory_space<hbm>> -> memref<128x128xf32, #tpu.memory_space<hbm>>
        tpu.enqueue_dma source(%dma_start3A_91 : memref<128x128xf32, #tpu.memory_space<hbm>>) target(%dma_start3A_89 : memref<128x128xf32, #tpu.memory_space<vmem_shared>>) target_semaphore(%run_scoped3A : memref<!tpu.dma_semaphore, #tpu.memory_space<semaphore_mem>>)
        %dma_wait3A = arith.constant 0 : i32
        %dma_wait3A_92 = tpu.memref_slice %arg7[%mul3A_88, %dma_wait3A] : memref<10000x128xf32, #tpu.memory_space<vmem_shared>> -> memref<128x128xf32, #tpu.memory_space<vmem_shared>>
        %dma_wait3A_93 = arith.constant 0 : i32
        %dma_wait3A_94 = tpu.memref_slice %arg3[%mul3A_86, %dma_wait3A_93] : memref<10000x128xf32, #tpu.memory_space<hbm>> -> memref<128x128xf32, #tpu.memory_space<hbm>>
        tpu.wait_dma2 semaphore(%run_scoped3A : memref<!tpu.dma_semaphore, #tpu.memory_space<semaphore_mem>>) src(%dma_wait3A_94 : memref<128x128xf32, #tpu.memory_space<hbm>>) dst(%dma_wait3A_92 : memref<128x128xf32, #tpu.memory_space<vmem_shared>>)
        tpu.yield
      }) : () -> ()
    } else {
    }
    %add3A_14 = arith.constant 32 : i32
    %add3A_15 = arith.addi %arg1, %add3A_14 : i32
    %lt3A_16 = arith.constant 78 : i32
    %lt3A_17 = arith.cmpi slt, %add3A_15, %lt3A_16 : i32
    %convert_element_type3A_18 = arith.extui %lt3A_17 : i1 to i32
    %cond3A_19 = arith.constant 0 : i32
    %cond3A_20 = arith.cmpi ne, %convert_element_type3A_18, %cond3A_19 : i32
    scf.if %cond3A_20 {
      %mul3A_85 = arith.constant 128 : i32
      %mul3A_86 = arith.muli %add3A_15, %mul3A_85 : i32
      %mul3A_87 = arith.constant 128 : i32
      %mul3A_88 = arith.muli %add3A_15, %mul3A_87 : i32
      "tpu.region"() ({
        %run_scoped3A = tpu.sem_alloc : memref<!tpu.dma_semaphore, #tpu.memory_space<semaphore_mem>>
        %dma_start3A = arith.constant 0 : i32
        %dma_start3A_89 = tpu.memref_slice %arg7[%mul3A_88, %dma_start3A] : memref<10000x128xf32, #tpu.memory_space<vmem_shared>> -> memref<128x128xf32, #tpu.memory_space<vmem_shared>>
        %dma_start3A_90 = arith.constant 0 : i32
        %dma_start3A_91 = tpu.memref_slice %arg3[%mul3A_86, %dma_start3A_90] : memref<10000x128xf32, #tpu.memory_space<hbm>> -> memref<128x128xf32, #tpu.memory_space<hbm>>
        tpu.enqueue_dma source(%dma_start3A_91 : memref<128x128xf32, #tpu.memory_space<hbm>>) target(%dma_start3A_89 : memref<128x128xf32, #tpu.memory_space<vmem_shared>>) target_semaphore(%run_scoped3A : memref<!tpu.dma_semaphore, #tpu.memory_space<semaphore_mem>>)
        %dma_wait3A = arith.constant 0 : i32
        %dma_wait3A_92 = tpu.memref_slice %arg7[%mul3A_88, %dma_wait3A] : memref<10000x128xf32, #tpu.memory_space<vmem_shared>> -> memref<128x128xf32, #tpu.memory_space<vmem_shared>>
        %dma_wait3A_93 = arith.constant 0 : i32
        %dma_wait3A_94 = tpu.memref_slice %arg3[%mul3A_86, %dma_wait3A_93] : memref<10000x128xf32, #tpu.memory_space<hbm>> -> memref<128x128xf32, #tpu.memory_space<hbm>>
        tpu.wait_dma2 semaphore(%run_scoped3A : memref<!tpu.dma_semaphore, #tpu.memory_space<semaphore_mem>>) src(%dma_wait3A_94 : memref<128x128xf32, #tpu.memory_space<hbm>>) dst(%dma_wait3A_92 : memref<128x128xf32, #tpu.memory_space<vmem_shared>>)
        tpu.yield
      }) : () -> ()
    } else {
    }
    %add3A_21 = arith.constant 48 : i32
    %add3A_22 = arith.addi %arg1, %add3A_21 : i32
    %lt3A_23 = arith.constant 78 : i32
    %lt3A_24 = arith.cmpi slt, %add3A_22, %lt3A_23 : i32
    %convert_element_type3A_25 = arith.extui %lt3A_24 : i1 to i32
    %cond3A_26 = arith.constant 0 : i32
    %cond3A_27 = arith.cmpi ne, %convert_element_type3A_25, %cond3A_26 : i32
    scf.if %cond3A_27 {
      %mul3A_85 = arith.constant 128 : i32
      %mul3A_86 = arith.muli %add3A_22, %mul3A_85 : i32
      %mul3A_87 = arith.constant 128 : i32
      %mul3A_88 = arith.muli %add3A_22, %mul3A_87 : i32
      "tpu.region"() ({
        %run_scoped3A = tpu.sem_alloc : memref<!tpu.dma_semaphore, #tpu.memory_space<semaphore_mem>>
        %dma_start3A = arith.constant 0 : i32
        %dma_start3A_89 = tpu.memref_slice %arg7[%mul3A_88, %dma_start3A] : memref<10000x128xf32, #tpu.memory_space<vmem_shared>> -> memref<128x128xf32, #tpu.memory_space<vmem_shared>>
        %dma_start3A_90 = arith.constant 0 : i32
        %dma_start3A_91 = tpu.memref_slice %arg3[%mul3A_86, %dma_start3A_90] : memref<10000x128xf32, #tpu.memory_space<hbm>> -> memref<128x128xf32, #tpu.memory_space<hbm>>
        tpu.enqueue_dma source(%dma_start3A_91 : memref<128x128xf32, #tpu.memory_space<hbm>>) target(%dma_start3A_89 : memref<128x128xf32, #tpu.memory_space<vmem_shared>>) target_semaphore(%run_scoped3A : memref<!tpu.dma_semaphore, #tpu.memory_space<semaphore_mem>>)
        %dma_wait3A = arith.constant 0 : i32
        %dma_wait3A_92 = tpu.memref_slice %arg7[%mul3A_88, %dma_wait3A] : memref<10000x128xf32, #tpu.memory_space<vmem_shared>> -> memref<128x128xf32, #tpu.memory_space<vmem_shared>>
        %dma_wait3A_93 = arith.constant 0 : i32
        %dma_wait3A_94 = tpu.memref_slice %arg3[%mul3A_86, %dma_wait3A_93] : memref<10000x128xf32, #tpu.memory_space<hbm>> -> memref<128x128xf32, #tpu.memory_space<hbm>>
        tpu.wait_dma2 semaphore(%run_scoped3A : memref<!tpu.dma_semaphore, #tpu.memory_space<semaphore_mem>>) src(%dma_wait3A_94 : memref<128x128xf32, #tpu.memory_space<hbm>>) dst(%dma_wait3A_92 : memref<128x128xf32, #tpu.memory_space<vmem_shared>>)
        tpu.yield
      }) : () -> ()
    } else {
    }
    %add3A_28 = arith.constant 64 : i32
    %add3A_29 = arith.addi %arg1, %add3A_28 : i32
    %lt3A_30 = arith.constant 78 : i32
    %lt3A_31 = arith.cmpi slt, %add3A_29, %lt3A_30 : i32
    %convert_element_type3A_32 = arith.extui %lt3A_31 : i1 to i32
    %cond3A_33 = arith.constant 0 : i32
    %cond3A_34 = arith.cmpi ne, %convert_element_type3A_32, %cond3A_33 : i32
    scf.if %cond3A_34 {
      %mul3A_85 = arith.constant 128 : i32
      %mul3A_86 = arith.muli %add3A_29, %mul3A_85 : i32
      %mul3A_87 = arith.constant 128 : i32
      %mul3A_88 = arith.muli %add3A_29, %mul3A_87 : i32
      "tpu.region"() ({
        %run_scoped3A = tpu.sem_alloc : memref<!tpu.dma_semaphore, #tpu.memory_space<semaphore_mem>>
        %dma_start3A = arith.constant 0 : i32
        %dma_start3A_89 = tpu.memref_slice %arg7[%mul3A_88, %dma_start3A] : memref<10000x128xf32, #tpu.memory_space<vmem_shared>> -> memref<128x128xf32, #tpu.memory_space<vmem_shared>>
        %dma_start3A_90 = arith.constant 0 : i32
        %dma_start3A_91 = tpu.memref_slice %arg3[%mul3A_86, %dma_start3A_90] : memref<10000x128xf32, #tpu.memory_space<hbm>> -> memref<128x128xf32, #tpu.memory_space<hbm>>
        tpu.enqueue_dma source(%dma_start3A_91 : memref<128x128xf32, #tpu.memory_space<hbm>>) target(%dma_start3A_89 : memref<128x128xf32, #tpu.memory_space<vmem_shared>>) target_semaphore(%run_scoped3A : memref<!tpu.dma_semaphore, #tpu.memory_space<semaphore_mem>>)
        %dma_wait3A = arith.constant 0 : i32
        %dma_wait3A_92 = tpu.memref_slice %arg7[%mul3A_88, %dma_wait3A] : memref<10000x128xf32, #tpu.memory_space<vmem_shared>> -> memref<128x128xf32, #tpu.memory_space<vmem_shared>>
        %dma_wait3A_93 = arith.constant 0 : i32
        %dma_wait3A_94 = tpu.memref_slice %arg3[%mul3A_86, %dma_wait3A_93] : memref<10000x128xf32, #tpu.memory_space<hbm>> -> memref<128x128xf32, #tpu.memory_space<hbm>>
        tpu.wait_dma2 semaphore(%run_scoped3A : memref<!tpu.dma_semaphore, #tpu.memory_space<semaphore_mem>>) src(%dma_wait3A_94 : memref<128x128xf32, #tpu.memory_space<hbm>>) dst(%dma_wait3A_92 : memref<128x128xf32, #tpu.memory_space<vmem_shared>>)
        tpu.yield
      }) : () -> ()
    } else {
    }
    %eq3A = arith.constant 0 : i32
    %eq3A_35 = arith.cmpi eq, %arg1, %eq3A : i32
    %convert_element_type3A_36 = arith.extui %eq3A_35 : i1 to i32
    %cond3A_37 = arith.constant 0 : i32
    %cond3A_38 = arith.cmpi ne, %convert_element_type3A_36, %cond3A_37 : i32
    scf.if %cond3A_38 {
      "tpu.region"() ({
        %run_scoped3A = tpu.sem_alloc : memref<!tpu.dma_semaphore, #tpu.memory_space<semaphore_mem>>
        %dma_start3A = arith.constant 9984 : i32
        %dma_start3A_85 = arith.constant 0 : i32
        %dma_start3A_86 = tpu.memref_slice %arg7[%dma_start3A, %dma_start3A_85] : memref<10000x128xf32, #tpu.memory_space<vmem_shared>> -> memref<16x128xf32, #tpu.memory_space<vmem_shared>>
        %dma_start3A_87 = arith.constant 9984 : i32
        %dma_start3A_88 = arith.constant 0 : i32
        %dma_start3A_89 = tpu.memref_slice %arg3[%dma_start3A_87, %dma_start3A_88] : memref<10000x128xf32, #tpu.memory_space<hbm>> -> memref<16x128xf32, #tpu.memory_space<hbm>>
        tpu.enqueue_dma source(%dma_start3A_89 : memref<16x128xf32, #tpu.memory_space<hbm>>) target(%dma_start3A_86 : memref<16x128xf32, #tpu.memory_space<vmem_shared>>) target_semaphore(%run_scoped3A : memref<!tpu.dma_semaphore, #tpu.memory_space<semaphore_mem>>)
        %dma_wait3A = arith.constant 9984 : i32
        %dma_wait3A_90 = arith.constant 0 : i32
        %dma_wait3A_91 = tpu.memref_slice %arg7[%dma_wait3A, %dma_wait3A_90] : memref<10000x128xf32, #tpu.memory_space<vmem_shared>> -> memref<16x128xf32, #tpu.memory_space<vmem_shared>>
        %dma_wait3A_92 = arith.constant 9984 : i32
        %dma_wait3A_93 = arith.constant 0 : i32
        %dma_wait3A_94 = tpu.memref_slice %arg3[%dma_wait3A_92, %dma_wait3A_93] : memref<10000x128xf32, #tpu.memory_space<hbm>> -> memref<16x128xf32, #tpu.memory_space<hbm>>
        tpu.wait_dma2 semaphore(%run_scoped3A : memref<!tpu.dma_semaphore, #tpu.memory_space<semaphore_mem>>) src(%dma_wait3A_94 : memref<16x128xf32, #tpu.memory_space<hbm>>) dst(%dma_wait3A_91 : memref<16x128xf32, #tpu.memory_space<vmem_shared>>)
        tpu.yield
      }) : () -> ()
    } else {
    }
    %barrier3A = arith.constant 0 : index
    tpu.barrier barrier_id(%barrier3A)
    %scan3A = arith.constant 0 : i32
    %scan3A_39 = arith.constant 0 : i32
    %scan3A_40 = arith.constant 25 : i32
    %scan3A_41 = arith.addi %scan3A_39, %scan3A_40 : i32
    %scan3A_42 = arith.constant 1 : i32
    scf.for %scan3A_85 = %scan3A_39 to %scan3A_41 step %scan3A_42  : i32 {
      %mul3A_86 = arith.constant 400 : i32
      %mul3A_87 = arith.muli %scan3A_85, %mul3A_86 : i32
      %add3A_88 = arith.addi %mul3A_2, %mul3A_87 : i32
      %add3A_89 = arith.constant 0 : i32
      %add3A_90 = arith.addi %add3A_88, %add3A_89 : i32
      %dma_start3A = tpu.memref_slice %arg2[%add3A_90] : memref<320000xi32, #tpu.memory_space<hbm>> -> memref<80xi32, #tpu.memory_space<hbm>>
      %dma_start3A_91 = tpu.memref_slice %arg2[%add3A_90] : memref<320000xi32, #tpu.memory_space<hbm>> -> memref<80xi32, #tpu.memory_space<hbm>>
      tpu.enqueue_dma source(%dma_start3A_91 : memref<80xi32, #tpu.memory_space<hbm>>) target(%arg8 : memref<80xi32, #tpu.memory_space<vmem>>) target_semaphore(%arg14 : memref<!tpu.dma_semaphore, #tpu.memory_space<semaphore_mem>>)
      %add3A_92 = arith.constant 80 : i32
      %add3A_93 = arith.addi %add3A_88, %add3A_92 : i32
      %dma_start3A_94 = tpu.memref_slice %arg2[%add3A_93] : memref<320000xi32, #tpu.memory_space<hbm>> -> memref<80xi32, #tpu.memory_space<hbm>>
      %dma_start3A_95 = tpu.memref_slice %arg2[%add3A_93] : memref<320000xi32, #tpu.memory_space<hbm>> -> memref<80xi32, #tpu.memory_space<hbm>>
      tpu.enqueue_dma source(%dma_start3A_95 : memref<80xi32, #tpu.memory_space<hbm>>) target(%arg9 : memref<80xi32, #tpu.memory_space<vmem>>) target_semaphore(%arg14 : memref<!tpu.dma_semaphore, #tpu.memory_space<semaphore_mem>>)
      %add3A_96 = arith.constant 160 : i32
      %add3A_97 = arith.addi %add3A_88, %add3A_96 : i32
      %dma_start3A_98 = tpu.memref_slice %arg2[%add3A_97] : memref<320000xi32, #tpu.memory_space<hbm>> -> memref<80xi32, #tpu.memory_space<hbm>>
      %dma_start3A_99 = tpu.memref_slice %arg2[%add3A_97] : memref<320000xi32, #tpu.memory_space<hbm>> -> memref<80xi32, #tpu.memory_space<hbm>>
      tpu.enqueue_dma source(%dma_start3A_99 : memref<80xi32, #tpu.memory_space<hbm>>) target(%arg10 : memref<80xi32, #tpu.memory_space<vmem>>) target_semaphore(%arg14 : memref<!tpu.dma_semaphore, #tpu.memory_space<semaphore_mem>>)
      %add3A_100 = arith.constant 240 : i32
      %add3A_101 = arith.addi %add3A_88, %add3A_100 : i32
      %dma_start3A_102 = tpu.memref_slice %arg2[%add3A_101] : memref<320000xi32, #tpu.memory_space<hbm>> -> memref<80xi32, #tpu.memory_space<hbm>>
      %dma_start3A_103 = tpu.memref_slice %arg2[%add3A_101] : memref<320000xi32, #tpu.memory_space<hbm>> -> memref<80xi32, #tpu.memory_space<hbm>>
      tpu.enqueue_dma source(%dma_start3A_103 : memref<80xi32, #tpu.memory_space<hbm>>) target(%arg11 : memref<80xi32, #tpu.memory_space<vmem>>) target_semaphore(%arg14 : memref<!tpu.dma_semaphore, #tpu.memory_space<semaphore_mem>>)
      %add3A_104 = arith.constant 320 : i32
      %add3A_105 = arith.addi %add3A_88, %add3A_104 : i32
      %dma_start3A_106 = tpu.memref_slice %arg2[%add3A_105] : memref<320000xi32, #tpu.memory_space<hbm>> -> memref<80xi32, #tpu.memory_space<hbm>>
      %dma_start3A_107 = tpu.memref_slice %arg2[%add3A_105] : memref<320000xi32, #tpu.memory_space<hbm>> -> memref<80xi32, #tpu.memory_space<hbm>>
      tpu.enqueue_dma source(%dma_start3A_107 : memref<80xi32, #tpu.memory_space<hbm>>) target(%arg12 : memref<80xi32, #tpu.memory_space<vmem>>) target_semaphore(%arg14 : memref<!tpu.dma_semaphore, #tpu.memory_space<semaphore_mem>>)
      %dma_wait3A = tpu.memref_slice %arg2[%add3A_90] : memref<320000xi32, #tpu.memory_space<hbm>> -> memref<80xi32, #tpu.memory_space<hbm>>
      %dma_wait3A_108 = tpu.memref_slice %arg2[%add3A_90] : memref<320000xi32, #tpu.memory_space<hbm>> -> memref<80xi32, #tpu.memory_space<hbm>>
      tpu.wait_dma2 semaphore(%arg14 : memref<!tpu.dma_semaphore, #tpu.memory_space<semaphore_mem>>) src(%dma_wait3A_108 : memref<80xi32, #tpu.memory_space<hbm>>) dst(%arg8 : memref<80xi32, #tpu.memory_space<vmem>>)
      %dma_wait3A_109 = tpu.memref_slice %arg2[%add3A_93] : memref<320000xi32, #tpu.memory_space<hbm>> -> memref<80xi32, #tpu.memory_space<hbm>>
      %dma_wait3A_110 = tpu.memref_slice %arg2[%add3A_93] : memref<320000xi32, #tpu.memory_space<hbm>> -> memref<80xi32, #tpu.memory_space<hbm>>
      tpu.wait_dma2 semaphore(%arg14 : memref<!tpu.dma_semaphore, #tpu.memory_space<semaphore_mem>>) src(%dma_wait3A_110 : memref<80xi32, #tpu.memory_space<hbm>>) dst(%arg9 : memref<80xi32, #tpu.memory_space<vmem>>)
      %dma_wait3A_111 = tpu.memref_slice %arg2[%add3A_97] : memref<320000xi32, #tpu.memory_space<hbm>> -> memref<80xi32, #tpu.memory_space<hbm>>
      %dma_wait3A_112 = tpu.memref_slice %arg2[%add3A_97] : memref<320000xi32, #tpu.memory_space<hbm>> -> memref<80xi32, #tpu.memory_space<hbm>>
      tpu.wait_dma2 semaphore(%arg14 : memref<!tpu.dma_semaphore, #tpu.memory_space<semaphore_mem>>) src(%dma_wait3A_112 : memref<80xi32, #tpu.memory_space<hbm>>) dst(%arg10 : memref<80xi32, #tpu.memory_space<vmem>>)
      %dma_wait3A_113 = tpu.memref_slice %arg2[%add3A_101] : memref<320000xi32, #tpu.memory_space<hbm>> -> memref<80xi32, #tpu.memory_space<hbm>>
      %dma_wait3A_114 = tpu.memref_slice %arg2[%add3A_101] : memref<320000xi32, #tpu.memory_space<hbm>> -> memref<80xi32, #tpu.memory_space<hbm>>
      tpu.wait_dma2 semaphore(%arg14 : memref<!tpu.dma_semaphore, #tpu.memory_space<semaphore_mem>>) src(%dma_wait3A_114 : memref<80xi32, #tpu.memory_space<hbm>>) dst(%arg11 : memref<80xi32, #tpu.memory_space<vmem>>)
      %dma_wait3A_115 = tpu.memref_slice %arg2[%add3A_105] : memref<320000xi32, #tpu.memory_space<hbm>> -> memref<80xi32, #tpu.memory_space<hbm>>
      %dma_wait3A_116 = tpu.memref_slice %arg2[%add3A_105] : memref<320000xi32, #tpu.memory_space<hbm>> -> memref<80xi32, #tpu.memory_space<hbm>>
      tpu.wait_dma2 semaphore(%arg14 : memref<!tpu.dma_semaphore, #tpu.memory_space<semaphore_mem>>) src(%dma_wait3A_116 : memref<80xi32, #tpu.memory_space<hbm>>) dst(%arg12 : memref<80xi32, #tpu.memory_space<vmem>>)
      "tpu.region"() ({
        %run_scoped3A = tpu.sem_alloc : memref<!tpu.dma_semaphore, #tpu.memory_space<semaphore_mem>>
        %dma_start3A_117 = arith.constant 0 : i32
        %dma_start3A_118 = arith.constant 0 : i32
        %dma_start3A_119 = tpu.memref_slice %arg7[%dma_start3A_117, %dma_start3A_118] : memref<10000x128xf32, #tpu.memory_space<vmem_shared>> -> memref<10000x128xf32, #tpu.memory_space<vmem_shared>>
        tpu.enqueue_indirect_dma source(%arg13 : memref<80x128xf32, #tpu.memory_space<vmem>>) target(%dma_start3A_119 : memref<10000x128xf32, #tpu.memory_space<vmem_shared>>) offsets(%arg8 : memref<80xi32, #tpu.memory_space<vmem>>) semaphore(%run_scoped3A : memref<!tpu.dma_semaphore, #tpu.memory_space<semaphore_mem>>) {add = true}
        %dma_wait3A_120 = arith.constant 0 : i32
        %dma_wait3A_121 = arith.constant 0 : i32
        %dma_wait3A_122 = tpu.memref_slice %arg7[%dma_wait3A_120, %dma_wait3A_121] : memref<10000x128xf32, #tpu.memory_space<vmem_shared>> -> memref<10000x128xf32, #tpu.memory_space<vmem_shared>>
        tpu.wait_indirect_dma semaphore(%run_scoped3A : memref<!tpu.dma_semaphore, #tpu.memory_space<semaphore_mem>>) src(%arg13 : memref<80x128xf32, #tpu.memory_space<vmem>>) dst(%dma_wait3A_122 : memref<10000x128xf32, #tpu.memory_space<vmem_shared>>)
        tpu.yield
      }) : () -> ()
      "tpu.region"() ({
        %run_scoped3A = tpu.sem_alloc : memref<!tpu.dma_semaphore, #tpu.memory_space<semaphore_mem>>
        %dma_start3A_117 = arith.constant 0 : i32
        %dma_start3A_118 = arith.constant 0 : i32
        %dma_start3A_119 = tpu.memref_slice %arg7[%dma_start3A_117, %dma_start3A_118] : memref<10000x128xf32, #tpu.memory_space<vmem_shared>> -> memref<10000x128xf32, #tpu.memory_space<vmem_shared>>
        tpu.enqueue_indirect_dma source(%arg13 : memref<80x128xf32, #tpu.memory_space<vmem>>) target(%dma_start3A_119 : memref<10000x128xf32, #tpu.memory_space<vmem_shared>>) offsets(%arg9 : memref<80xi32, #tpu.memory_space<vmem>>) semaphore(%run_scoped3A : memref<!tpu.dma_semaphore, #tpu.memory_space<semaphore_mem>>) {add = true}
        %dma_wait3A_120 = arith.constant 0 : i32
        %dma_wait3A_121 = arith.constant 0 : i32
        %dma_wait3A_122 = tpu.memref_slice %arg7[%dma_wait3A_120, %dma_wait3A_121] : memref<10000x128xf32, #tpu.memory_space<vmem_shared>> -> memref<10000x128xf32, #tpu.memory_space<vmem_shared>>
        tpu.wait_indirect_dma semaphore(%run_scoped3A : memref<!tpu.dma_semaphore, #tpu.memory_space<semaphore_mem>>) src(%arg13 : memref<80x128xf32, #tpu.memory_space<vmem>>) dst(%dma_wait3A_122 : memref<10000x128xf32, #tpu.memory_space<vmem_shared>>)
        tpu.yield
      }) : () -> ()
      "tpu.region"() ({
        %run_scoped3A = tpu.sem_alloc : memref<!tpu.dma_semaphore, #tpu.memory_space<semaphore_mem>>
        %dma_start3A_117 = arith.constant 0 : i32
        %dma_start3A_118 = arith.constant 0 : i32
        %dma_start3A_119 = tpu.memref_slice %arg7[%dma_start3A_117, %dma_start3A_118] : memref<10000x128xf32, #tpu.memory_space<vmem_shared>> -> memref<10000x128xf32, #tpu.memory_space<vmem_shared>>
        tpu.enqueue_indirect_dma source(%arg13 : memref<80x128xf32, #tpu.memory_space<vmem>>) target(%dma_start3A_119 : memref<10000x128xf32, #tpu.memory_space<vmem_shared>>) offsets(%arg10 : memref<80xi32, #tpu.memory_space<vmem>>) semaphore(%run_scoped3A : memref<!tpu.dma_semaphore, #tpu.memory_space<semaphore_mem>>) {add = true}
        %dma_wait3A_120 = arith.constant 0 : i32
        %dma_wait3A_121 = arith.constant 0 : i32
        %dma_wait3A_122 = tpu.memref_slice %arg7[%dma_wait3A_120, %dma_wait3A_121] : memref<10000x128xf32, #tpu.memory_space<vmem_shared>> -> memref<10000x128xf32, #tpu.memory_space<vmem_shared>>
        tpu.wait_indirect_dma semaphore(%run_scoped3A : memref<!tpu.dma_semaphore, #tpu.memory_space<semaphore_mem>>) src(%arg13 : memref<80x128xf32, #tpu.memory_space<vmem>>) dst(%dma_wait3A_122 : memref<10000x128xf32, #tpu.memory_space<vmem_shared>>)
        tpu.yield
      }) : () -> ()
      "tpu.region"() ({
        %run_scoped3A = tpu.sem_alloc : memref<!tpu.dma_semaphore, #tpu.memory_space<semaphore_mem>>
        %dma_start3A_117 = arith.constant 0 : i32
        %dma_start3A_118 = arith.constant 0 : i32
        %dma_start3A_119 = tpu.memref_slice %arg7[%dma_start3A_117, %dma_start3A_118] : memref<10000x128xf32, #tpu.memory_space<vmem_shared>> -> memref<10000x128xf32, #tpu.memory_space<vmem_shared>>
        tpu.enqueue_indirect_dma source(%arg13 : memref<80x128xf32, #tpu.memory_space<vmem>>) target(%dma_start3A_119 : memref<10000x128xf32, #tpu.memory_space<vmem_shared>>) offsets(%arg11 : memref<80xi32, #tpu.memory_space<vmem>>) semaphore(%run_scoped3A : memref<!tpu.dma_semaphore, #tpu.memory_space<semaphore_mem>>) {add = true}
        %dma_wait3A_120 = arith.constant 0 : i32
        %dma_wait3A_121 = arith.constant 0 : i32
        %dma_wait3A_122 = tpu.memref_slice %arg7[%dma_wait3A_120, %dma_wait3A_121] : memref<10000x128xf32, #tpu.memory_space<vmem_shared>> -> memref<10000x128xf32, #tpu.memory_space<vmem_shared>>
        tpu.wait_indirect_dma semaphore(%run_scoped3A : memref<!tpu.dma_semaphore, #tpu.memory_space<semaphore_mem>>) src(%arg13 : memref<80x128xf32, #tpu.memory_space<vmem>>) dst(%dma_wait3A_122 : memref<10000x128xf32, #tpu.memory_space<vmem_shared>>)
        tpu.yield
      }) : () -> ()
      "tpu.region"() ({
        %run_scoped3A = tpu.sem_alloc : memref<!tpu.dma_semaphore, #tpu.memory_space<semaphore_mem>>
        %dma_start3A_117 = arith.constant 0 : i32
        %dma_start3A_118 = arith.constant 0 : i32
        %dma_start3A_119 = tpu.memref_slice %arg7[%dma_start3A_117, %dma_start3A_118] : memref<10000x128xf32, #tpu.memory_space<vmem_shared>> -> memref<10000x128xf32, #tpu.memory_space<vmem_shared>>
        tpu.enqueue_indirect_dma source(%arg13 : memref<80x128xf32, #tpu.memory_space<vmem>>) target(%dma_start3A_119 : memref<10000x128xf32, #tpu.memory_space<vmem_shared>>) offsets(%arg12 : memref<80xi32, #tpu.memory_space<vmem>>) semaphore(%run_scoped3A : memref<!tpu.dma_semaphore, #tpu.memory_space<semaphore_mem>>) {add = true}
        %dma_wait3A_120 = arith.constant 0 : i32
        %dma_wait3A_121 = arith.constant 0 : i32
        %dma_wait3A_122 = tpu.memref_slice %arg7[%dma_wait3A_120, %dma_wait3A_121] : memref<10000x128xf32, #tpu.memory_space<vmem_shared>> -> memref<10000x128xf32, #tpu.memory_space<vmem_shared>>
        tpu.wait_indirect_dma semaphore(%run_scoped3A : memref<!tpu.dma_semaphore, #tpu.memory_space<semaphore_mem>>) src(%arg13 : memref<80x128xf32, #tpu.memory_space<vmem>>) dst(%dma_wait3A_122 : memref<10000x128xf32, #tpu.memory_space<vmem_shared>>)
        tpu.yield
      }) : () -> ()
    }
    %scan3A_43 = arith.constant 25 : i32
    %barrier3A_44 = arith.constant 0 : index
    tpu.barrier barrier_id(%barrier3A_44)
    %add3A_45 = arith.constant 0 : i32
    %add3A_46 = arith.addi %arg1, %add3A_45 : i32
    %lt3A_47 = arith.constant 78 : i32
    %lt3A_48 = arith.cmpi slt, %add3A_46, %lt3A_47 : i32
    %convert_element_type3A_49 = arith.extui %lt3A_48 : i1 to i32
    %cond3A_50 = arith.constant 0 : i32
    %cond3A_51 = arith.cmpi ne, %convert_element_type3A_49, %cond3A_50 : i32
    scf.if %cond3A_51 {
      %mul3A_85 = arith.constant 128 : i32
      %mul3A_86 = arith.muli %add3A_46, %mul3A_85 : i32
      %eq3A_87 = arith.constant 0 : i32
      %eq3A_88 = arith.cmpi eq, %arg0, %eq3A_87 : i32
      %convert_element_type3A_89 = arith.extui %eq3A_88 : i1 to i32
      %cond3A_90 = arith.constant 0 : i32
      %cond3A_91 = arith.cmpi ne, %convert_element_type3A_89, %cond3A_90 : i32
      scf.if %cond3A_91 {
        "tpu.region"() ({
          %run_scoped3A = tpu.sem_alloc : memref<!tpu.dma_semaphore, #tpu.memory_space<semaphore_mem>>
          %dma_start3A = arith.constant 0 : i32
          %dma_start3A_97 = tpu.memref_slice %arg5[%mul3A_86, %dma_start3A] : memref<10000x128xf32, #tpu.memory_space<hbm>> -> memref<128x128xf32, #tpu.memory_space<hbm>>
          %dma_start3A_98 = arith.constant 0 : i32
          %dma_start3A_99 = tpu.memref_slice %arg7[%mul3A_86, %dma_start3A_98] : memref<10000x128xf32, #tpu.memory_space<vmem_shared>> -> memref<128x128xf32, #tpu.memory_space<vmem_shared>>
          tpu.enqueue_dma source(%dma_start3A_99 : memref<128x128xf32, #tpu.memory_space<vmem_shared>>) target(%dma_start3A_97 : memref<128x128xf32, #tpu.memory_space<hbm>>) target_semaphore(%run_scoped3A : memref<!tpu.dma_semaphore, #tpu.memory_space<semaphore_mem>>)
          %dma_wait3A = arith.constant 0 : i32
          %dma_wait3A_100 = tpu.memref_slice %arg5[%mul3A_86, %dma_wait3A] : memref<10000x128xf32, #tpu.memory_space<hbm>> -> memref<128x128xf32, #tpu.memory_space<hbm>>
          %dma_wait3A_101 = arith.constant 0 : i32
          %dma_wait3A_102 = tpu.memref_slice %arg7[%mul3A_86, %dma_wait3A_101] : memref<10000x128xf32, #tpu.memory_space<vmem_shared>> -> memref<128x128xf32, #tpu.memory_space<vmem_shared>>
          tpu.wait_dma2 semaphore(%run_scoped3A : memref<!tpu.dma_semaphore, #tpu.memory_space<semaphore_mem>>) src(%dma_wait3A_102 : memref<128x128xf32, #tpu.memory_space<vmem_shared>>) dst(%dma_wait3A_100 : memref<128x128xf32, #tpu.memory_space<hbm>>)
          tpu.yield
        }) : () -> ()
      } else {
      }
      %eq3A_92 = arith.constant 1 : i32
      %eq3A_93 = arith.cmpi eq, %arg0, %eq3A_92 : i32
      %convert_element_type3A_94 = arith.extui %eq3A_93 : i1 to i32
      %cond3A_95 = arith.constant 0 : i32
      %cond3A_96 = arith.cmpi ne, %convert_element_type3A_94, %cond3A_95 : i32
      scf.if %cond3A_96 {
        "tpu.region"() ({
          %run_scoped3A = tpu.sem_alloc : memref<!tpu.dma_semaphore, #tpu.memory_space<semaphore_mem>>
          %dma_start3A = arith.constant 0 : i32
          %dma_start3A_97 = tpu.memref_slice %arg6[%mul3A_86, %dma_start3A] : memref<10000x128xf32, #tpu.memory_space<hbm>> -> memref<128x128xf32, #tpu.memory_space<hbm>>
          %dma_start3A_98 = arith.constant 0 : i32
          %dma_start3A_99 = tpu.memref_slice %arg7[%mul3A_86, %dma_start3A_98] : memref<10000x128xf32, #tpu.memory_space<vmem_shared>> -> memref<128x128xf32, #tpu.memory_space<vmem_shared>>
          tpu.enqueue_dma source(%dma_start3A_99 : memref<128x128xf32, #tpu.memory_space<vmem_shared>>) target(%dma_start3A_97 : memref<128x128xf32, #tpu.memory_space<hbm>>) target_semaphore(%run_scoped3A : memref<!tpu.dma_semaphore, #tpu.memory_space<semaphore_mem>>)
          %dma_wait3A = arith.constant 0 : i32
          %dma_wait3A_100 = tpu.memref_slice %arg6[%mul3A_86, %dma_wait3A] : memref<10000x128xf32, #tpu.memory_space<hbm>> -> memref<128x128xf32, #tpu.memory_space<hbm>>
          %dma_wait3A_101 = arith.constant 0 : i32
          %dma_wait3A_102 = tpu.memref_slice %arg7[%mul3A_86, %dma_wait3A_101] : memref<10000x128xf32, #tpu.memory_space<vmem_shared>> -> memref<128x128xf32, #tpu.memory_space<vmem_shared>>
          tpu.wait_dma2 semaphore(%run_scoped3A : memref<!tpu.dma_semaphore, #tpu.memory_space<semaphore_mem>>) src(%dma_wait3A_102 : memref<128x128xf32, #tpu.memory_space<vmem_shared>>) dst(%dma_wait3A_100 : memref<128x128xf32, #tpu.memory_space<hbm>>)
          tpu.yield
        }) : () -> ()
      } else {
      }
    } else {
    }
    %add3A_52 = arith.constant 16 : i32
    %add3A_53 = arith.addi %arg1, %add3A_52 : i32
    %lt3A_54 = arith.constant 78 : i32
    %lt3A_55 = arith.cmpi slt, %add3A_53, %lt3A_54 : i32
    %convert_element_type3A_56 = arith.extui %lt3A_55 : i1 to i32
    %cond3A_57 = arith.constant 0 : i32
    %cond3A_58 = arith.cmpi ne, %convert_element_type3A_56, %cond3A_57 : i32
    scf.if %cond3A_58 {
      %mul3A_85 = arith.constant 128 : i32
      %mul3A_86 = arith.muli %add3A_53, %mul3A_85 : i32
      %eq3A_87 = arith.constant 0 : i32
      %eq3A_88 = arith.cmpi eq, %arg0, %eq3A_87 : i32
      %convert_element_type3A_89 = arith.extui %eq3A_88 : i1 to i32
      %cond3A_90 = arith.constant 0 : i32
      %cond3A_91 = arith.cmpi ne, %convert_element_type3A_89, %cond3A_90 : i32
      scf.if %cond3A_91 {
        "tpu.region"() ({
          %run_scoped3A = tpu.sem_alloc : memref<!tpu.dma_semaphore, #tpu.memory_space<semaphore_mem>>
          %dma_start3A = arith.constant 0 : i32
          %dma_start3A_97 = tpu.memref_slice %arg5[%mul3A_86, %dma_start3A] : memref<10000x128xf32, #tpu.memory_space<hbm>> -> memref<128x128xf32, #tpu.memory_space<hbm>>
          %dma_start3A_98 = arith.constant 0 : i32
          %dma_start3A_99 = tpu.memref_slice %arg7[%mul3A_86, %dma_start3A_98] : memref<10000x128xf32, #tpu.memory_space<vmem_shared>> -> memref<128x128xf32, #tpu.memory_space<vmem_shared>>
          tpu.enqueue_dma source(%dma_start3A_99 : memref<128x128xf32, #tpu.memory_space<vmem_shared>>) target(%dma_start3A_97 : memref<128x128xf32, #tpu.memory_space<hbm>>) target_semaphore(%run_scoped3A : memref<!tpu.dma_semaphore, #tpu.memory_space<semaphore_mem>>)
          %dma_wait3A = arith.constant 0 : i32
          %dma_wait3A_100 = tpu.memref_slice %arg5[%mul3A_86, %dma_wait3A] : memref<10000x128xf32, #tpu.memory_space<hbm>> -> memref<128x128xf32, #tpu.memory_space<hbm>>
          %dma_wait3A_101 = arith.constant 0 : i32
          %dma_wait3A_102 = tpu.memref_slice %arg7[%mul3A_86, %dma_wait3A_101] : memref<10000x128xf32, #tpu.memory_space<vmem_shared>> -> memref<128x128xf32, #tpu.memory_space<vmem_shared>>
          tpu.wait_dma2 semaphore(%run_scoped3A : memref<!tpu.dma_semaphore, #tpu.memory_space<semaphore_mem>>) src(%dma_wait3A_102 : memref<128x128xf32, #tpu.memory_space<vmem_shared>>) dst(%dma_wait3A_100 : memref<128x128xf32, #tpu.memory_space<hbm>>)
          tpu.yield
        }) : () -> ()
      } else {
      }
      %eq3A_92 = arith.constant 1 : i32
      %eq3A_93 = arith.cmpi eq, %arg0, %eq3A_92 : i32
      %convert_element_type3A_94 = arith.extui %eq3A_93 : i1 to i32
      %cond3A_95 = arith.constant 0 : i32
      %cond3A_96 = arith.cmpi ne, %convert_element_type3A_94, %cond3A_95 : i32
      scf.if %cond3A_96 {
        "tpu.region"() ({
          %run_scoped3A = tpu.sem_alloc : memref<!tpu.dma_semaphore, #tpu.memory_space<semaphore_mem>>
          %dma_start3A = arith.constant 0 : i32
          %dma_start3A_97 = tpu.memref_slice %arg6[%mul3A_86, %dma_start3A] : memref<10000x128xf32, #tpu.memory_space<hbm>> -> memref<128x128xf32, #tpu.memory_space<hbm>>
          %dma_start3A_98 = arith.constant 0 : i32
          %dma_start3A_99 = tpu.memref_slice %arg7[%mul3A_86, %dma_start3A_98] : memref<10000x128xf32, #tpu.memory_space<vmem_shared>> -> memref<128x128xf32, #tpu.memory_space<vmem_shared>>
          tpu.enqueue_dma source(%dma_start3A_99 : memref<128x128xf32, #tpu.memory_space<vmem_shared>>) target(%dma_start3A_97 : memref<128x128xf32, #tpu.memory_space<hbm>>) target_semaphore(%run_scoped3A : memref<!tpu.dma_semaphore, #tpu.memory_space<semaphore_mem>>)
          %dma_wait3A = arith.constant 0 : i32
          %dma_wait3A_100 = tpu.memref_slice %arg6[%mul3A_86, %dma_wait3A] : memref<10000x128xf32, #tpu.memory_space<hbm>> -> memref<128x128xf32, #tpu.memory_space<hbm>>
          %dma_wait3A_101 = arith.constant 0 : i32
          %dma_wait3A_102 = tpu.memref_slice %arg7[%mul3A_86, %dma_wait3A_101] : memref<10000x128xf32, #tpu.memory_space<vmem_shared>> -> memref<128x128xf32, #tpu.memory_space<vmem_shared>>
          tpu.wait_dma2 semaphore(%run_scoped3A : memref<!tpu.dma_semaphore, #tpu.memory_space<semaphore_mem>>) src(%dma_wait3A_102 : memref<128x128xf32, #tpu.memory_space<vmem_shared>>) dst(%dma_wait3A_100 : memref<128x128xf32, #tpu.memory_space<hbm>>)
          tpu.yield
        }) : () -> ()
      } else {
      }
    } else {
    }
    %add3A_59 = arith.constant 32 : i32
    %add3A_60 = arith.addi %arg1, %add3A_59 : i32
    %lt3A_61 = arith.constant 78 : i32
    %lt3A_62 = arith.cmpi slt, %add3A_60, %lt3A_61 : i32
    %convert_element_type3A_63 = arith.extui %lt3A_62 : i1 to i32
    %cond3A_64 = arith.constant 0 : i32
    %cond3A_65 = arith.cmpi ne, %convert_element_type3A_63, %cond3A_64 : i32
    scf.if %cond3A_65 {
      %mul3A_85 = arith.constant 128 : i32
      %mul3A_86 = arith.muli %add3A_60, %mul3A_85 : i32
      %eq3A_87 = arith.constant 0 : i32
      %eq3A_88 = arith.cmpi eq, %arg0, %eq3A_87 : i32
      %convert_element_type3A_89 = arith.extui %eq3A_88 : i1 to i32
      %cond3A_90 = arith.constant 0 : i32
      %cond3A_91 = arith.cmpi ne, %convert_element_type3A_89, %cond3A_90 : i32
      scf.if %cond3A_91 {
        "tpu.region"() ({
          %run_scoped3A = tpu.sem_alloc : memref<!tpu.dma_semaphore, #tpu.memory_space<semaphore_mem>>
          %dma_start3A = arith.constant 0 : i32
          %dma_start3A_97 = tpu.memref_slice %arg5[%mul3A_86, %dma_start3A] : memref<10000x128xf32, #tpu.memory_space<hbm>> -> memref<128x128xf32, #tpu.memory_space<hbm>>
          %dma_start3A_98 = arith.constant 0 : i32
          %dma_start3A_99 = tpu.memref_slice %arg7[%mul3A_86, %dma_start3A_98] : memref<10000x128xf32, #tpu.memory_space<vmem_shared>> -> memref<128x128xf32, #tpu.memory_space<vmem_shared>>
          tpu.enqueue_dma source(%dma_start3A_99 : memref<128x128xf32, #tpu.memory_space<vmem_shared>>) target(%dma_start3A_97 : memref<128x128xf32, #tpu.memory_space<hbm>>) target_semaphore(%run_scoped3A : memref<!tpu.dma_semaphore, #tpu.memory_space<semaphore_mem>>)
          %dma_wait3A = arith.constant 0 : i32
          %dma_wait3A_100 = tpu.memref_slice %arg5[%mul3A_86, %dma_wait3A] : memref<10000x128xf32, #tpu.memory_space<hbm>> -> memref<128x128xf32, #tpu.memory_space<hbm>>
          %dma_wait3A_101 = arith.constant 0 : i32
          %dma_wait3A_102 = tpu.memref_slice %arg7[%mul3A_86, %dma_wait3A_101] : memref<10000x128xf32, #tpu.memory_space<vmem_shared>> -> memref<128x128xf32, #tpu.memory_space<vmem_shared>>
          tpu.wait_dma2 semaphore(%run_scoped3A : memref<!tpu.dma_semaphore, #tpu.memory_space<semaphore_mem>>) src(%dma_wait3A_102 : memref<128x128xf32, #tpu.memory_space<vmem_shared>>) dst(%dma_wait3A_100 : memref<128x128xf32, #tpu.memory_space<hbm>>)
          tpu.yield
        }) : () -> ()
      } else {
      }
      %eq3A_92 = arith.constant 1 : i32
      %eq3A_93 = arith.cmpi eq, %arg0, %eq3A_92 : i32
      %convert_element_type3A_94 = arith.extui %eq3A_93 : i1 to i32
      %cond3A_95 = arith.constant 0 : i32
      %cond3A_96 = arith.cmpi ne, %convert_element_type3A_94, %cond3A_95 : i32
      scf.if %cond3A_96 {
        "tpu.region"() ({
          %run_scoped3A = tpu.sem_alloc : memref<!tpu.dma_semaphore, #tpu.memory_space<semaphore_mem>>
          %dma_start3A = arith.constant 0 : i32
          %dma_start3A_97 = tpu.memref_slice %arg6[%mul3A_86, %dma_start3A] : memref<10000x128xf32, #tpu.memory_space<hbm>> -> memref<128x128xf32, #tpu.memory_space<hbm>>
          %dma_start3A_98 = arith.constant 0 : i32
          %dma_start3A_99 = tpu.memref_slice %arg7[%mul3A_86, %dma_start3A_98] : memref<10000x128xf32, #tpu.memory_space<vmem_shared>> -> memref<128x128xf32, #tpu.memory_space<vmem_shared>>
          tpu.enqueue_dma source(%dma_start3A_99 : memref<128x128xf32, #tpu.memory_space<vmem_shared>>) target(%dma_start3A_97 : memref<128x128xf32, #tpu.memory_space<hbm>>) target_semaphore(%run_scoped3A : memref<!tpu.dma_semaphore, #tpu.memory_space<semaphore_mem>>)
          %dma_wait3A = arith.constant 0 : i32
          %dma_wait3A_100 = tpu.memref_slice %arg6[%mul3A_86, %dma_wait3A] : memref<10000x128xf32, #tpu.memory_space<hbm>> -> memref<128x128xf32, #tpu.memory_space<hbm>>
          %dma_wait3A_101 = arith.constant 0 : i32
          %dma_wait3A_102 = tpu.memref_slice %arg7[%mul3A_86, %dma_wait3A_101] : memref<10000x128xf32, #tpu.memory_space<vmem_shared>> -> memref<128x128xf32, #tpu.memory_space<vmem_shared>>
          tpu.wait_dma2 semaphore(%run_scoped3A : memref<!tpu.dma_semaphore, #tpu.memory_space<semaphore_mem>>) src(%dma_wait3A_102 : memref<128x128xf32, #tpu.memory_space<vmem_shared>>) dst(%dma_wait3A_100 : memref<128x128xf32, #tpu.memory_space<hbm>>)
          tpu.yield
        }) : () -> ()
      } else {
      }
    } else {
    }
    %add3A_66 = arith.constant 48 : i32
    %add3A_67 = arith.addi %arg1, %add3A_66 : i32
    %lt3A_68 = arith.constant 78 : i32
    %lt3A_69 = arith.cmpi slt, %add3A_67, %lt3A_68 : i32
    %convert_element_type3A_70 = arith.extui %lt3A_69 : i1 to i32
    %cond3A_71 = arith.constant 0 : i32
    %cond3A_72 = arith.cmpi ne, %convert_element_type3A_70, %cond3A_71 : i32
    scf.if %cond3A_72 {
      %mul3A_85 = arith.constant 128 : i32
      %mul3A_86 = arith.muli %add3A_67, %mul3A_85 : i32
      %eq3A_87 = arith.constant 0 : i32
      %eq3A_88 = arith.cmpi eq, %arg0, %eq3A_87 : i32
      %convert_element_type3A_89 = arith.extui %eq3A_88 : i1 to i32
      %cond3A_90 = arith.constant 0 : i32
      %cond3A_91 = arith.cmpi ne, %convert_element_type3A_89, %cond3A_90 : i32
      scf.if %cond3A_91 {
        "tpu.region"() ({
          %run_scoped3A = tpu.sem_alloc : memref<!tpu.dma_semaphore, #tpu.memory_space<semaphore_mem>>
          %dma_start3A = arith.constant 0 : i32
          %dma_start3A_97 = tpu.memref_slice %arg5[%mul3A_86, %dma_start3A] : memref<10000x128xf32, #tpu.memory_space<hbm>> -> memref<128x128xf32, #tpu.memory_space<hbm>>
          %dma_start3A_98 = arith.constant 0 : i32
          %dma_start3A_99 = tpu.memref_slice %arg7[%mul3A_86, %dma_start3A_98] : memref<10000x128xf32, #tpu.memory_space<vmem_shared>> -> memref<128x128xf32, #tpu.memory_space<vmem_shared>>
          tpu.enqueue_dma source(%dma_start3A_99 : memref<128x128xf32, #tpu.memory_space<vmem_shared>>) target(%dma_start3A_97 : memref<128x128xf32, #tpu.memory_space<hbm>>) target_semaphore(%run_scoped3A : memref<!tpu.dma_semaphore, #tpu.memory_space<semaphore_mem>>)
          %dma_wait3A = arith.constant 0 : i32
          %dma_wait3A_100 = tpu.memref_slice %arg5[%mul3A_86, %dma_wait3A] : memref<10000x128xf32, #tpu.memory_space<hbm>> -> memref<128x128xf32, #tpu.memory_space<hbm>>
          %dma_wait3A_101 = arith.constant 0 : i32
          %dma_wait3A_102 = tpu.memref_slice %arg7[%mul3A_86, %dma_wait3A_101] : memref<10000x128xf32, #tpu.memory_space<vmem_shared>> -> memref<128x128xf32, #tpu.memory_space<vmem_shared>>
          tpu.wait_dma2 semaphore(%run_scoped3A : memref<!tpu.dma_semaphore, #tpu.memory_space<semaphore_mem>>) src(%dma_wait3A_102 : memref<128x128xf32, #tpu.memory_space<vmem_shared>>) dst(%dma_wait3A_100 : memref<128x128xf32, #tpu.memory_space<hbm>>)
          tpu.yield
        }) : () -> ()
      } else {
      }
      %eq3A_92 = arith.constant 1 : i32
      %eq3A_93 = arith.cmpi eq, %arg0, %eq3A_92 : i32
      %convert_element_type3A_94 = arith.extui %eq3A_93 : i1 to i32
      %cond3A_95 = arith.constant 0 : i32
      %cond3A_96 = arith.cmpi ne, %convert_element_type3A_94, %cond3A_95 : i32
      scf.if %cond3A_96 {
        "tpu.region"() ({
          %run_scoped3A = tpu.sem_alloc : memref<!tpu.dma_semaphore, #tpu.memory_space<semaphore_mem>>
          %dma_start3A = arith.constant 0 : i32
          %dma_start3A_97 = tpu.memref_slice %arg6[%mul3A_86, %dma_start3A] : memref<10000x128xf32, #tpu.memory_space<hbm>> -> memref<128x128xf32, #tpu.memory_space<hbm>>
          %dma_start3A_98 = arith.constant 0 : i32
          %dma_start3A_99 = tpu.memref_slice %arg7[%mul3A_86, %dma_start3A_98] : memref<10000x128xf32, #tpu.memory_space<vmem_shared>> -> memref<128x128xf32, #tpu.memory_space<vmem_shared>>
          tpu.enqueue_dma source(%dma_start3A_99 : memref<128x128xf32, #tpu.memory_space<vmem_shared>>) target(%dma_start3A_97 : memref<128x128xf32, #tpu.memory_space<hbm>>) target_semaphore(%run_scoped3A : memref<!tpu.dma_semaphore, #tpu.memory_space<semaphore_mem>>)
          %dma_wait3A = arith.constant 0 : i32
          %dma_wait3A_100 = tpu.memref_slice %arg6[%mul3A_86, %dma_wait3A] : memref<10000x128xf32, #tpu.memory_space<hbm>> -> memref<128x128xf32, #tpu.memory_space<hbm>>
          %dma_wait3A_101 = arith.constant 0 : i32
          %dma_wait3A_102 = tpu.memref_slice %arg7[%mul3A_86, %dma_wait3A_101] : memref<10000x128xf32, #tpu.memory_space<vmem_shared>> -> memref<128x128xf32, #tpu.memory_space<vmem_shared>>
          tpu.wait_dma2 semaphore(%run_scoped3A : memref<!tpu.dma_semaphore, #tpu.memory_space<semaphore_mem>>) src(%dma_wait3A_102 : memref<128x128xf32, #tpu.memory_space<vmem_shared>>) dst(%dma_wait3A_100 : memref<128x128xf32, #tpu.memory_space<hbm>>)
          tpu.yield
        }) : () -> ()
      } else {
      }
    } else {
    }
    %add3A_73 = arith.constant 64 : i32
    %add3A_74 = arith.addi %arg1, %add3A_73 : i32
    %lt3A_75 = arith.constant 78 : i32
    %lt3A_76 = arith.cmpi slt, %add3A_74, %lt3A_75 : i32
    %convert_element_type3A_77 = arith.extui %lt3A_76 : i1 to i32
    %cond3A_78 = arith.constant 0 : i32
    %cond3A_79 = arith.cmpi ne, %convert_element_type3A_77, %cond3A_78 : i32
    scf.if %cond3A_79 {
      %mul3A_85 = arith.constant 128 : i32
      %mul3A_86 = arith.muli %add3A_74, %mul3A_85 : i32
      %eq3A_87 = arith.constant 0 : i32
      %eq3A_88 = arith.cmpi eq, %arg0, %eq3A_87 : i32
      %convert_element_type3A_89 = arith.extui %eq3A_88 : i1 to i32
      %cond3A_90 = arith.constant 0 : i32
      %cond3A_91 = arith.cmpi ne, %convert_element_type3A_89, %cond3A_90 : i32
      scf.if %cond3A_91 {
        "tpu.region"() ({
          %run_scoped3A = tpu.sem_alloc : memref<!tpu.dma_semaphore, #tpu.memory_space<semaphore_mem>>
          %dma_start3A = arith.constant 0 : i32
          %dma_start3A_97 = tpu.memref_slice %arg5[%mul3A_86, %dma_start3A] : memref<10000x128xf32, #tpu.memory_space<hbm>> -> memref<128x128xf32, #tpu.memory_space<hbm>>
          %dma_start3A_98 = arith.constant 0 : i32
          %dma_start3A_99 = tpu.memref_slice %arg7[%mul3A_86, %dma_start3A_98] : memref<10000x128xf32, #tpu.memory_space<vmem_shared>> -> memref<128x128xf32, #tpu.memory_space<vmem_shared>>
          tpu.enqueue_dma source(%dma_start3A_99 : memref<128x128xf32, #tpu.memory_space<vmem_shared>>) target(%dma_start3A_97 : memref<128x128xf32, #tpu.memory_space<hbm>>) target_semaphore(%run_scoped3A : memref<!tpu.dma_semaphore, #tpu.memory_space<semaphore_mem>>)
          %dma_wait3A = arith.constant 0 : i32
          %dma_wait3A_100 = tpu.memref_slice %arg5[%mul3A_86, %dma_wait3A] : memref<10000x128xf32, #tpu.memory_space<hbm>> -> memref<128x128xf32, #tpu.memory_space<hbm>>
          %dma_wait3A_101 = arith.constant 0 : i32
          %dma_wait3A_102 = tpu.memref_slice %arg7[%mul3A_86, %dma_wait3A_101] : memref<10000x128xf32, #tpu.memory_space<vmem_shared>> -> memref<128x128xf32, #tpu.memory_space<vmem_shared>>
          tpu.wait_dma2 semaphore(%run_scoped3A : memref<!tpu.dma_semaphore, #tpu.memory_space<semaphore_mem>>) src(%dma_wait3A_102 : memref<128x128xf32, #tpu.memory_space<vmem_shared>>) dst(%dma_wait3A_100 : memref<128x128xf32, #tpu.memory_space<hbm>>)
          tpu.yield
        }) : () -> ()
      } else {
      }
      %eq3A_92 = arith.constant 1 : i32
      %eq3A_93 = arith.cmpi eq, %arg0, %eq3A_92 : i32
      %convert_element_type3A_94 = arith.extui %eq3A_93 : i1 to i32
      %cond3A_95 = arith.constant 0 : i32
      %cond3A_96 = arith.cmpi ne, %convert_element_type3A_94, %cond3A_95 : i32
      scf.if %cond3A_96 {
        "tpu.region"() ({
          %run_scoped3A = tpu.sem_alloc : memref<!tpu.dma_semaphore, #tpu.memory_space<semaphore_mem>>
          %dma_start3A = arith.constant 0 : i32
          %dma_start3A_97 = tpu.memref_slice %arg6[%mul3A_86, %dma_start3A] : memref<10000x128xf32, #tpu.memory_space<hbm>> -> memref<128x128xf32, #tpu.memory_space<hbm>>
          %dma_start3A_98 = arith.constant 0 : i32
          %dma_start3A_99 = tpu.memref_slice %arg7[%mul3A_86, %dma_start3A_98] : memref<10000x128xf32, #tpu.memory_space<vmem_shared>> -> memref<128x128xf32, #tpu.memory_space<vmem_shared>>
          tpu.enqueue_dma source(%dma_start3A_99 : memref<128x128xf32, #tpu.memory_space<vmem_shared>>) target(%dma_start3A_97 : memref<128x128xf32, #tpu.memory_space<hbm>>) target_semaphore(%run_scoped3A : memref<!tpu.dma_semaphore, #tpu.memory_space<semaphore_mem>>)
          %dma_wait3A = arith.constant 0 : i32
          %dma_wait3A_100 = tpu.memref_slice %arg6[%mul3A_86, %dma_wait3A] : memref<10000x128xf32, #tpu.memory_space<hbm>> -> memref<128x128xf32, #tpu.memory_space<hbm>>
          %dma_wait3A_101 = arith.constant 0 : i32
          %dma_wait3A_102 = tpu.memref_slice %arg7[%mul3A_86, %dma_wait3A_101] : memref<10000x128xf32, #tpu.memory_space<vmem_shared>> -> memref<128x128xf32, #tpu.memory_space<vmem_shared>>
          tpu.wait_dma2 semaphore(%run_scoped3A : memref<!tpu.dma_semaphore, #tpu.memory_space<semaphore_mem>>) src(%dma_wait3A_102 : memref<128x128xf32, #tpu.memory_space<vmem_shared>>) dst(%dma_wait3A_100 : memref<128x128xf32, #tpu.memory_space<hbm>>)
          tpu.yield
        }) : () -> ()
      } else {
      }
    } else {
    }
    %eq3A_80 = arith.constant 0 : i32
    %eq3A_81 = arith.cmpi eq, %arg1, %eq3A_80 : i32
    %convert_element_type3A_82 = arith.extui %eq3A_81 : i1 to i32
    %cond3A_83 = arith.constant 0 : i32
    %cond3A_84 = arith.cmpi ne, %convert_element_type3A_82, %cond3A_83 : i32
    scf.if %cond3A_84 {
      %eq3A_85 = arith.constant 0 : i32
      %eq3A_86 = arith.cmpi eq, %arg0, %eq3A_85 : i32
      %convert_element_type3A_87 = arith.extui %eq3A_86 : i1 to i32
      %cond3A_88 = arith.constant 0 : i32
      %cond3A_89 = arith.cmpi ne, %convert_element_type3A_87, %cond3A_88 : i32
      scf.if %cond3A_89 {
        "tpu.region"() ({
          %run_scoped3A = tpu.sem_alloc : memref<!tpu.dma_semaphore, #tpu.memory_space<semaphore_mem>>
          %dma_start3A = arith.constant 9984 : i32
          %dma_start3A_95 = arith.constant 0 : i32
          %dma_start3A_96 = tpu.memref_slice %arg5[%dma_start3A, %dma_start3A_95] : memref<10000x128xf32, #tpu.memory_space<hbm>> -> memref<16x128xf32, #tpu.memory_space<hbm>>
          %dma_start3A_97 = arith.constant 9984 : i32
          %dma_start3A_98 = arith.constant 0 : i32
          %dma_start3A_99 = tpu.memref_slice %arg7[%dma_start3A_97, %dma_start3A_98] : memref<10000x128xf32, #tpu.memory_space<vmem_shared>> -> memref<16x128xf32, #tpu.memory_space<vmem_shared>>
          tpu.enqueue_dma source(%dma_start3A_99 : memref<16x128xf32, #tpu.memory_space<vmem_shared>>) target(%dma_start3A_96 : memref<16x128xf32, #tpu.memory_space<hbm>>) target_semaphore(%run_scoped3A : memref<!tpu.dma_semaphore, #tpu.memory_space<semaphore_mem>>)
          %dma_wait3A = arith.constant 9984 : i32
          %dma_wait3A_100 = arith.constant 0 : i32
          %dma_wait3A_101 = tpu.memref_slice %arg5[%dma_wait3A, %dma_wait3A_100] : memref<10000x128xf32, #tpu.memory_space<hbm>> -> memref<16x128xf32, #tpu.memory_space<hbm>>
          %dma_wait3A_102 = arith.constant 9984 : i32
          %dma_wait3A_103 = arith.constant 0 : i32
          %dma_wait3A_104 = tpu.memref_slice %arg7[%dma_wait3A_102, %dma_wait3A_103] : memref<10000x128xf32, #tpu.memory_space<vmem_shared>> -> memref<16x128xf32, #tpu.memory_space<vmem_shared>>
          tpu.wait_dma2 semaphore(%run_scoped3A : memref<!tpu.dma_semaphore, #tpu.memory_space<semaphore_mem>>) src(%dma_wait3A_104 : memref<16x128xf32, #tpu.memory_space<vmem_shared>>) dst(%dma_wait3A_101 : memref<16x128xf32, #tpu.memory_space<hbm>>)
          tpu.yield
        }) : () -> ()
      } else {
      }
      %eq3A_90 = arith.constant 1 : i32
      %eq3A_91 = arith.cmpi eq, %arg0, %eq3A_90 : i32
      %convert_element_type3A_92 = arith.extui %eq3A_91 : i1 to i32
      %cond3A_93 = arith.constant 0 : i32
      %cond3A_94 = arith.cmpi ne, %convert_element_type3A_92, %cond3A_93 : i32
      scf.if %cond3A_94 {
        "tpu.region"() ({
          %run_scoped3A = tpu.sem_alloc : memref<!tpu.dma_semaphore, #tpu.memory_space<semaphore_mem>>
          %dma_start3A = arith.constant 9984 : i32
          %dma_start3A_95 = arith.constant 0 : i32
          %dma_start3A_96 = tpu.memref_slice %arg6[%dma_start3A, %dma_start3A_95] : memref<10000x128xf32, #tpu.memory_space<hbm>> -> memref<16x128xf32, #tpu.memory_space<hbm>>
          %dma_start3A_97 = arith.constant 9984 : i32
          %dma_start3A_98 = arith.constant 0 : i32
          %dma_start3A_99 = tpu.memref_slice %arg7[%dma_start3A_97, %dma_start3A_98] : memref<10000x128xf32, #tpu.memory_space<vmem_shared>> -> memref<16x128xf32, #tpu.memory_space<vmem_shared>>
          tpu.enqueue_dma source(%dma_start3A_99 : memref<16x128xf32, #tpu.memory_space<vmem_shared>>) target(%dma_start3A_96 : memref<16x128xf32, #tpu.memory_space<hbm>>) target_semaphore(%run_scoped3A : memref<!tpu.dma_semaphore, #tpu.memory_space<semaphore_mem>>)
          %dma_wait3A = arith.constant 9984 : i32
          %dma_wait3A_100 = arith.constant 0 : i32
          %dma_wait3A_101 = tpu.memref_slice %arg6[%dma_wait3A, %dma_wait3A_100] : memref<10000x128xf32, #tpu.memory_space<hbm>> -> memref<16x128xf32, #tpu.memory_space<hbm>>
          %dma_wait3A_102 = arith.constant 9984 : i32
          %dma_wait3A_103 = arith.constant 0 : i32
          %dma_wait3A_104 = tpu.memref_slice %arg7[%dma_wait3A_102, %dma_wait3A_103] : memref<10000x128xf32, #tpu.memory_space<vmem_shared>> -> memref<16x128xf32, #tpu.memory_space<vmem_shared>>
          tpu.wait_dma2 semaphore(%run_scoped3A : memref<!tpu.dma_semaphore, #tpu.memory_space<semaphore_mem>>) src(%dma_wait3A_104 : memref<16x128xf32, #tpu.memory_space<vmem_shared>>) dst(%dma_wait3A_101 : memref<16x128xf32, #tpu.memory_space<hbm>>)
          tpu.yield
        }) : () -> ()
      } else {
      }
    } else {
    }
    return
  }
}

#map = affine_map<(d0, d1) -> (0, 0)>
#map1 = affine_map<(d0, d1) -> (0)>
module attributes {stable_mosaic.version = 14 : i64} {
  func.func @k(%arg0: i32, %arg1: i32, %arg2: memref<320000x128xf32, #tpu.memory_space<hbm>>, %arg3: memref<320000xi32, #tpu.memory_space<hbm>>, %arg4: memref<10000x128xf32, #tpu.memory_space<hbm>>, %arg5: memref<10000x128xf32, #tpu.memory_space<hbm>>, %arg6: memref<10000x128xf32, #tpu.memory_space<hbm>>, %arg7: memref<10000x128xf32, #tpu.memory_space<vmem_shared>>, %arg8: memref<80xi32, #tpu.memory_space<vmem>>, %arg9: memref<80xi32, #tpu.memory_space<vmem>>, %arg10: memref<80xi32, #tpu.memory_space<vmem>>, %arg11: memref<80xi32, #tpu.memory_space<vmem>>, %arg12: memref<320x128xf32, #tpu.memory_space<vmem>>, %arg13: memref<!tpu.dma_semaphore, #tpu.memory_space<semaphore_mem>>, %arg14: memref<!tpu.dma_semaphore, #tpu.memory_space<semaphore_mem>>) attributes {dimension_semantics = [#tpu.dimension_semantics<core_parallel>, #tpu.dimension_semantics<subcore_parallel>], iteration_bounds = array<i64: 2, 16>, scalar_prefetch = 0 : i64, scratch_operands = 8 : i64, tpu.core_type = #tpu.core_type<sc_vector_subcore>, window_params = [{transform_indices = #map}, {transform_indices = #map1}, {transform_indices = #map}, {transform_indices = #map}, {transform_indices = #map}]} {
    %mul3A = arith.constant 2 : i32
    %mul3A_0 = arith.muli %arg1, %mul3A : i32
    %add3A = arith.addi %mul3A_0, %arg0 : i32
    %mul3A_1 = arith.constant 10000 : i32
    %mul3A_2 = arith.muli %add3A, %mul3A_1 : i32
    %add3A_3 = arith.constant 0 : i32
    %add3A_4 = arith.addi %arg1, %add3A_3 : i32
    %lt3A = arith.constant 78 : i32
    %lt3A_5 = arith.cmpi slt, %add3A_4, %lt3A : i32
    %convert_element_type3A = arith.extui %lt3A_5 : i1 to i32
    %cond3A = arith.constant 0 : i32
    %cond3A_6 = arith.cmpi ne, %convert_element_type3A, %cond3A : i32
    scf.if %cond3A_6 {
      %mul3A_87 = arith.constant 128 : i32
      %mul3A_88 = arith.muli %add3A_4, %mul3A_87 : i32
      %mul3A_89 = arith.constant 128 : i32
      %mul3A_90 = arith.muli %add3A_4, %mul3A_89 : i32
      "tpu.region"() ({
        %run_scoped3A = tpu.sem_alloc : memref<!tpu.dma_semaphore, #tpu.memory_space<semaphore_mem>>
        %dma_start3A = arith.constant 0 : i32
        %dma_start3A_91 = tpu.memref_slice %arg7[%mul3A_90, %dma_start3A] : memref<10000x128xf32, #tpu.memory_space<vmem_shared>> -> memref<128x128xf32, #tpu.memory_space<vmem_shared>>
        %dma_start3A_92 = arith.constant 0 : i32
        %dma_start3A_93 = tpu.memref_slice %arg4[%mul3A_88, %dma_start3A_92] : memref<10000x128xf32, #tpu.memory_space<hbm>> -> memref<128x128xf32, #tpu.memory_space<hbm>>
        tpu.enqueue_dma source(%dma_start3A_93 : memref<128x128xf32, #tpu.memory_space<hbm>>) target(%dma_start3A_91 : memref<128x128xf32, #tpu.memory_space<vmem_shared>>) target_semaphore(%run_scoped3A : memref<!tpu.dma_semaphore, #tpu.memory_space<semaphore_mem>>)
        %dma_wait3A = arith.constant 0 : i32
        %dma_wait3A_94 = tpu.memref_slice %arg7[%mul3A_90, %dma_wait3A] : memref<10000x128xf32, #tpu.memory_space<vmem_shared>> -> memref<128x128xf32, #tpu.memory_space<vmem_shared>>
        %dma_wait3A_95 = arith.constant 0 : i32
        %dma_wait3A_96 = tpu.memref_slice %arg4[%mul3A_88, %dma_wait3A_95] : memref<10000x128xf32, #tpu.memory_space<hbm>> -> memref<128x128xf32, #tpu.memory_space<hbm>>
        tpu.wait_dma2 semaphore(%run_scoped3A : memref<!tpu.dma_semaphore, #tpu.memory_space<semaphore_mem>>) src(%dma_wait3A_96 : memref<128x128xf32, #tpu.memory_space<hbm>>) dst(%dma_wait3A_94 : memref<128x128xf32, #tpu.memory_space<vmem_shared>>)
        tpu.yield
      }) : () -> ()
    } else {
    }
    %add3A_7 = arith.constant 16 : i32
    %add3A_8 = arith.addi %arg1, %add3A_7 : i32
    %lt3A_9 = arith.constant 78 : i32
    %lt3A_10 = arith.cmpi slt, %add3A_8, %lt3A_9 : i32
    %convert_element_type3A_11 = arith.extui %lt3A_10 : i1 to i32
    %cond3A_12 = arith.constant 0 : i32
    %cond3A_13 = arith.cmpi ne, %convert_element_type3A_11, %cond3A_12 : i32
    scf.if %cond3A_13 {
      %mul3A_87 = arith.constant 128 : i32
      %mul3A_88 = arith.muli %add3A_8, %mul3A_87 : i32
      %mul3A_89 = arith.constant 128 : i32
      %mul3A_90 = arith.muli %add3A_8, %mul3A_89 : i32
      "tpu.region"() ({
        %run_scoped3A = tpu.sem_alloc : memref<!tpu.dma_semaphore, #tpu.memory_space<semaphore_mem>>
        %dma_start3A = arith.constant 0 : i32
        %dma_start3A_91 = tpu.memref_slice %arg7[%mul3A_90, %dma_start3A] : memref<10000x128xf32, #tpu.memory_space<vmem_shared>> -> memref<128x128xf32, #tpu.memory_space<vmem_shared>>
        %dma_start3A_92 = arith.constant 0 : i32
        %dma_start3A_93 = tpu.memref_slice %arg4[%mul3A_88, %dma_start3A_92] : memref<10000x128xf32, #tpu.memory_space<hbm>> -> memref<128x128xf32, #tpu.memory_space<hbm>>
        tpu.enqueue_dma source(%dma_start3A_93 : memref<128x128xf32, #tpu.memory_space<hbm>>) target(%dma_start3A_91 : memref<128x128xf32, #tpu.memory_space<vmem_shared>>) target_semaphore(%run_scoped3A : memref<!tpu.dma_semaphore, #tpu.memory_space<semaphore_mem>>)
        %dma_wait3A = arith.constant 0 : i32
        %dma_wait3A_94 = tpu.memref_slice %arg7[%mul3A_90, %dma_wait3A] : memref<10000x128xf32, #tpu.memory_space<vmem_shared>> -> memref<128x128xf32, #tpu.memory_space<vmem_shared>>
        %dma_wait3A_95 = arith.constant 0 : i32
        %dma_wait3A_96 = tpu.memref_slice %arg4[%mul3A_88, %dma_wait3A_95] : memref<10000x128xf32, #tpu.memory_space<hbm>> -> memref<128x128xf32, #tpu.memory_space<hbm>>
        tpu.wait_dma2 semaphore(%run_scoped3A : memref<!tpu.dma_semaphore, #tpu.memory_space<semaphore_mem>>) src(%dma_wait3A_96 : memref<128x128xf32, #tpu.memory_space<hbm>>) dst(%dma_wait3A_94 : memref<128x128xf32, #tpu.memory_space<vmem_shared>>)
        tpu.yield
      }) : () -> ()
    } else {
    }
    %add3A_14 = arith.constant 32 : i32
    %add3A_15 = arith.addi %arg1, %add3A_14 : i32
    %lt3A_16 = arith.constant 78 : i32
    %lt3A_17 = arith.cmpi slt, %add3A_15, %lt3A_16 : i32
    %convert_element_type3A_18 = arith.extui %lt3A_17 : i1 to i32
    %cond3A_19 = arith.constant 0 : i32
    %cond3A_20 = arith.cmpi ne, %convert_element_type3A_18, %cond3A_19 : i32
    scf.if %cond3A_20 {
      %mul3A_87 = arith.constant 128 : i32
      %mul3A_88 = arith.muli %add3A_15, %mul3A_87 : i32
      %mul3A_89 = arith.constant 128 : i32
      %mul3A_90 = arith.muli %add3A_15, %mul3A_89 : i32
      "tpu.region"() ({
        %run_scoped3A = tpu.sem_alloc : memref<!tpu.dma_semaphore, #tpu.memory_space<semaphore_mem>>
        %dma_start3A = arith.constant 0 : i32
        %dma_start3A_91 = tpu.memref_slice %arg7[%mul3A_90, %dma_start3A] : memref<10000x128xf32, #tpu.memory_space<vmem_shared>> -> memref<128x128xf32, #tpu.memory_space<vmem_shared>>
        %dma_start3A_92 = arith.constant 0 : i32
        %dma_start3A_93 = tpu.memref_slice %arg4[%mul3A_88, %dma_start3A_92] : memref<10000x128xf32, #tpu.memory_space<hbm>> -> memref<128x128xf32, #tpu.memory_space<hbm>>
        tpu.enqueue_dma source(%dma_start3A_93 : memref<128x128xf32, #tpu.memory_space<hbm>>) target(%dma_start3A_91 : memref<128x128xf32, #tpu.memory_space<vmem_shared>>) target_semaphore(%run_scoped3A : memref<!tpu.dma_semaphore, #tpu.memory_space<semaphore_mem>>)
        %dma_wait3A = arith.constant 0 : i32
        %dma_wait3A_94 = tpu.memref_slice %arg7[%mul3A_90, %dma_wait3A] : memref<10000x128xf32, #tpu.memory_space<vmem_shared>> -> memref<128x128xf32, #tpu.memory_space<vmem_shared>>
        %dma_wait3A_95 = arith.constant 0 : i32
        %dma_wait3A_96 = tpu.memref_slice %arg4[%mul3A_88, %dma_wait3A_95] : memref<10000x128xf32, #tpu.memory_space<hbm>> -> memref<128x128xf32, #tpu.memory_space<hbm>>
        tpu.wait_dma2 semaphore(%run_scoped3A : memref<!tpu.dma_semaphore, #tpu.memory_space<semaphore_mem>>) src(%dma_wait3A_96 : memref<128x128xf32, #tpu.memory_space<hbm>>) dst(%dma_wait3A_94 : memref<128x128xf32, #tpu.memory_space<vmem_shared>>)
        tpu.yield
      }) : () -> ()
    } else {
    }
    %add3A_21 = arith.constant 48 : i32
    %add3A_22 = arith.addi %arg1, %add3A_21 : i32
    %lt3A_23 = arith.constant 78 : i32
    %lt3A_24 = arith.cmpi slt, %add3A_22, %lt3A_23 : i32
    %convert_element_type3A_25 = arith.extui %lt3A_24 : i1 to i32
    %cond3A_26 = arith.constant 0 : i32
    %cond3A_27 = arith.cmpi ne, %convert_element_type3A_25, %cond3A_26 : i32
    scf.if %cond3A_27 {
      %mul3A_87 = arith.constant 128 : i32
      %mul3A_88 = arith.muli %add3A_22, %mul3A_87 : i32
      %mul3A_89 = arith.constant 128 : i32
      %mul3A_90 = arith.muli %add3A_22, %mul3A_89 : i32
      "tpu.region"() ({
        %run_scoped3A = tpu.sem_alloc : memref<!tpu.dma_semaphore, #tpu.memory_space<semaphore_mem>>
        %dma_start3A = arith.constant 0 : i32
        %dma_start3A_91 = tpu.memref_slice %arg7[%mul3A_90, %dma_start3A] : memref<10000x128xf32, #tpu.memory_space<vmem_shared>> -> memref<128x128xf32, #tpu.memory_space<vmem_shared>>
        %dma_start3A_92 = arith.constant 0 : i32
        %dma_start3A_93 = tpu.memref_slice %arg4[%mul3A_88, %dma_start3A_92] : memref<10000x128xf32, #tpu.memory_space<hbm>> -> memref<128x128xf32, #tpu.memory_space<hbm>>
        tpu.enqueue_dma source(%dma_start3A_93 : memref<128x128xf32, #tpu.memory_space<hbm>>) target(%dma_start3A_91 : memref<128x128xf32, #tpu.memory_space<vmem_shared>>) target_semaphore(%run_scoped3A : memref<!tpu.dma_semaphore, #tpu.memory_space<semaphore_mem>>)
        %dma_wait3A = arith.constant 0 : i32
        %dma_wait3A_94 = tpu.memref_slice %arg7[%mul3A_90, %dma_wait3A] : memref<10000x128xf32, #tpu.memory_space<vmem_shared>> -> memref<128x128xf32, #tpu.memory_space<vmem_shared>>
        %dma_wait3A_95 = arith.constant 0 : i32
        %dma_wait3A_96 = tpu.memref_slice %arg4[%mul3A_88, %dma_wait3A_95] : memref<10000x128xf32, #tpu.memory_space<hbm>> -> memref<128x128xf32, #tpu.memory_space<hbm>>
        tpu.wait_dma2 semaphore(%run_scoped3A : memref<!tpu.dma_semaphore, #tpu.memory_space<semaphore_mem>>) src(%dma_wait3A_96 : memref<128x128xf32, #tpu.memory_space<hbm>>) dst(%dma_wait3A_94 : memref<128x128xf32, #tpu.memory_space<vmem_shared>>)
        tpu.yield
      }) : () -> ()
    } else {
    }
    %add3A_28 = arith.constant 64 : i32
    %add3A_29 = arith.addi %arg1, %add3A_28 : i32
    %lt3A_30 = arith.constant 78 : i32
    %lt3A_31 = arith.cmpi slt, %add3A_29, %lt3A_30 : i32
    %convert_element_type3A_32 = arith.extui %lt3A_31 : i1 to i32
    %cond3A_33 = arith.constant 0 : i32
    %cond3A_34 = arith.cmpi ne, %convert_element_type3A_32, %cond3A_33 : i32
    scf.if %cond3A_34 {
      %mul3A_87 = arith.constant 128 : i32
      %mul3A_88 = arith.muli %add3A_29, %mul3A_87 : i32
      %mul3A_89 = arith.constant 128 : i32
      %mul3A_90 = arith.muli %add3A_29, %mul3A_89 : i32
      "tpu.region"() ({
        %run_scoped3A = tpu.sem_alloc : memref<!tpu.dma_semaphore, #tpu.memory_space<semaphore_mem>>
        %dma_start3A = arith.constant 0 : i32
        %dma_start3A_91 = tpu.memref_slice %arg7[%mul3A_90, %dma_start3A] : memref<10000x128xf32, #tpu.memory_space<vmem_shared>> -> memref<128x128xf32, #tpu.memory_space<vmem_shared>>
        %dma_start3A_92 = arith.constant 0 : i32
        %dma_start3A_93 = tpu.memref_slice %arg4[%mul3A_88, %dma_start3A_92] : memref<10000x128xf32, #tpu.memory_space<hbm>> -> memref<128x128xf32, #tpu.memory_space<hbm>>
        tpu.enqueue_dma source(%dma_start3A_93 : memref<128x128xf32, #tpu.memory_space<hbm>>) target(%dma_start3A_91 : memref<128x128xf32, #tpu.memory_space<vmem_shared>>) target_semaphore(%run_scoped3A : memref<!tpu.dma_semaphore, #tpu.memory_space<semaphore_mem>>)
        %dma_wait3A = arith.constant 0 : i32
        %dma_wait3A_94 = tpu.memref_slice %arg7[%mul3A_90, %dma_wait3A] : memref<10000x128xf32, #tpu.memory_space<vmem_shared>> -> memref<128x128xf32, #tpu.memory_space<vmem_shared>>
        %dma_wait3A_95 = arith.constant 0 : i32
        %dma_wait3A_96 = tpu.memref_slice %arg4[%mul3A_88, %dma_wait3A_95] : memref<10000x128xf32, #tpu.memory_space<hbm>> -> memref<128x128xf32, #tpu.memory_space<hbm>>
        tpu.wait_dma2 semaphore(%run_scoped3A : memref<!tpu.dma_semaphore, #tpu.memory_space<semaphore_mem>>) src(%dma_wait3A_96 : memref<128x128xf32, #tpu.memory_space<hbm>>) dst(%dma_wait3A_94 : memref<128x128xf32, #tpu.memory_space<vmem_shared>>)
        tpu.yield
      }) : () -> ()
    } else {
    }
    %eq3A = arith.constant 0 : i32
    %eq3A_35 = arith.cmpi eq, %arg1, %eq3A : i32
    %convert_element_type3A_36 = arith.extui %eq3A_35 : i1 to i32
    %cond3A_37 = arith.constant 0 : i32
    %cond3A_38 = arith.cmpi ne, %convert_element_type3A_36, %cond3A_37 : i32
    scf.if %cond3A_38 {
      "tpu.region"() ({
        %run_scoped3A = tpu.sem_alloc : memref<!tpu.dma_semaphore, #tpu.memory_space<semaphore_mem>>
        %dma_start3A = arith.constant 9984 : i32
        %dma_start3A_87 = arith.constant 0 : i32
        %dma_start3A_88 = tpu.memref_slice %arg7[%dma_start3A, %dma_start3A_87] : memref<10000x128xf32, #tpu.memory_space<vmem_shared>> -> memref<16x128xf32, #tpu.memory_space<vmem_shared>>
        %dma_start3A_89 = arith.constant 9984 : i32
        %dma_start3A_90 = arith.constant 0 : i32
        %dma_start3A_91 = tpu.memref_slice %arg4[%dma_start3A_89, %dma_start3A_90] : memref<10000x128xf32, #tpu.memory_space<hbm>> -> memref<16x128xf32, #tpu.memory_space<hbm>>
        tpu.enqueue_dma source(%dma_start3A_91 : memref<16x128xf32, #tpu.memory_space<hbm>>) target(%dma_start3A_88 : memref<16x128xf32, #tpu.memory_space<vmem_shared>>) target_semaphore(%run_scoped3A : memref<!tpu.dma_semaphore, #tpu.memory_space<semaphore_mem>>)
        %dma_wait3A = arith.constant 9984 : i32
        %dma_wait3A_92 = arith.constant 0 : i32
        %dma_wait3A_93 = tpu.memref_slice %arg7[%dma_wait3A, %dma_wait3A_92] : memref<10000x128xf32, #tpu.memory_space<vmem_shared>> -> memref<16x128xf32, #tpu.memory_space<vmem_shared>>
        %dma_wait3A_94 = arith.constant 9984 : i32
        %dma_wait3A_95 = arith.constant 0 : i32
        %dma_wait3A_96 = tpu.memref_slice %arg4[%dma_wait3A_94, %dma_wait3A_95] : memref<10000x128xf32, #tpu.memory_space<hbm>> -> memref<16x128xf32, #tpu.memory_space<hbm>>
        tpu.wait_dma2 semaphore(%run_scoped3A : memref<!tpu.dma_semaphore, #tpu.memory_space<semaphore_mem>>) src(%dma_wait3A_96 : memref<16x128xf32, #tpu.memory_space<hbm>>) dst(%dma_wait3A_93 : memref<16x128xf32, #tpu.memory_space<vmem_shared>>)
        tpu.yield
      }) : () -> ()
    } else {
    }
    %barrier3A = arith.constant 0 : index
    tpu.barrier barrier_id(%barrier3A)
    %scan3A = arith.constant 0 : i32
    %scan3A_39 = arith.constant 0 : i32
    %scan3A_40 = arith.constant 31 : i32
    %scan3A_41 = arith.addi %scan3A_39, %scan3A_40 : i32
    %scan3A_42 = arith.constant 1 : i32
    scf.for %scan3A_87 = %scan3A_39 to %scan3A_41 step %scan3A_42  : i32 {
      %mul3A_88 = arith.constant 320 : i32
      %mul3A_89 = arith.muli %scan3A_87, %mul3A_88 : i32
      %add3A_90 = arith.addi %mul3A_2, %mul3A_89 : i32
      %dma_start3A = arith.constant 0 : i32
      %dma_start3A_91 = tpu.memref_slice %arg2[%add3A_90, %dma_start3A] : memref<320000x128xf32, #tpu.memory_space<hbm>> -> memref<320x128xf32, #tpu.memory_space<hbm>>
      %dma_start3A_92 = arith.constant 0 : i32
      %dma_start3A_93 = tpu.memref_slice %arg2[%add3A_90, %dma_start3A_92] : memref<320000x128xf32, #tpu.memory_space<hbm>> -> memref<320x128xf32, #tpu.memory_space<hbm>>
      tpu.enqueue_dma source(%dma_start3A_93 : memref<320x128xf32, #tpu.memory_space<hbm>>) target(%arg12 : memref<320x128xf32, #tpu.memory_space<vmem>>) target_semaphore(%arg13 : memref<!tpu.dma_semaphore, #tpu.memory_space<semaphore_mem>>)
      %add3A_94 = arith.constant 0 : i32
      %add3A_95 = arith.addi %add3A_90, %add3A_94 : i32
      %dma_start3A_96 = tpu.memref_slice %arg3[%add3A_95] : memref<320000xi32, #tpu.memory_space<hbm>> -> memref<80xi32, #tpu.memory_space<hbm>>
      %dma_start3A_97 = tpu.memref_slice %arg3[%add3A_95] : memref<320000xi32, #tpu.memory_space<hbm>> -> memref<80xi32, #tpu.memory_space<hbm>>
      tpu.enqueue_dma source(%dma_start3A_97 : memref<80xi32, #tpu.memory_space<hbm>>) target(%arg8 : memref<80xi32, #tpu.memory_space<vmem>>) target_semaphore(%arg14 : memref<!tpu.dma_semaphore, #tpu.memory_space<semaphore_mem>>)
      %add3A_98 = arith.constant 80 : i32
      %add3A_99 = arith.addi %add3A_90, %add3A_98 : i32
      %dma_start3A_100 = tpu.memref_slice %arg3[%add3A_99] : memref<320000xi32, #tpu.memory_space<hbm>> -> memref<80xi32, #tpu.memory_space<hbm>>
      %dma_start3A_101 = tpu.memref_slice %arg3[%add3A_99] : memref<320000xi32, #tpu.memory_space<hbm>> -> memref<80xi32, #tpu.memory_space<hbm>>
      tpu.enqueue_dma source(%dma_start3A_101 : memref<80xi32, #tpu.memory_space<hbm>>) target(%arg9 : memref<80xi32, #tpu.memory_space<vmem>>) target_semaphore(%arg14 : memref<!tpu.dma_semaphore, #tpu.memory_space<semaphore_mem>>)
      %add3A_102 = arith.constant 160 : i32
      %add3A_103 = arith.addi %add3A_90, %add3A_102 : i32
      %dma_start3A_104 = tpu.memref_slice %arg3[%add3A_103] : memref<320000xi32, #tpu.memory_space<hbm>> -> memref<80xi32, #tpu.memory_space<hbm>>
      %dma_start3A_105 = tpu.memref_slice %arg3[%add3A_103] : memref<320000xi32, #tpu.memory_space<hbm>> -> memref<80xi32, #tpu.memory_space<hbm>>
      tpu.enqueue_dma source(%dma_start3A_105 : memref<80xi32, #tpu.memory_space<hbm>>) target(%arg10 : memref<80xi32, #tpu.memory_space<vmem>>) target_semaphore(%arg14 : memref<!tpu.dma_semaphore, #tpu.memory_space<semaphore_mem>>)
      %add3A_106 = arith.constant 240 : i32
      %add3A_107 = arith.addi %add3A_90, %add3A_106 : i32
      %dma_start3A_108 = tpu.memref_slice %arg3[%add3A_107] : memref<320000xi32, #tpu.memory_space<hbm>> -> memref<80xi32, #tpu.memory_space<hbm>>
      %dma_start3A_109 = tpu.memref_slice %arg3[%add3A_107] : memref<320000xi32, #tpu.memory_space<hbm>> -> memref<80xi32, #tpu.memory_space<hbm>>
      tpu.enqueue_dma source(%dma_start3A_109 : memref<80xi32, #tpu.memory_space<hbm>>) target(%arg11 : memref<80xi32, #tpu.memory_space<vmem>>) target_semaphore(%arg14 : memref<!tpu.dma_semaphore, #tpu.memory_space<semaphore_mem>>)
      %dma_wait3A = arith.constant 0 : i32
      %dma_wait3A_110 = tpu.memref_slice %arg2[%add3A_90, %dma_wait3A] : memref<320000x128xf32, #tpu.memory_space<hbm>> -> memref<320x128xf32, #tpu.memory_space<hbm>>
      %dma_wait3A_111 = arith.constant 0 : i32
      %dma_wait3A_112 = tpu.memref_slice %arg2[%add3A_90, %dma_wait3A_111] : memref<320000x128xf32, #tpu.memory_space<hbm>> -> memref<320x128xf32, #tpu.memory_space<hbm>>
      tpu.wait_dma2 semaphore(%arg13 : memref<!tpu.dma_semaphore, #tpu.memory_space<semaphore_mem>>) src(%dma_wait3A_112 : memref<320x128xf32, #tpu.memory_space<hbm>>) dst(%arg12 : memref<320x128xf32, #tpu.memory_space<vmem>>)
      %dma_wait3A_113 = tpu.memref_slice %arg3[%add3A_95] : memref<320000xi32, #tpu.memory_space<hbm>> -> memref<80xi32, #tpu.memory_space<hbm>>
      %dma_wait3A_114 = tpu.memref_slice %arg3[%add3A_95] : memref<320000xi32, #tpu.memory_space<hbm>> -> memref<80xi32, #tpu.memory_space<hbm>>
      tpu.wait_dma2 semaphore(%arg14 : memref<!tpu.dma_semaphore, #tpu.memory_space<semaphore_mem>>) src(%dma_wait3A_114 : memref<80xi32, #tpu.memory_space<hbm>>) dst(%arg8 : memref<80xi32, #tpu.memory_space<vmem>>)
      %dma_wait3A_115 = tpu.memref_slice %arg3[%add3A_99] : memref<320000xi32, #tpu.memory_space<hbm>> -> memref<80xi32, #tpu.memory_space<hbm>>
      %dma_wait3A_116 = tpu.memref_slice %arg3[%add3A_99] : memref<320000xi32, #tpu.memory_space<hbm>> -> memref<80xi32, #tpu.memory_space<hbm>>
      tpu.wait_dma2 semaphore(%arg14 : memref<!tpu.dma_semaphore, #tpu.memory_space<semaphore_mem>>) src(%dma_wait3A_116 : memref<80xi32, #tpu.memory_space<hbm>>) dst(%arg9 : memref<80xi32, #tpu.memory_space<vmem>>)
      %dma_wait3A_117 = tpu.memref_slice %arg3[%add3A_103] : memref<320000xi32, #tpu.memory_space<hbm>> -> memref<80xi32, #tpu.memory_space<hbm>>
      %dma_wait3A_118 = tpu.memref_slice %arg3[%add3A_103] : memref<320000xi32, #tpu.memory_space<hbm>> -> memref<80xi32, #tpu.memory_space<hbm>>
      tpu.wait_dma2 semaphore(%arg14 : memref<!tpu.dma_semaphore, #tpu.memory_space<semaphore_mem>>) src(%dma_wait3A_118 : memref<80xi32, #tpu.memory_space<hbm>>) dst(%arg10 : memref<80xi32, #tpu.memory_space<vmem>>)
      %dma_wait3A_119 = tpu.memref_slice %arg3[%add3A_107] : memref<320000xi32, #tpu.memory_space<hbm>> -> memref<80xi32, #tpu.memory_space<hbm>>
      %dma_wait3A_120 = tpu.memref_slice %arg3[%add3A_107] : memref<320000xi32, #tpu.memory_space<hbm>> -> memref<80xi32, #tpu.memory_space<hbm>>
      tpu.wait_dma2 semaphore(%arg14 : memref<!tpu.dma_semaphore, #tpu.memory_space<semaphore_mem>>) src(%dma_wait3A_120 : memref<80xi32, #tpu.memory_space<hbm>>) dst(%arg11 : memref<80xi32, #tpu.memory_space<vmem>>)
      "tpu.region"() ({
        %run_scoped3A = tpu.sem_alloc : memref<!tpu.dma_semaphore, #tpu.memory_space<semaphore_mem>>
        %dma_start3A_121 = arith.constant 0 : i32
        %dma_start3A_122 = arith.constant 0 : i32
        %dma_start3A_123 = tpu.memref_slice %arg12[%dma_start3A_121, %dma_start3A_122] : memref<320x128xf32, #tpu.memory_space<vmem>> -> memref<80x128xf32, #tpu.memory_space<vmem>>
        %dma_start3A_124 = arith.constant 0 : i32
        %dma_start3A_125 = arith.constant 0 : i32
        %dma_start3A_126 = tpu.memref_slice %arg7[%dma_start3A_124, %dma_start3A_125] : memref<10000x128xf32, #tpu.memory_space<vmem_shared>> -> memref<10000x128xf32, #tpu.memory_space<vmem_shared>>
        tpu.enqueue_indirect_dma source(%dma_start3A_123 : memref<80x128xf32, #tpu.memory_space<vmem>>) target(%dma_start3A_126 : memref<10000x128xf32, #tpu.memory_space<vmem_shared>>) offsets(%arg8 : memref<80xi32, #tpu.memory_space<vmem>>) semaphore(%run_scoped3A : memref<!tpu.dma_semaphore, #tpu.memory_space<semaphore_mem>>) {add = true}
        %dma_wait3A_127 = arith.constant 0 : i32
        %dma_wait3A_128 = arith.constant 0 : i32
        %dma_wait3A_129 = tpu.memref_slice %arg12[%dma_wait3A_127, %dma_wait3A_128] : memref<320x128xf32, #tpu.memory_space<vmem>> -> memref<80x128xf32, #tpu.memory_space<vmem>>
        %dma_wait3A_130 = arith.constant 0 : i32
        %dma_wait3A_131 = arith.constant 0 : i32
        %dma_wait3A_132 = tpu.memref_slice %arg7[%dma_wait3A_130, %dma_wait3A_131] : memref<10000x128xf32, #tpu.memory_space<vmem_shared>> -> memref<10000x128xf32, #tpu.memory_space<vmem_shared>>
        tpu.wait_indirect_dma semaphore(%run_scoped3A : memref<!tpu.dma_semaphore, #tpu.memory_space<semaphore_mem>>) src(%dma_wait3A_129 : memref<80x128xf32, #tpu.memory_space<vmem>>) dst(%dma_wait3A_132 : memref<10000x128xf32, #tpu.memory_space<vmem_shared>>)
        tpu.yield
      }) : () -> ()
      "tpu.region"() ({
        %run_scoped3A = tpu.sem_alloc : memref<!tpu.dma_semaphore, #tpu.memory_space<semaphore_mem>>
        %dma_start3A_121 = arith.constant 80 : i32
        %dma_start3A_122 = arith.constant 0 : i32
        %dma_start3A_123 = tpu.memref_slice %arg12[%dma_start3A_121, %dma_start3A_122] : memref<320x128xf32, #tpu.memory_space<vmem>> -> memref<80x128xf32, #tpu.memory_space<vmem>>
        %dma_start3A_124 = arith.constant 0 : i32
        %dma_start3A_125 = arith.constant 0 : i32
        %dma_start3A_126 = tpu.memref_slice %arg7[%dma_start3A_124, %dma_start3A_125] : memref<10000x128xf32, #tpu.memory_space<vmem_shared>> -> memref<10000x128xf32, #tpu.memory_space<vmem_shared>>
        tpu.enqueue_indirect_dma source(%dma_start3A_123 : memref<80x128xf32, #tpu.memory_space<vmem>>) target(%dma_start3A_126 : memref<10000x128xf32, #tpu.memory_space<vmem_shared>>) offsets(%arg9 : memref<80xi32, #tpu.memory_space<vmem>>) semaphore(%run_scoped3A : memref<!tpu.dma_semaphore, #tpu.memory_space<semaphore_mem>>) {add = true}
        %dma_wait3A_127 = arith.constant 80 : i32
        %dma_wait3A_128 = arith.constant 0 : i32
        %dma_wait3A_129 = tpu.memref_slice %arg12[%dma_wait3A_127, %dma_wait3A_128] : memref<320x128xf32, #tpu.memory_space<vmem>> -> memref<80x128xf32, #tpu.memory_space<vmem>>
        %dma_wait3A_130 = arith.constant 0 : i32
        %dma_wait3A_131 = arith.constant 0 : i32
        %dma_wait3A_132 = tpu.memref_slice %arg7[%dma_wait3A_130, %dma_wait3A_131] : memref<10000x128xf32, #tpu.memory_space<vmem_shared>> -> memref<10000x128xf32, #tpu.memory_space<vmem_shared>>
        tpu.wait_indirect_dma semaphore(%run_scoped3A : memref<!tpu.dma_semaphore, #tpu.memory_space<semaphore_mem>>) src(%dma_wait3A_129 : memref<80x128xf32, #tpu.memory_space<vmem>>) dst(%dma_wait3A_132 : memref<10000x128xf32, #tpu.memory_space<vmem_shared>>)
        tpu.yield
      }) : () -> ()
      "tpu.region"() ({
        %run_scoped3A = tpu.sem_alloc : memref<!tpu.dma_semaphore, #tpu.memory_space<semaphore_mem>>
        %dma_start3A_121 = arith.constant 160 : i32
        %dma_start3A_122 = arith.constant 0 : i32
        %dma_start3A_123 = tpu.memref_slice %arg12[%dma_start3A_121, %dma_start3A_122] : memref<320x128xf32, #tpu.memory_space<vmem>> -> memref<80x128xf32, #tpu.memory_space<vmem>>
        %dma_start3A_124 = arith.constant 0 : i32
        %dma_start3A_125 = arith.constant 0 : i32
        %dma_start3A_126 = tpu.memref_slice %arg7[%dma_start3A_124, %dma_start3A_125] : memref<10000x128xf32, #tpu.memory_space<vmem_shared>> -> memref<10000x128xf32, #tpu.memory_space<vmem_shared>>
        tpu.enqueue_indirect_dma source(%dma_start3A_123 : memref<80x128xf32, #tpu.memory_space<vmem>>) target(%dma_start3A_126 : memref<10000x128xf32, #tpu.memory_space<vmem_shared>>) offsets(%arg10 : memref<80xi32, #tpu.memory_space<vmem>>) semaphore(%run_scoped3A : memref<!tpu.dma_semaphore, #tpu.memory_space<semaphore_mem>>) {add = true}
        %dma_wait3A_127 = arith.constant 160 : i32
        %dma_wait3A_128 = arith.constant 0 : i32
        %dma_wait3A_129 = tpu.memref_slice %arg12[%dma_wait3A_127, %dma_wait3A_128] : memref<320x128xf32, #tpu.memory_space<vmem>> -> memref<80x128xf32, #tpu.memory_space<vmem>>
        %dma_wait3A_130 = arith.constant 0 : i32
        %dma_wait3A_131 = arith.constant 0 : i32
        %dma_wait3A_132 = tpu.memref_slice %arg7[%dma_wait3A_130, %dma_wait3A_131] : memref<10000x128xf32, #tpu.memory_space<vmem_shared>> -> memref<10000x128xf32, #tpu.memory_space<vmem_shared>>
        tpu.wait_indirect_dma semaphore(%run_scoped3A : memref<!tpu.dma_semaphore, #tpu.memory_space<semaphore_mem>>) src(%dma_wait3A_129 : memref<80x128xf32, #tpu.memory_space<vmem>>) dst(%dma_wait3A_132 : memref<10000x128xf32, #tpu.memory_space<vmem_shared>>)
        tpu.yield
      }) : () -> ()
      "tpu.region"() ({
        %run_scoped3A = tpu.sem_alloc : memref<!tpu.dma_semaphore, #tpu.memory_space<semaphore_mem>>
        %dma_start3A_121 = arith.constant 240 : i32
        %dma_start3A_122 = arith.constant 0 : i32
        %dma_start3A_123 = tpu.memref_slice %arg12[%dma_start3A_121, %dma_start3A_122] : memref<320x128xf32, #tpu.memory_space<vmem>> -> memref<80x128xf32, #tpu.memory_space<vmem>>
        %dma_start3A_124 = arith.constant 0 : i32
        %dma_start3A_125 = arith.constant 0 : i32
        %dma_start3A_126 = tpu.memref_slice %arg7[%dma_start3A_124, %dma_start3A_125] : memref<10000x128xf32, #tpu.memory_space<vmem_shared>> -> memref<10000x128xf32, #tpu.memory_space<vmem_shared>>
        tpu.enqueue_indirect_dma source(%dma_start3A_123 : memref<80x128xf32, #tpu.memory_space<vmem>>) target(%dma_start3A_126 : memref<10000x128xf32, #tpu.memory_space<vmem_shared>>) offsets(%arg11 : memref<80xi32, #tpu.memory_space<vmem>>) semaphore(%run_scoped3A : memref<!tpu.dma_semaphore, #tpu.memory_space<semaphore_mem>>) {add = true}
        %dma_wait3A_127 = arith.constant 240 : i32
        %dma_wait3A_128 = arith.constant 0 : i32
        %dma_wait3A_129 = tpu.memref_slice %arg12[%dma_wait3A_127, %dma_wait3A_128] : memref<320x128xf32, #tpu.memory_space<vmem>> -> memref<80x128xf32, #tpu.memory_space<vmem>>
        %dma_wait3A_130 = arith.constant 0 : i32
        %dma_wait3A_131 = arith.constant 0 : i32
        %dma_wait3A_132 = tpu.memref_slice %arg7[%dma_wait3A_130, %dma_wait3A_131] : memref<10000x128xf32, #tpu.memory_space<vmem_shared>> -> memref<10000x128xf32, #tpu.memory_space<vmem_shared>>
        tpu.wait_indirect_dma semaphore(%run_scoped3A : memref<!tpu.dma_semaphore, #tpu.memory_space<semaphore_mem>>) src(%dma_wait3A_129 : memref<80x128xf32, #tpu.memory_space<vmem>>) dst(%dma_wait3A_132 : memref<10000x128xf32, #tpu.memory_space<vmem_shared>>)
        tpu.yield
      }) : () -> ()
    }
    %scan3A_43 = arith.constant 31 : i32
    %add3A_44 = arith.constant 9920 : i32
    %add3A_45 = arith.addi %mul3A_2, %add3A_44 : i32
    "tpu.region"() ({
      %run_scoped3A = tpu.sem_alloc : memref<!tpu.dma_semaphore, #tpu.memory_space<semaphore_mem>>
      %dma_start3A = tpu.memref_slice %arg3[%add3A_45] : memref<320000xi32, #tpu.memory_space<hbm>> -> memref<80xi32, #tpu.memory_space<hbm>>
      %dma_start3A_87 = tpu.memref_slice %arg3[%add3A_45] : memref<320000xi32, #tpu.memory_space<hbm>> -> memref<80xi32, #tpu.memory_space<hbm>>
      tpu.enqueue_dma source(%dma_start3A_87 : memref<80xi32, #tpu.memory_space<hbm>>) target(%arg8 : memref<80xi32, #tpu.memory_space<vmem>>) target_semaphore(%run_scoped3A : memref<!tpu.dma_semaphore, #tpu.memory_space<semaphore_mem>>)
      %dma_wait3A = tpu.memref_slice %arg3[%add3A_45] : memref<320000xi32, #tpu.memory_space<hbm>> -> memref<80xi32, #tpu.memory_space<hbm>>
      %dma_wait3A_88 = tpu.memref_slice %arg3[%add3A_45] : memref<320000xi32, #tpu.memory_space<hbm>> -> memref<80xi32, #tpu.memory_space<hbm>>
      tpu.wait_dma2 semaphore(%run_scoped3A : memref<!tpu.dma_semaphore, #tpu.memory_space<semaphore_mem>>) src(%dma_wait3A_88 : memref<80xi32, #tpu.memory_space<hbm>>) dst(%arg8 : memref<80xi32, #tpu.memory_space<vmem>>)
      tpu.yield
    }) : () -> ()
    "tpu.region"() ({
      %run_scoped3A = tpu.sem_alloc : memref<!tpu.dma_semaphore, #tpu.memory_space<semaphore_mem>>
      %dma_start3A = arith.constant 0 : i32
      %dma_start3A_87 = arith.constant 0 : i32
      %dma_start3A_88 = tpu.memref_slice %arg12[%dma_start3A, %dma_start3A_87] : memref<320x128xf32, #tpu.memory_space<vmem>> -> memref<80x128xf32, #tpu.memory_space<vmem>>
      %dma_start3A_89 = arith.constant 0 : i32
      %dma_start3A_90 = tpu.memref_slice %arg2[%add3A_45, %dma_start3A_89] : memref<320000x128xf32, #tpu.memory_space<hbm>> -> memref<80x128xf32, #tpu.memory_space<hbm>>
      %dma_start3A_91 = arith.constant 0 : i32
      %dma_start3A_92 = arith.constant 0 : i32
      %dma_start3A_93 = tpu.memref_slice %arg12[%dma_start3A_91, %dma_start3A_92] : memref<320x128xf32, #tpu.memory_space<vmem>> -> memref<80x128xf32, #tpu.memory_space<vmem>>
      %dma_start3A_94 = arith.constant 0 : i32
      %dma_start3A_95 = tpu.memref_slice %arg2[%add3A_45, %dma_start3A_94] : memref<320000x128xf32, #tpu.memory_space<hbm>> -> memref<80x128xf32, #tpu.memory_space<hbm>>
      tpu.enqueue_dma source(%dma_start3A_95 : memref<80x128xf32, #tpu.memory_space<hbm>>) target(%dma_start3A_93 : memref<80x128xf32, #tpu.memory_space<vmem>>) target_semaphore(%run_scoped3A : memref<!tpu.dma_semaphore, #tpu.memory_space<semaphore_mem>>)
      %dma_wait3A = arith.constant 0 : i32
      %dma_wait3A_96 = arith.constant 0 : i32
      %dma_wait3A_97 = tpu.memref_slice %arg12[%dma_wait3A, %dma_wait3A_96] : memref<320x128xf32, #tpu.memory_space<vmem>> -> memref<80x128xf32, #tpu.memory_space<vmem>>
      %dma_wait3A_98 = arith.constant 0 : i32
      %dma_wait3A_99 = tpu.memref_slice %arg2[%add3A_45, %dma_wait3A_98] : memref<320000x128xf32, #tpu.memory_space<hbm>> -> memref<80x128xf32, #tpu.memory_space<hbm>>
      %dma_wait3A_100 = arith.constant 0 : i32
      %dma_wait3A_101 = arith.constant 0 : i32
      %dma_wait3A_102 = tpu.memref_slice %arg12[%dma_wait3A_100, %dma_wait3A_101] : memref<320x128xf32, #tpu.memory_space<vmem>> -> memref<80x128xf32, #tpu.memory_space<vmem>>
      %dma_wait3A_103 = arith.constant 0 : i32
      %dma_wait3A_104 = tpu.memref_slice %arg2[%add3A_45, %dma_wait3A_103] : memref<320000x128xf32, #tpu.memory_space<hbm>> -> memref<80x128xf32, #tpu.memory_space<hbm>>
      tpu.wait_dma2 semaphore(%run_scoped3A : memref<!tpu.dma_semaphore, #tpu.memory_space<semaphore_mem>>) src(%dma_wait3A_104 : memref<80x128xf32, #tpu.memory_space<hbm>>) dst(%dma_wait3A_102 : memref<80x128xf32, #tpu.memory_space<vmem>>)
      tpu.yield
    }) : () -> ()
    "tpu.region"() ({
      %run_scoped3A = tpu.sem_alloc : memref<!tpu.dma_semaphore, #tpu.memory_space<semaphore_mem>>
      %dma_start3A = arith.constant 0 : i32
      %dma_start3A_87 = arith.constant 0 : i32
      %dma_start3A_88 = tpu.memref_slice %arg12[%dma_start3A, %dma_start3A_87] : memref<320x128xf32, #tpu.memory_space<vmem>> -> memref<80x128xf32, #tpu.memory_space<vmem>>
      %dma_start3A_89 = arith.constant 0 : i32
      %dma_start3A_90 = arith.constant 0 : i32
      %dma_start3A_91 = tpu.memref_slice %arg7[%dma_start3A_89, %dma_start3A_90] : memref<10000x128xf32, #tpu.memory_space<vmem_shared>> -> memref<10000x128xf32, #tpu.memory_space<vmem_shared>>
      tpu.enqueue_indirect_dma source(%dma_start3A_88 : memref<80x128xf32, #tpu.memory_space<vmem>>) target(%dma_start3A_91 : memref<10000x128xf32, #tpu.memory_space<vmem_shared>>) offsets(%arg8 : memref<80xi32, #tpu.memory_space<vmem>>) semaphore(%run_scoped3A : memref<!tpu.dma_semaphore, #tpu.memory_space<semaphore_mem>>) {add = true}
      %dma_wait3A = arith.constant 0 : i32
      %dma_wait3A_92 = arith.constant 0 : i32
      %dma_wait3A_93 = tpu.memref_slice %arg12[%dma_wait3A, %dma_wait3A_92] : memref<320x128xf32, #tpu.memory_space<vmem>> -> memref<80x128xf32, #tpu.memory_space<vmem>>
      %dma_wait3A_94 = arith.constant 0 : i32
      %dma_wait3A_95 = arith.constant 0 : i32
      %dma_wait3A_96 = tpu.memref_slice %arg7[%dma_wait3A_94, %dma_wait3A_95] : memref<10000x128xf32, #tpu.memory_space<vmem_shared>> -> memref<10000x128xf32, #tpu.memory_space<vmem_shared>>
      tpu.wait_indirect_dma semaphore(%run_scoped3A : memref<!tpu.dma_semaphore, #tpu.memory_space<semaphore_mem>>) src(%dma_wait3A_93 : memref<80x128xf32, #tpu.memory_space<vmem>>) dst(%dma_wait3A_96 : memref<10000x128xf32, #tpu.memory_space<vmem_shared>>)
      tpu.yield
    }) : () -> ()
    %barrier3A_46 = arith.constant 0 : index
    tpu.barrier barrier_id(%barrier3A_46)
    %add3A_47 = arith.constant 0 : i32
    %add3A_48 = arith.addi %arg1, %add3A_47 : i32
    %lt3A_49 = arith.constant 78 : i32
    %lt3A_50 = arith.cmpi slt, %add3A_48, %lt3A_49 : i32
    %convert_element_type3A_51 = arith.extui %lt3A_50 : i1 to i32
    %cond3A_52 = arith.constant 0 : i32
    %cond3A_53 = arith.cmpi ne, %convert_element_type3A_51, %cond3A_52 : i32
    scf.if %cond3A_53 {
      %mul3A_87 = arith.constant 128 : i32
      %mul3A_88 = arith.muli %add3A_48, %mul3A_87 : i32
      %eq3A_89 = arith.constant 0 : i32
      %eq3A_90 = arith.cmpi eq, %arg0, %eq3A_89 : i32
      %convert_element_type3A_91 = arith.extui %eq3A_90 : i1 to i32
      %cond3A_92 = arith.constant 0 : i32
      %cond3A_93 = arith.cmpi ne, %convert_element_type3A_91, %cond3A_92 : i32
      scf.if %cond3A_93 {
        "tpu.region"() ({
          %run_scoped3A = tpu.sem_alloc : memref<!tpu.dma_semaphore, #tpu.memory_space<semaphore_mem>>
          %dma_start3A = arith.constant 0 : i32
          %dma_start3A_99 = tpu.memref_slice %arg5[%mul3A_88, %dma_start3A] : memref<10000x128xf32, #tpu.memory_space<hbm>> -> memref<128x128xf32, #tpu.memory_space<hbm>>
          %dma_start3A_100 = arith.constant 0 : i32
          %dma_start3A_101 = tpu.memref_slice %arg7[%mul3A_88, %dma_start3A_100] : memref<10000x128xf32, #tpu.memory_space<vmem_shared>> -> memref<128x128xf32, #tpu.memory_space<vmem_shared>>
          tpu.enqueue_dma source(%dma_start3A_101 : memref<128x128xf32, #tpu.memory_space<vmem_shared>>) target(%dma_start3A_99 : memref<128x128xf32, #tpu.memory_space<hbm>>) target_semaphore(%run_scoped3A : memref<!tpu.dma_semaphore, #tpu.memory_space<semaphore_mem>>)
          %dma_wait3A = arith.constant 0 : i32
          %dma_wait3A_102 = tpu.memref_slice %arg5[%mul3A_88, %dma_wait3A] : memref<10000x128xf32, #tpu.memory_space<hbm>> -> memref<128x128xf32, #tpu.memory_space<hbm>>
          %dma_wait3A_103 = arith.constant 0 : i32
          %dma_wait3A_104 = tpu.memref_slice %arg7[%mul3A_88, %dma_wait3A_103] : memref<10000x128xf32, #tpu.memory_space<vmem_shared>> -> memref<128x128xf32, #tpu.memory_space<vmem_shared>>
          tpu.wait_dma2 semaphore(%run_scoped3A : memref<!tpu.dma_semaphore, #tpu.memory_space<semaphore_mem>>) src(%dma_wait3A_104 : memref<128x128xf32, #tpu.memory_space<vmem_shared>>) dst(%dma_wait3A_102 : memref<128x128xf32, #tpu.memory_space<hbm>>)
          tpu.yield
        }) : () -> ()
      } else {
      }
      %eq3A_94 = arith.constant 1 : i32
      %eq3A_95 = arith.cmpi eq, %arg0, %eq3A_94 : i32
      %convert_element_type3A_96 = arith.extui %eq3A_95 : i1 to i32
      %cond3A_97 = arith.constant 0 : i32
      %cond3A_98 = arith.cmpi ne, %convert_element_type3A_96, %cond3A_97 : i32
      scf.if %cond3A_98 {
        "tpu.region"() ({
          %run_scoped3A = tpu.sem_alloc : memref<!tpu.dma_semaphore, #tpu.memory_space<semaphore_mem>>
          %dma_start3A = arith.constant 0 : i32
          %dma_start3A_99 = tpu.memref_slice %arg6[%mul3A_88, %dma_start3A] : memref<10000x128xf32, #tpu.memory_space<hbm>> -> memref<128x128xf32, #tpu.memory_space<hbm>>
          %dma_start3A_100 = arith.constant 0 : i32
          %dma_start3A_101 = tpu.memref_slice %arg7[%mul3A_88, %dma_start3A_100] : memref<10000x128xf32, #tpu.memory_space<vmem_shared>> -> memref<128x128xf32, #tpu.memory_space<vmem_shared>>
          tpu.enqueue_dma source(%dma_start3A_101 : memref<128x128xf32, #tpu.memory_space<vmem_shared>>) target(%dma_start3A_99 : memref<128x128xf32, #tpu.memory_space<hbm>>) target_semaphore(%run_scoped3A : memref<!tpu.dma_semaphore, #tpu.memory_space<semaphore_mem>>)
          %dma_wait3A = arith.constant 0 : i32
          %dma_wait3A_102 = tpu.memref_slice %arg6[%mul3A_88, %dma_wait3A] : memref<10000x128xf32, #tpu.memory_space<hbm>> -> memref<128x128xf32, #tpu.memory_space<hbm>>
          %dma_wait3A_103 = arith.constant 0 : i32
          %dma_wait3A_104 = tpu.memref_slice %arg7[%mul3A_88, %dma_wait3A_103] : memref<10000x128xf32, #tpu.memory_space<vmem_shared>> -> memref<128x128xf32, #tpu.memory_space<vmem_shared>>
          tpu.wait_dma2 semaphore(%run_scoped3A : memref<!tpu.dma_semaphore, #tpu.memory_space<semaphore_mem>>) src(%dma_wait3A_104 : memref<128x128xf32, #tpu.memory_space<vmem_shared>>) dst(%dma_wait3A_102 : memref<128x128xf32, #tpu.memory_space<hbm>>)
          tpu.yield
        }) : () -> ()
      } else {
      }
    } else {
    }
    %add3A_54 = arith.constant 16 : i32
    %add3A_55 = arith.addi %arg1, %add3A_54 : i32
    %lt3A_56 = arith.constant 78 : i32
    %lt3A_57 = arith.cmpi slt, %add3A_55, %lt3A_56 : i32
    %convert_element_type3A_58 = arith.extui %lt3A_57 : i1 to i32
    %cond3A_59 = arith.constant 0 : i32
    %cond3A_60 = arith.cmpi ne, %convert_element_type3A_58, %cond3A_59 : i32
    scf.if %cond3A_60 {
      %mul3A_87 = arith.constant 128 : i32
      %mul3A_88 = arith.muli %add3A_55, %mul3A_87 : i32
      %eq3A_89 = arith.constant 0 : i32
      %eq3A_90 = arith.cmpi eq, %arg0, %eq3A_89 : i32
      %convert_element_type3A_91 = arith.extui %eq3A_90 : i1 to i32
      %cond3A_92 = arith.constant 0 : i32
      %cond3A_93 = arith.cmpi ne, %convert_element_type3A_91, %cond3A_92 : i32
      scf.if %cond3A_93 {
        "tpu.region"() ({
          %run_scoped3A = tpu.sem_alloc : memref<!tpu.dma_semaphore, #tpu.memory_space<semaphore_mem>>
          %dma_start3A = arith.constant 0 : i32
          %dma_start3A_99 = tpu.memref_slice %arg5[%mul3A_88, %dma_start3A] : memref<10000x128xf32, #tpu.memory_space<hbm>> -> memref<128x128xf32, #tpu.memory_space<hbm>>
          %dma_start3A_100 = arith.constant 0 : i32
          %dma_start3A_101 = tpu.memref_slice %arg7[%mul3A_88, %dma_start3A_100] : memref<10000x128xf32, #tpu.memory_space<vmem_shared>> -> memref<128x128xf32, #tpu.memory_space<vmem_shared>>
          tpu.enqueue_dma source(%dma_start3A_101 : memref<128x128xf32, #tpu.memory_space<vmem_shared>>) target(%dma_start3A_99 : memref<128x128xf32, #tpu.memory_space<hbm>>) target_semaphore(%run_scoped3A : memref<!tpu.dma_semaphore, #tpu.memory_space<semaphore_mem>>)
          %dma_wait3A = arith.constant 0 : i32
          %dma_wait3A_102 = tpu.memref_slice %arg5[%mul3A_88, %dma_wait3A] : memref<10000x128xf32, #tpu.memory_space<hbm>> -> memref<128x128xf32, #tpu.memory_space<hbm>>
          %dma_wait3A_103 = arith.constant 0 : i32
          %dma_wait3A_104 = tpu.memref_slice %arg7[%mul3A_88, %dma_wait3A_103] : memref<10000x128xf32, #tpu.memory_space<vmem_shared>> -> memref<128x128xf32, #tpu.memory_space<vmem_shared>>
          tpu.wait_dma2 semaphore(%run_scoped3A : memref<!tpu.dma_semaphore, #tpu.memory_space<semaphore_mem>>) src(%dma_wait3A_104 : memref<128x128xf32, #tpu.memory_space<vmem_shared>>) dst(%dma_wait3A_102 : memref<128x128xf32, #tpu.memory_space<hbm>>)
          tpu.yield
        }) : () -> ()
      } else {
      }
      %eq3A_94 = arith.constant 1 : i32
      %eq3A_95 = arith.cmpi eq, %arg0, %eq3A_94 : i32
      %convert_element_type3A_96 = arith.extui %eq3A_95 : i1 to i32
      %cond3A_97 = arith.constant 0 : i32
      %cond3A_98 = arith.cmpi ne, %convert_element_type3A_96, %cond3A_97 : i32
      scf.if %cond3A_98 {
        "tpu.region"() ({
          %run_scoped3A = tpu.sem_alloc : memref<!tpu.dma_semaphore, #tpu.memory_space<semaphore_mem>>
          %dma_start3A = arith.constant 0 : i32
          %dma_start3A_99 = tpu.memref_slice %arg6[%mul3A_88, %dma_start3A] : memref<10000x128xf32, #tpu.memory_space<hbm>> -> memref<128x128xf32, #tpu.memory_space<hbm>>
          %dma_start3A_100 = arith.constant 0 : i32
          %dma_start3A_101 = tpu.memref_slice %arg7[%mul3A_88, %dma_start3A_100] : memref<10000x128xf32, #tpu.memory_space<vmem_shared>> -> memref<128x128xf32, #tpu.memory_space<vmem_shared>>
          tpu.enqueue_dma source(%dma_start3A_101 : memref<128x128xf32, #tpu.memory_space<vmem_shared>>) target(%dma_start3A_99 : memref<128x128xf32, #tpu.memory_space<hbm>>) target_semaphore(%run_scoped3A : memref<!tpu.dma_semaphore, #tpu.memory_space<semaphore_mem>>)
          %dma_wait3A = arith.constant 0 : i32
          %dma_wait3A_102 = tpu.memref_slice %arg6[%mul3A_88, %dma_wait3A] : memref<10000x128xf32, #tpu.memory_space<hbm>> -> memref<128x128xf32, #tpu.memory_space<hbm>>
          %dma_wait3A_103 = arith.constant 0 : i32
          %dma_wait3A_104 = tpu.memref_slice %arg7[%mul3A_88, %dma_wait3A_103] : memref<10000x128xf32, #tpu.memory_space<vmem_shared>> -> memref<128x128xf32, #tpu.memory_space<vmem_shared>>
          tpu.wait_dma2 semaphore(%run_scoped3A : memref<!tpu.dma_semaphore, #tpu.memory_space<semaphore_mem>>) src(%dma_wait3A_104 : memref<128x128xf32, #tpu.memory_space<vmem_shared>>) dst(%dma_wait3A_102 : memref<128x128xf32, #tpu.memory_space<hbm>>)
          tpu.yield
        }) : () -> ()
      } else {
      }
    } else {
    }
    %add3A_61 = arith.constant 32 : i32
    %add3A_62 = arith.addi %arg1, %add3A_61 : i32
    %lt3A_63 = arith.constant 78 : i32
    %lt3A_64 = arith.cmpi slt, %add3A_62, %lt3A_63 : i32
    %convert_element_type3A_65 = arith.extui %lt3A_64 : i1 to i32
    %cond3A_66 = arith.constant 0 : i32
    %cond3A_67 = arith.cmpi ne, %convert_element_type3A_65, %cond3A_66 : i32
    scf.if %cond3A_67 {
      %mul3A_87 = arith.constant 128 : i32
      %mul3A_88 = arith.muli %add3A_62, %mul3A_87 : i32
      %eq3A_89 = arith.constant 0 : i32
      %eq3A_90 = arith.cmpi eq, %arg0, %eq3A_89 : i32
      %convert_element_type3A_91 = arith.extui %eq3A_90 : i1 to i32
      %cond3A_92 = arith.constant 0 : i32
      %cond3A_93 = arith.cmpi ne, %convert_element_type3A_91, %cond3A_92 : i32
      scf.if %cond3A_93 {
        "tpu.region"() ({
          %run_scoped3A = tpu.sem_alloc : memref<!tpu.dma_semaphore, #tpu.memory_space<semaphore_mem>>
          %dma_start3A = arith.constant 0 : i32
          %dma_start3A_99 = tpu.memref_slice %arg5[%mul3A_88, %dma_start3A] : memref<10000x128xf32, #tpu.memory_space<hbm>> -> memref<128x128xf32, #tpu.memory_space<hbm>>
          %dma_start3A_100 = arith.constant 0 : i32
          %dma_start3A_101 = tpu.memref_slice %arg7[%mul3A_88, %dma_start3A_100] : memref<10000x128xf32, #tpu.memory_space<vmem_shared>> -> memref<128x128xf32, #tpu.memory_space<vmem_shared>>
          tpu.enqueue_dma source(%dma_start3A_101 : memref<128x128xf32, #tpu.memory_space<vmem_shared>>) target(%dma_start3A_99 : memref<128x128xf32, #tpu.memory_space<hbm>>) target_semaphore(%run_scoped3A : memref<!tpu.dma_semaphore, #tpu.memory_space<semaphore_mem>>)
          %dma_wait3A = arith.constant 0 : i32
          %dma_wait3A_102 = tpu.memref_slice %arg5[%mul3A_88, %dma_wait3A] : memref<10000x128xf32, #tpu.memory_space<hbm>> -> memref<128x128xf32, #tpu.memory_space<hbm>>
          %dma_wait3A_103 = arith.constant 0 : i32
          %dma_wait3A_104 = tpu.memref_slice %arg7[%mul3A_88, %dma_wait3A_103] : memref<10000x128xf32, #tpu.memory_space<vmem_shared>> -> memref<128x128xf32, #tpu.memory_space<vmem_shared>>
          tpu.wait_dma2 semaphore(%run_scoped3A : memref<!tpu.dma_semaphore, #tpu.memory_space<semaphore_mem>>) src(%dma_wait3A_104 : memref<128x128xf32, #tpu.memory_space<vmem_shared>>) dst(%dma_wait3A_102 : memref<128x128xf32, #tpu.memory_space<hbm>>)
          tpu.yield
        }) : () -> ()
      } else {
      }
      %eq3A_94 = arith.constant 1 : i32
      %eq3A_95 = arith.cmpi eq, %arg0, %eq3A_94 : i32
      %convert_element_type3A_96 = arith.extui %eq3A_95 : i1 to i32
      %cond3A_97 = arith.constant 0 : i32
      %cond3A_98 = arith.cmpi ne, %convert_element_type3A_96, %cond3A_97 : i32
      scf.if %cond3A_98 {
        "tpu.region"() ({
          %run_scoped3A = tpu.sem_alloc : memref<!tpu.dma_semaphore, #tpu.memory_space<semaphore_mem>>
          %dma_start3A = arith.constant 0 : i32
          %dma_start3A_99 = tpu.memref_slice %arg6[%mul3A_88, %dma_start3A] : memref<10000x128xf32, #tpu.memory_space<hbm>> -> memref<128x128xf32, #tpu.memory_space<hbm>>
          %dma_start3A_100 = arith.constant 0 : i32
          %dma_start3A_101 = tpu.memref_slice %arg7[%mul3A_88, %dma_start3A_100] : memref<10000x128xf32, #tpu.memory_space<vmem_shared>> -> memref<128x128xf32, #tpu.memory_space<vmem_shared>>
          tpu.enqueue_dma source(%dma_start3A_101 : memref<128x128xf32, #tpu.memory_space<vmem_shared>>) target(%dma_start3A_99 : memref<128x128xf32, #tpu.memory_space<hbm>>) target_semaphore(%run_scoped3A : memref<!tpu.dma_semaphore, #tpu.memory_space<semaphore_mem>>)
          %dma_wait3A = arith.constant 0 : i32
          %dma_wait3A_102 = tpu.memref_slice %arg6[%mul3A_88, %dma_wait3A] : memref<10000x128xf32, #tpu.memory_space<hbm>> -> memref<128x128xf32, #tpu.memory_space<hbm>>
          %dma_wait3A_103 = arith.constant 0 : i32
          %dma_wait3A_104 = tpu.memref_slice %arg7[%mul3A_88, %dma_wait3A_103] : memref<10000x128xf32, #tpu.memory_space<vmem_shared>> -> memref<128x128xf32, #tpu.memory_space<vmem_shared>>
          tpu.wait_dma2 semaphore(%run_scoped3A : memref<!tpu.dma_semaphore, #tpu.memory_space<semaphore_mem>>) src(%dma_wait3A_104 : memref<128x128xf32, #tpu.memory_space<vmem_shared>>) dst(%dma_wait3A_102 : memref<128x128xf32, #tpu.memory_space<hbm>>)
          tpu.yield
        }) : () -> ()
      } else {
      }
    } else {
    }
    %add3A_68 = arith.constant 48 : i32
    %add3A_69 = arith.addi %arg1, %add3A_68 : i32
    %lt3A_70 = arith.constant 78 : i32
    %lt3A_71 = arith.cmpi slt, %add3A_69, %lt3A_70 : i32
    %convert_element_type3A_72 = arith.extui %lt3A_71 : i1 to i32
    %cond3A_73 = arith.constant 0 : i32
    %cond3A_74 = arith.cmpi ne, %convert_element_type3A_72, %cond3A_73 : i32
    scf.if %cond3A_74 {
      %mul3A_87 = arith.constant 128 : i32
      %mul3A_88 = arith.muli %add3A_69, %mul3A_87 : i32
      %eq3A_89 = arith.constant 0 : i32
      %eq3A_90 = arith.cmpi eq, %arg0, %eq3A_89 : i32
      %convert_element_type3A_91 = arith.extui %eq3A_90 : i1 to i32
      %cond3A_92 = arith.constant 0 : i32
      %cond3A_93 = arith.cmpi ne, %convert_element_type3A_91, %cond3A_92 : i32
      scf.if %cond3A_93 {
        "tpu.region"() ({
          %run_scoped3A = tpu.sem_alloc : memref<!tpu.dma_semaphore, #tpu.memory_space<semaphore_mem>>
          %dma_start3A = arith.constant 0 : i32
          %dma_start3A_99 = tpu.memref_slice %arg5[%mul3A_88, %dma_start3A] : memref<10000x128xf32, #tpu.memory_space<hbm>> -> memref<128x128xf32, #tpu.memory_space<hbm>>
          %dma_start3A_100 = arith.constant 0 : i32
          %dma_start3A_101 = tpu.memref_slice %arg7[%mul3A_88, %dma_start3A_100] : memref<10000x128xf32, #tpu.memory_space<vmem_shared>> -> memref<128x128xf32, #tpu.memory_space<vmem_shared>>
          tpu.enqueue_dma source(%dma_start3A_101 : memref<128x128xf32, #tpu.memory_space<vmem_shared>>) target(%dma_start3A_99 : memref<128x128xf32, #tpu.memory_space<hbm>>) target_semaphore(%run_scoped3A : memref<!tpu.dma_semaphore, #tpu.memory_space<semaphore_mem>>)
          %dma_wait3A = arith.constant 0 : i32
          %dma_wait3A_102 = tpu.memref_slice %arg5[%mul3A_88, %dma_wait3A] : memref<10000x128xf32, #tpu.memory_space<hbm>> -> memref<128x128xf32, #tpu.memory_space<hbm>>
          %dma_wait3A_103 = arith.constant 0 : i32
          %dma_wait3A_104 = tpu.memref_slice %arg7[%mul3A_88, %dma_wait3A_103] : memref<10000x128xf32, #tpu.memory_space<vmem_shared>> -> memref<128x128xf32, #tpu.memory_space<vmem_shared>>
          tpu.wait_dma2 semaphore(%run_scoped3A : memref<!tpu.dma_semaphore, #tpu.memory_space<semaphore_mem>>) src(%dma_wait3A_104 : memref<128x128xf32, #tpu.memory_space<vmem_shared>>) dst(%dma_wait3A_102 : memref<128x128xf32, #tpu.memory_space<hbm>>)
          tpu.yield
        }) : () -> ()
      } else {
      }
      %eq3A_94 = arith.constant 1 : i32
      %eq3A_95 = arith.cmpi eq, %arg0, %eq3A_94 : i32
      %convert_element_type3A_96 = arith.extui %eq3A_95 : i1 to i32
      %cond3A_97 = arith.constant 0 : i32
      %cond3A_98 = arith.cmpi ne, %convert_element_type3A_96, %cond3A_97 : i32
      scf.if %cond3A_98 {
        "tpu.region"() ({
          %run_scoped3A = tpu.sem_alloc : memref<!tpu.dma_semaphore, #tpu.memory_space<semaphore_mem>>
          %dma_start3A = arith.constant 0 : i32
          %dma_start3A_99 = tpu.memref_slice %arg6[%mul3A_88, %dma_start3A] : memref<10000x128xf32, #tpu.memory_space<hbm>> -> memref<128x128xf32, #tpu.memory_space<hbm>>
          %dma_start3A_100 = arith.constant 0 : i32
          %dma_start3A_101 = tpu.memref_slice %arg7[%mul3A_88, %dma_start3A_100] : memref<10000x128xf32, #tpu.memory_space<vmem_shared>> -> memref<128x128xf32, #tpu.memory_space<vmem_shared>>
          tpu.enqueue_dma source(%dma_start3A_101 : memref<128x128xf32, #tpu.memory_space<vmem_shared>>) target(%dma_start3A_99 : memref<128x128xf32, #tpu.memory_space<hbm>>) target_semaphore(%run_scoped3A : memref<!tpu.dma_semaphore, #tpu.memory_space<semaphore_mem>>)
          %dma_wait3A = arith.constant 0 : i32
          %dma_wait3A_102 = tpu.memref_slice %arg6[%mul3A_88, %dma_wait3A] : memref<10000x128xf32, #tpu.memory_space<hbm>> -> memref<128x128xf32, #tpu.memory_space<hbm>>
          %dma_wait3A_103 = arith.constant 0 : i32
          %dma_wait3A_104 = tpu.memref_slice %arg7[%mul3A_88, %dma_wait3A_103] : memref<10000x128xf32, #tpu.memory_space<vmem_shared>> -> memref<128x128xf32, #tpu.memory_space<vmem_shared>>
          tpu.wait_dma2 semaphore(%run_scoped3A : memref<!tpu.dma_semaphore, #tpu.memory_space<semaphore_mem>>) src(%dma_wait3A_104 : memref<128x128xf32, #tpu.memory_space<vmem_shared>>) dst(%dma_wait3A_102 : memref<128x128xf32, #tpu.memory_space<hbm>>)
          tpu.yield
        }) : () -> ()
      } else {
      }
    } else {
    }
    %add3A_75 = arith.constant 64 : i32
    %add3A_76 = arith.addi %arg1, %add3A_75 : i32
    %lt3A_77 = arith.constant 78 : i32
    %lt3A_78 = arith.cmpi slt, %add3A_76, %lt3A_77 : i32
    %convert_element_type3A_79 = arith.extui %lt3A_78 : i1 to i32
    %cond3A_80 = arith.constant 0 : i32
    %cond3A_81 = arith.cmpi ne, %convert_element_type3A_79, %cond3A_80 : i32
    scf.if %cond3A_81 {
      %mul3A_87 = arith.constant 128 : i32
      %mul3A_88 = arith.muli %add3A_76, %mul3A_87 : i32
      %eq3A_89 = arith.constant 0 : i32
      %eq3A_90 = arith.cmpi eq, %arg0, %eq3A_89 : i32
      %convert_element_type3A_91 = arith.extui %eq3A_90 : i1 to i32
      %cond3A_92 = arith.constant 0 : i32
      %cond3A_93 = arith.cmpi ne, %convert_element_type3A_91, %cond3A_92 : i32
      scf.if %cond3A_93 {
        "tpu.region"() ({
          %run_scoped3A = tpu.sem_alloc : memref<!tpu.dma_semaphore, #tpu.memory_space<semaphore_mem>>
          %dma_start3A = arith.constant 0 : i32
          %dma_start3A_99 = tpu.memref_slice %arg5[%mul3A_88, %dma_start3A] : memref<10000x128xf32, #tpu.memory_space<hbm>> -> memref<128x128xf32, #tpu.memory_space<hbm>>
          %dma_start3A_100 = arith.constant 0 : i32
          %dma_start3A_101 = tpu.memref_slice %arg7[%mul3A_88, %dma_start3A_100] : memref<10000x128xf32, #tpu.memory_space<vmem_shared>> -> memref<128x128xf32, #tpu.memory_space<vmem_shared>>
          tpu.enqueue_dma source(%dma_start3A_101 : memref<128x128xf32, #tpu.memory_space<vmem_shared>>) target(%dma_start3A_99 : memref<128x128xf32, #tpu.memory_space<hbm>>) target_semaphore(%run_scoped3A : memref<!tpu.dma_semaphore, #tpu.memory_space<semaphore_mem>>)
          %dma_wait3A = arith.constant 0 : i32
          %dma_wait3A_102 = tpu.memref_slice %arg5[%mul3A_88, %dma_wait3A] : memref<10000x128xf32, #tpu.memory_space<hbm>> -> memref<128x128xf32, #tpu.memory_space<hbm>>
          %dma_wait3A_103 = arith.constant 0 : i32
          %dma_wait3A_104 = tpu.memref_slice %arg7[%mul3A_88, %dma_wait3A_103] : memref<10000x128xf32, #tpu.memory_space<vmem_shared>> -> memref<128x128xf32, #tpu.memory_space<vmem_shared>>
          tpu.wait_dma2 semaphore(%run_scoped3A : memref<!tpu.dma_semaphore, #tpu.memory_space<semaphore_mem>>) src(%dma_wait3A_104 : memref<128x128xf32, #tpu.memory_space<vmem_shared>>) dst(%dma_wait3A_102 : memref<128x128xf32, #tpu.memory_space<hbm>>)
          tpu.yield
        }) : () -> ()
      } else {
      }
      %eq3A_94 = arith.constant 1 : i32
      %eq3A_95 = arith.cmpi eq, %arg0, %eq3A_94 : i32
      %convert_element_type3A_96 = arith.extui %eq3A_95 : i1 to i32
      %cond3A_97 = arith.constant 0 : i32
      %cond3A_98 = arith.cmpi ne, %convert_element_type3A_96, %cond3A_97 : i32
      scf.if %cond3A_98 {
        "tpu.region"() ({
          %run_scoped3A = tpu.sem_alloc : memref<!tpu.dma_semaphore, #tpu.memory_space<semaphore_mem>>
          %dma_start3A = arith.constant 0 : i32
          %dma_start3A_99 = tpu.memref_slice %arg6[%mul3A_88, %dma_start3A] : memref<10000x128xf32, #tpu.memory_space<hbm>> -> memref<128x128xf32, #tpu.memory_space<hbm>>
          %dma_start3A_100 = arith.constant 0 : i32
          %dma_start3A_101 = tpu.memref_slice %arg7[%mul3A_88, %dma_start3A_100] : memref<10000x128xf32, #tpu.memory_space<vmem_shared>> -> memref<128x128xf32, #tpu.memory_space<vmem_shared>>
          tpu.enqueue_dma source(%dma_start3A_101 : memref<128x128xf32, #tpu.memory_space<vmem_shared>>) target(%dma_start3A_99 : memref<128x128xf32, #tpu.memory_space<hbm>>) target_semaphore(%run_scoped3A : memref<!tpu.dma_semaphore, #tpu.memory_space<semaphore_mem>>)
          %dma_wait3A = arith.constant 0 : i32
          %dma_wait3A_102 = tpu.memref_slice %arg6[%mul3A_88, %dma_wait3A] : memref<10000x128xf32, #tpu.memory_space<hbm>> -> memref<128x128xf32, #tpu.memory_space<hbm>>
          %dma_wait3A_103 = arith.constant 0 : i32
          %dma_wait3A_104 = tpu.memref_slice %arg7[%mul3A_88, %dma_wait3A_103] : memref<10000x128xf32, #tpu.memory_space<vmem_shared>> -> memref<128x128xf32, #tpu.memory_space<vmem_shared>>
          tpu.wait_dma2 semaphore(%run_scoped3A : memref<!tpu.dma_semaphore, #tpu.memory_space<semaphore_mem>>) src(%dma_wait3A_104 : memref<128x128xf32, #tpu.memory_space<vmem_shared>>) dst(%dma_wait3A_102 : memref<128x128xf32, #tpu.memory_space<hbm>>)
          tpu.yield
        }) : () -> ()
      } else {
      }
    } else {
    }
    %eq3A_82 = arith.constant 0 : i32
    %eq3A_83 = arith.cmpi eq, %arg1, %eq3A_82 : i32
    %convert_element_type3A_84 = arith.extui %eq3A_83 : i1 to i32
    %cond3A_85 = arith.constant 0 : i32
    %cond3A_86 = arith.cmpi ne, %convert_element_type3A_84, %cond3A_85 : i32
    scf.if %cond3A_86 {
      %eq3A_87 = arith.constant 0 : i32
      %eq3A_88 = arith.cmpi eq, %arg0, %eq3A_87 : i32
      %convert_element_type3A_89 = arith.extui %eq3A_88 : i1 to i32
      %cond3A_90 = arith.constant 0 : i32
      %cond3A_91 = arith.cmpi ne, %convert_element_type3A_89, %cond3A_90 : i32
      scf.if %cond3A_91 {
        "tpu.region"() ({
          %run_scoped3A = tpu.sem_alloc : memref<!tpu.dma_semaphore, #tpu.memory_space<semaphore_mem>>
          %dma_start3A = arith.constant 9984 : i32
          %dma_start3A_97 = arith.constant 0 : i32
          %dma_start3A_98 = tpu.memref_slice %arg5[%dma_start3A, %dma_start3A_97] : memref<10000x128xf32, #tpu.memory_space<hbm>> -> memref<16x128xf32, #tpu.memory_space<hbm>>
          %dma_start3A_99 = arith.constant 9984 : i32
          %dma_start3A_100 = arith.constant 0 : i32
          %dma_start3A_101 = tpu.memref_slice %arg7[%dma_start3A_99, %dma_start3A_100] : memref<10000x128xf32, #tpu.memory_space<vmem_shared>> -> memref<16x128xf32, #tpu.memory_space<vmem_shared>>
          tpu.enqueue_dma source(%dma_start3A_101 : memref<16x128xf32, #tpu.memory_space<vmem_shared>>) target(%dma_start3A_98 : memref<16x128xf32, #tpu.memory_space<hbm>>) target_semaphore(%run_scoped3A : memref<!tpu.dma_semaphore, #tpu.memory_space<semaphore_mem>>)
          %dma_wait3A = arith.constant 9984 : i32
          %dma_wait3A_102 = arith.constant 0 : i32
          %dma_wait3A_103 = tpu.memref_slice %arg5[%dma_wait3A, %dma_wait3A_102] : memref<10000x128xf32, #tpu.memory_space<hbm>> -> memref<16x128xf32, #tpu.memory_space<hbm>>
          %dma_wait3A_104 = arith.constant 9984 : i32
          %dma_wait3A_105 = arith.constant 0 : i32
          %dma_wait3A_106 = tpu.memref_slice %arg7[%dma_wait3A_104, %dma_wait3A_105] : memref<10000x128xf32, #tpu.memory_space<vmem_shared>> -> memref<16x128xf32, #tpu.memory_space<vmem_shared>>
          tpu.wait_dma2 semaphore(%run_scoped3A : memref<!tpu.dma_semaphore, #tpu.memory_space<semaphore_mem>>) src(%dma_wait3A_106 : memref<16x128xf32, #tpu.memory_space<vmem_shared>>) dst(%dma_wait3A_103 : memref<16x128xf32, #tpu.memory_space<hbm>>)
          tpu.yield
        }) : () -> ()
      } else {
      }
      %eq3A_92 = arith.constant 1 : i32
      %eq3A_93 = arith.cmpi eq, %arg0, %eq3A_92 : i32
      %convert_element_type3A_94 = arith.extui %eq3A_93 : i1 to i32
      %cond3A_95 = arith.constant 0 : i32
      %cond3A_96 = arith.cmpi ne, %convert_element_type3A_94, %cond3A_95 : i32
      scf.if %cond3A_96 {
        "tpu.region"() ({
          %run_scoped3A = tpu.sem_alloc : memref<!tpu.dma_semaphore, #tpu.memory_space<semaphore_mem>>
          %dma_start3A = arith.constant 9984 : i32
          %dma_start3A_97 = arith.constant 0 : i32
          %dma_start3A_98 = tpu.memref_slice %arg6[%dma_start3A, %dma_start3A_97] : memref<10000x128xf32, #tpu.memory_space<hbm>> -> memref<16x128xf32, #tpu.memory_space<hbm>>
          %dma_start3A_99 = arith.constant 9984 : i32
          %dma_start3A_100 = arith.constant 0 : i32
          %dma_start3A_101 = tpu.memref_slice %arg7[%dma_start3A_99, %dma_start3A_100] : memref<10000x128xf32, #tpu.memory_space<vmem_shared>> -> memref<16x128xf32, #tpu.memory_space<vmem_shared>>
          tpu.enqueue_dma source(%dma_start3A_101 : memref<16x128xf32, #tpu.memory_space<vmem_shared>>) target(%dma_start3A_98 : memref<16x128xf32, #tpu.memory_space<hbm>>) target_semaphore(%run_scoped3A : memref<!tpu.dma_semaphore, #tpu.memory_space<semaphore_mem>>)
          %dma_wait3A = arith.constant 9984 : i32
          %dma_wait3A_102 = arith.constant 0 : i32
          %dma_wait3A_103 = tpu.memref_slice %arg6[%dma_wait3A, %dma_wait3A_102] : memref<10000x128xf32, #tpu.memory_space<hbm>> -> memref<16x128xf32, #tpu.memory_space<hbm>>
          %dma_wait3A_104 = arith.constant 9984 : i32
          %dma_wait3A_105 = arith.constant 0 : i32
          %dma_wait3A_106 = tpu.memref_slice %arg7[%dma_wait3A_104, %dma_wait3A_105] : memref<10000x128xf32, #tpu.memory_space<vmem_shared>> -> memref<16x128xf32, #tpu.memory_space<vmem_shared>>
          tpu.wait_dma2 semaphore(%run_scoped3A : memref<!tpu.dma_semaphore, #tpu.memory_space<semaphore_mem>>) src(%dma_wait3A_106 : memref<16x128xf32, #tpu.memory_space<vmem_shared>>) dst(%dma_wait3A_103 : memref<16x128xf32, #tpu.memory_space<hbm>>)
          tpu.yield
        }) : () -> ()
      } else {
      }
    } else {
    }
    return
  }
}

#map = affine_map<(d0, d1) -> (0, 0)>
#map1 = affine_map<(d0, d1) -> (0)>
module attributes {stable_mosaic.version = 14 : i64} {
  func.func @k(%arg0: i32, %arg1: i32, %arg2: memref<10000x128xf32, #tpu.memory_space<hbm>>, %arg3: memref<10000x128xf32, #tpu.memory_space<hbm>>, %arg4: memref<320000xi32, #tpu.memory_space<hbm>>, %arg5: memref<320000xi32, #tpu.memory_space<hbm>>, %arg6: memref<320000x128xf32, #tpu.memory_space<hbm>>, %arg7: memref<320000x128xf32, #tpu.memory_space<hbm>>, %arg8: memref<10000xi32, #tpu.memory_space<vmem>>, %arg9: memref<10000xi32, #tpu.memory_space<vmem>>, %arg10: memref<400x128xf32, #tpu.memory_space<vmem>>, %arg11: memref<400x128xf32, #tpu.memory_space<vmem>>, %arg12: memref<!tpu.dma_semaphore, #tpu.memory_space<semaphore_mem>>, %arg13: memref<!tpu.dma_semaphore, #tpu.memory_space<semaphore_mem>>) attributes {dimension_semantics = [#tpu.dimension_semantics<core_parallel>, #tpu.dimension_semantics<subcore_parallel>], iteration_bounds = array<i64: 2, 16>, scalar_prefetch = 0 : i64, scratch_operands = 6 : i64, tpu.core_type = #tpu.core_type<sc_vector_subcore>, window_params = [{transform_indices = #map}, {transform_indices = #map}, {transform_indices = #map1}, {transform_indices = #map1}, {transform_indices = #map}, {transform_indices = #map}]} {
    %mul3A = arith.constant 2 : i32
    %mul3A_0 = arith.muli %arg1, %mul3A : i32
    %add3A = arith.addi %mul3A_0, %arg0 : i32
    %mul3A_1 = arith.constant 10000 : i32
    %mul3A_2 = arith.muli %add3A, %mul3A_1 : i32
    "tpu.region"() ({
      %run_scoped3A = tpu.sem_alloc : memref<!tpu.dma_semaphore, #tpu.memory_space<semaphore_mem>>
      %dma_start3A = tpu.memref_slice %arg4[%mul3A_2] : memref<320000xi32, #tpu.memory_space<hbm>> -> memref<10000xi32, #tpu.memory_space<hbm>>
      %dma_start3A_8 = tpu.memref_slice %arg4[%mul3A_2] : memref<320000xi32, #tpu.memory_space<hbm>> -> memref<10000xi32, #tpu.memory_space<hbm>>
      tpu.enqueue_dma source(%dma_start3A_8 : memref<10000xi32, #tpu.memory_space<hbm>>) target(%arg8 : memref<10000xi32, #tpu.memory_space<vmem>>) target_semaphore(%run_scoped3A : memref<!tpu.dma_semaphore, #tpu.memory_space<semaphore_mem>>)
      %dma_wait3A = tpu.memref_slice %arg4[%mul3A_2] : memref<320000xi32, #tpu.memory_space<hbm>> -> memref<10000xi32, #tpu.memory_space<hbm>>
      %dma_wait3A_9 = tpu.memref_slice %arg4[%mul3A_2] : memref<320000xi32, #tpu.memory_space<hbm>> -> memref<10000xi32, #tpu.memory_space<hbm>>
      tpu.wait_dma2 semaphore(%run_scoped3A : memref<!tpu.dma_semaphore, #tpu.memory_space<semaphore_mem>>) src(%dma_wait3A_9 : memref<10000xi32, #tpu.memory_space<hbm>>) dst(%arg8 : memref<10000xi32, #tpu.memory_space<vmem>>)
      tpu.yield
    }) : () -> ()
    "tpu.region"() ({
      %run_scoped3A = tpu.sem_alloc : memref<!tpu.dma_semaphore, #tpu.memory_space<semaphore_mem>>
      %dma_start3A = tpu.memref_slice %arg5[%mul3A_2] : memref<320000xi32, #tpu.memory_space<hbm>> -> memref<10000xi32, #tpu.memory_space<hbm>>
      %dma_start3A_8 = tpu.memref_slice %arg5[%mul3A_2] : memref<320000xi32, #tpu.memory_space<hbm>> -> memref<10000xi32, #tpu.memory_space<hbm>>
      tpu.enqueue_dma source(%dma_start3A_8 : memref<10000xi32, #tpu.memory_space<hbm>>) target(%arg9 : memref<10000xi32, #tpu.memory_space<vmem>>) target_semaphore(%run_scoped3A : memref<!tpu.dma_semaphore, #tpu.memory_space<semaphore_mem>>)
      %dma_wait3A = tpu.memref_slice %arg5[%mul3A_2] : memref<320000xi32, #tpu.memory_space<hbm>> -> memref<10000xi32, #tpu.memory_space<hbm>>
      %dma_wait3A_9 = tpu.memref_slice %arg5[%mul3A_2] : memref<320000xi32, #tpu.memory_space<hbm>> -> memref<10000xi32, #tpu.memory_space<hbm>>
      tpu.wait_dma2 semaphore(%run_scoped3A : memref<!tpu.dma_semaphore, #tpu.memory_space<semaphore_mem>>) src(%dma_wait3A_9 : memref<10000xi32, #tpu.memory_space<hbm>>) dst(%arg9 : memref<10000xi32, #tpu.memory_space<vmem>>)
      tpu.yield
    }) : () -> ()
    %scan3A = arith.constant 0 : i32
    %scan3A_3 = arith.constant 0 : i32
    %scan3A_4 = arith.constant 25 : i32
    %scan3A_5 = arith.addi %scan3A_3, %scan3A_4 : i32
    %scan3A_6 = arith.constant 1 : i32
    scf.for %scan3A_8 = %scan3A_3 to %scan3A_5 step %scan3A_6  : i32 {
      %mul3A_9 = arith.constant 400 : i32
      %mul3A_10 = arith.muli %scan3A_8, %mul3A_9 : i32
      %add3A_11 = arith.constant 0 : i32
      %add3A_12 = arith.addi %mul3A_10, %add3A_11 : i32
      %dma_start3A = arith.constant 0 : i32
      %dma_start3A_13 = arith.constant 0 : i32
      %dma_start3A_14 = tpu.memref_slice %arg10[%dma_start3A, %dma_start3A_13] : memref<400x128xf32, #tpu.memory_space<vmem>> -> memref<80x128xf32, #tpu.memory_space<vmem>>
      %dma_start3A_15 = tpu.memref_slice %arg8[%add3A_12] : memref<10000xi32, #tpu.memory_space<vmem>> -> memref<80xi32, #tpu.memory_space<vmem>>
      %dma_start3A_16 = arith.constant 0 : i32
      %dma_start3A_17 = arith.constant 0 : i32
      %dma_start3A_18 = tpu.memref_slice %arg2[%dma_start3A_16, %dma_start3A_17] : memref<10000x128xf32, #tpu.memory_space<hbm>> -> memref<10000x128xf32, #tpu.memory_space<hbm>>
      tpu.enqueue_indirect_dma source(%dma_start3A_18 : memref<10000x128xf32, #tpu.memory_space<hbm>>) target(%dma_start3A_14 : memref<80x128xf32, #tpu.memory_space<vmem>>) offsets(%dma_start3A_15 : memref<80xi32, #tpu.memory_space<vmem>>) semaphore(%arg12 : memref<!tpu.dma_semaphore, #tpu.memory_space<semaphore_mem>>)
      %add3A_19 = arith.constant 0 : i32
      %add3A_20 = arith.addi %mul3A_10, %add3A_19 : i32
      %dma_start3A_21 = arith.constant 0 : i32
      %dma_start3A_22 = arith.constant 0 : i32
      %dma_start3A_23 = tpu.memref_slice %arg11[%dma_start3A_21, %dma_start3A_22] : memref<400x128xf32, #tpu.memory_space<vmem>> -> memref<80x128xf32, #tpu.memory_space<vmem>>
      %dma_start3A_24 = tpu.memref_slice %arg9[%add3A_20] : memref<10000xi32, #tpu.memory_space<vmem>> -> memref<80xi32, #tpu.memory_space<vmem>>
      %dma_start3A_25 = arith.constant 0 : i32
      %dma_start3A_26 = arith.constant 0 : i32
      %dma_start3A_27 = tpu.memref_slice %arg3[%dma_start3A_25, %dma_start3A_26] : memref<10000x128xf32, #tpu.memory_space<hbm>> -> memref<10000x128xf32, #tpu.memory_space<hbm>>
      tpu.enqueue_indirect_dma source(%dma_start3A_27 : memref<10000x128xf32, #tpu.memory_space<hbm>>) target(%dma_start3A_23 : memref<80x128xf32, #tpu.memory_space<vmem>>) offsets(%dma_start3A_24 : memref<80xi32, #tpu.memory_space<vmem>>) semaphore(%arg13 : memref<!tpu.dma_semaphore, #tpu.memory_space<semaphore_mem>>)
      %add3A_28 = arith.constant 80 : i32
      %add3A_29 = arith.addi %mul3A_10, %add3A_28 : i32
      %dma_start3A_30 = arith.constant 80 : i32
      %dma_start3A_31 = arith.constant 0 : i32
      %dma_start3A_32 = tpu.memref_slice %arg10[%dma_start3A_30, %dma_start3A_31] : memref<400x128xf32, #tpu.memory_space<vmem>> -> memref<80x128xf32, #tpu.memory_space<vmem>>
      %dma_start3A_33 = tpu.memref_slice %arg8[%add3A_29] : memref<10000xi32, #tpu.memory_space<vmem>> -> memref<80xi32, #tpu.memory_space<vmem>>
      %dma_start3A_34 = arith.constant 0 : i32
      %dma_start3A_35 = arith.constant 0 : i32
      %dma_start3A_36 = tpu.memref_slice %arg2[%dma_start3A_34, %dma_start3A_35] : memref<10000x128xf32, #tpu.memory_space<hbm>> -> memref<10000x128xf32, #tpu.memory_space<hbm>>
      tpu.enqueue_indirect_dma source(%dma_start3A_36 : memref<10000x128xf32, #tpu.memory_space<hbm>>) target(%dma_start3A_32 : memref<80x128xf32, #tpu.memory_space<vmem>>) offsets(%dma_start3A_33 : memref<80xi32, #tpu.memory_space<vmem>>) semaphore(%arg12 : memref<!tpu.dma_semaphore, #tpu.memory_space<semaphore_mem>>)
      %add3A_37 = arith.constant 80 : i32
      %add3A_38 = arith.addi %mul3A_10, %add3A_37 : i32
      %dma_start3A_39 = arith.constant 80 : i32
      %dma_start3A_40 = arith.constant 0 : i32
      %dma_start3A_41 = tpu.memref_slice %arg11[%dma_start3A_39, %dma_start3A_40] : memref<400x128xf32, #tpu.memory_space<vmem>> -> memref<80x128xf32, #tpu.memory_space<vmem>>
      %dma_start3A_42 = tpu.memref_slice %arg9[%add3A_38] : memref<10000xi32, #tpu.memory_space<vmem>> -> memref<80xi32, #tpu.memory_space<vmem>>
      %dma_start3A_43 = arith.constant 0 : i32
      %dma_start3A_44 = arith.constant 0 : i32
      %dma_start3A_45 = tpu.memref_slice %arg3[%dma_start3A_43, %dma_start3A_44] : memref<10000x128xf32, #tpu.memory_space<hbm>> -> memref<10000x128xf32, #tpu.memory_space<hbm>>
      tpu.enqueue_indirect_dma source(%dma_start3A_45 : memref<10000x128xf32, #tpu.memory_space<hbm>>) target(%dma_start3A_41 : memref<80x128xf32, #tpu.memory_space<vmem>>) offsets(%dma_start3A_42 : memref<80xi32, #tpu.memory_space<vmem>>) semaphore(%arg13 : memref<!tpu.dma_semaphore, #tpu.memory_space<semaphore_mem>>)
      %add3A_46 = arith.constant 160 : i32
      %add3A_47 = arith.addi %mul3A_10, %add3A_46 : i32
      %dma_start3A_48 = arith.constant 160 : i32
      %dma_start3A_49 = arith.constant 0 : i32
      %dma_start3A_50 = tpu.memref_slice %arg10[%dma_start3A_48, %dma_start3A_49] : memref<400x128xf32, #tpu.memory_space<vmem>> -> memref<80x128xf32, #tpu.memory_space<vmem>>
      %dma_start3A_51 = tpu.memref_slice %arg8[%add3A_47] : memref<10000xi32, #tpu.memory_space<vmem>> -> memref<80xi32, #tpu.memory_space<vmem>>
      %dma_start3A_52 = arith.constant 0 : i32
      %dma_start3A_53 = arith.constant 0 : i32
      %dma_start3A_54 = tpu.memref_slice %arg2[%dma_start3A_52, %dma_start3A_53] : memref<10000x128xf32, #tpu.memory_space<hbm>> -> memref<10000x128xf32, #tpu.memory_space<hbm>>
      tpu.enqueue_indirect_dma source(%dma_start3A_54 : memref<10000x128xf32, #tpu.memory_space<hbm>>) target(%dma_start3A_50 : memref<80x128xf32, #tpu.memory_space<vmem>>) offsets(%dma_start3A_51 : memref<80xi32, #tpu.memory_space<vmem>>) semaphore(%arg12 : memref<!tpu.dma_semaphore, #tpu.memory_space<semaphore_mem>>)
      %add3A_55 = arith.constant 160 : i32
      %add3A_56 = arith.addi %mul3A_10, %add3A_55 : i32
      %dma_start3A_57 = arith.constant 160 : i32
      %dma_start3A_58 = arith.constant 0 : i32
      %dma_start3A_59 = tpu.memref_slice %arg11[%dma_start3A_57, %dma_start3A_58] : memref<400x128xf32, #tpu.memory_space<vmem>> -> memref<80x128xf32, #tpu.memory_space<vmem>>
      %dma_start3A_60 = tpu.memref_slice %arg9[%add3A_56] : memref<10000xi32, #tpu.memory_space<vmem>> -> memref<80xi32, #tpu.memory_space<vmem>>
      %dma_start3A_61 = arith.constant 0 : i32
      %dma_start3A_62 = arith.constant 0 : i32
      %dma_start3A_63 = tpu.memref_slice %arg3[%dma_start3A_61, %dma_start3A_62] : memref<10000x128xf32, #tpu.memory_space<hbm>> -> memref<10000x128xf32, #tpu.memory_space<hbm>>
      tpu.enqueue_indirect_dma source(%dma_start3A_63 : memref<10000x128xf32, #tpu.memory_space<hbm>>) target(%dma_start3A_59 : memref<80x128xf32, #tpu.memory_space<vmem>>) offsets(%dma_start3A_60 : memref<80xi32, #tpu.memory_space<vmem>>) semaphore(%arg13 : memref<!tpu.dma_semaphore, #tpu.memory_space<semaphore_mem>>)
      %add3A_64 = arith.constant 240 : i32
      %add3A_65 = arith.addi %mul3A_10, %add3A_64 : i32
      %dma_start3A_66 = arith.constant 240 : i32
      %dma_start3A_67 = arith.constant 0 : i32
      %dma_start3A_68 = tpu.memref_slice %arg10[%dma_start3A_66, %dma_start3A_67] : memref<400x128xf32, #tpu.memory_space<vmem>> -> memref<80x128xf32, #tpu.memory_space<vmem>>
      %dma_start3A_69 = tpu.memref_slice %arg8[%add3A_65] : memref<10000xi32, #tpu.memory_space<vmem>> -> memref<80xi32, #tpu.memory_space<vmem>>
      %dma_start3A_70 = arith.constant 0 : i32
      %dma_start3A_71 = arith.constant 0 : i32
      %dma_start3A_72 = tpu.memref_slice %arg2[%dma_start3A_70, %dma_start3A_71] : memref<10000x128xf32, #tpu.memory_space<hbm>> -> memref<10000x128xf32, #tpu.memory_space<hbm>>
      tpu.enqueue_indirect_dma source(%dma_start3A_72 : memref<10000x128xf32, #tpu.memory_space<hbm>>) target(%dma_start3A_68 : memref<80x128xf32, #tpu.memory_space<vmem>>) offsets(%dma_start3A_69 : memref<80xi32, #tpu.memory_space<vmem>>) semaphore(%arg12 : memref<!tpu.dma_semaphore, #tpu.memory_space<semaphore_mem>>)
      %add3A_73 = arith.constant 240 : i32
      %add3A_74 = arith.addi %mul3A_10, %add3A_73 : i32
      %dma_start3A_75 = arith.constant 240 : i32
      %dma_start3A_76 = arith.constant 0 : i32
      %dma_start3A_77 = tpu.memref_slice %arg11[%dma_start3A_75, %dma_start3A_76] : memref<400x128xf32, #tpu.memory_space<vmem>> -> memref<80x128xf32, #tpu.memory_space<vmem>>
      %dma_start3A_78 = tpu.memref_slice %arg9[%add3A_74] : memref<10000xi32, #tpu.memory_space<vmem>> -> memref<80xi32, #tpu.memory_space<vmem>>
      %dma_start3A_79 = arith.constant 0 : i32
      %dma_start3A_80 = arith.constant 0 : i32
      %dma_start3A_81 = tpu.memref_slice %arg3[%dma_start3A_79, %dma_start3A_80] : memref<10000x128xf32, #tpu.memory_space<hbm>> -> memref<10000x128xf32, #tpu.memory_space<hbm>>
      tpu.enqueue_indirect_dma source(%dma_start3A_81 : memref<10000x128xf32, #tpu.memory_space<hbm>>) target(%dma_start3A_77 : memref<80x128xf32, #tpu.memory_space<vmem>>) offsets(%dma_start3A_78 : memref<80xi32, #tpu.memory_space<vmem>>) semaphore(%arg13 : memref<!tpu.dma_semaphore, #tpu.memory_space<semaphore_mem>>)
      %add3A_82 = arith.constant 320 : i32
      %add3A_83 = arith.addi %mul3A_10, %add3A_82 : i32
      %dma_start3A_84 = arith.constant 320 : i32
      %dma_start3A_85 = arith.constant 0 : i32
      %dma_start3A_86 = tpu.memref_slice %arg10[%dma_start3A_84, %dma_start3A_85] : memref<400x128xf32, #tpu.memory_space<vmem>> -> memref<80x128xf32, #tpu.memory_space<vmem>>
      %dma_start3A_87 = tpu.memref_slice %arg8[%add3A_83] : memref<10000xi32, #tpu.memory_space<vmem>> -> memref<80xi32, #tpu.memory_space<vmem>>
      %dma_start3A_88 = arith.constant 0 : i32
      %dma_start3A_89 = arith.constant 0 : i32
      %dma_start3A_90 = tpu.memref_slice %arg2[%dma_start3A_88, %dma_start3A_89] : memref<10000x128xf32, #tpu.memory_space<hbm>> -> memref<10000x128xf32, #tpu.memory_space<hbm>>
      tpu.enqueue_indirect_dma source(%dma_start3A_90 : memref<10000x128xf32, #tpu.memory_space<hbm>>) target(%dma_start3A_86 : memref<80x128xf32, #tpu.memory_space<vmem>>) offsets(%dma_start3A_87 : memref<80xi32, #tpu.memory_space<vmem>>) semaphore(%arg12 : memref<!tpu.dma_semaphore, #tpu.memory_space<semaphore_mem>>)
      %add3A_91 = arith.constant 320 : i32
      %add3A_92 = arith.addi %mul3A_10, %add3A_91 : i32
      %dma_start3A_93 = arith.constant 320 : i32
      %dma_start3A_94 = arith.constant 0 : i32
      %dma_start3A_95 = tpu.memref_slice %arg11[%dma_start3A_93, %dma_start3A_94] : memref<400x128xf32, #tpu.memory_space<vmem>> -> memref<80x128xf32, #tpu.memory_space<vmem>>
      %dma_start3A_96 = tpu.memref_slice %arg9[%add3A_92] : memref<10000xi32, #tpu.memory_space<vmem>> -> memref<80xi32, #tpu.memory_space<vmem>>
      %dma_start3A_97 = arith.constant 0 : i32
      %dma_start3A_98 = arith.constant 0 : i32
      %dma_start3A_99 = tpu.memref_slice %arg3[%dma_start3A_97, %dma_start3A_98] : memref<10000x128xf32, #tpu.memory_space<hbm>> -> memref<10000x128xf32, #tpu.memory_space<hbm>>
      tpu.enqueue_indirect_dma source(%dma_start3A_99 : memref<10000x128xf32, #tpu.memory_space<hbm>>) target(%dma_start3A_95 : memref<80x128xf32, #tpu.memory_space<vmem>>) offsets(%dma_start3A_96 : memref<80xi32, #tpu.memory_space<vmem>>) semaphore(%arg13 : memref<!tpu.dma_semaphore, #tpu.memory_space<semaphore_mem>>)
      %dma_wait3A = arith.constant 0 : i32
      %dma_wait3A_100 = arith.constant 0 : i32
      %dma_wait3A_101 = tpu.memref_slice %arg10[%dma_wait3A, %dma_wait3A_100] : memref<400x128xf32, #tpu.memory_space<vmem>> -> memref<80x128xf32, #tpu.memory_space<vmem>>
      %dma_wait3A_102 = tpu.memref_slice %arg8[%add3A_12] : memref<10000xi32, #tpu.memory_space<vmem>> -> memref<80xi32, #tpu.memory_space<vmem>>
      %dma_wait3A_103 = arith.constant 0 : i32
      %dma_wait3A_104 = arith.constant 0 : i32
      %dma_wait3A_105 = tpu.memref_slice %arg2[%dma_wait3A_103, %dma_wait3A_104] : memref<10000x128xf32, #tpu.memory_space<hbm>> -> memref<10000x128xf32, #tpu.memory_space<hbm>>
      tpu.wait_indirect_dma semaphore(%arg12 : memref<!tpu.dma_semaphore, #tpu.memory_space<semaphore_mem>>) src(%dma_wait3A_105 : memref<10000x128xf32, #tpu.memory_space<hbm>>) dst(%dma_wait3A_101 : memref<80x128xf32, #tpu.memory_space<vmem>>)
      %dma_wait3A_106 = arith.constant 0 : i32
      %dma_wait3A_107 = arith.constant 0 : i32
      %dma_wait3A_108 = tpu.memref_slice %arg11[%dma_wait3A_106, %dma_wait3A_107] : memref<400x128xf32, #tpu.memory_space<vmem>> -> memref<80x128xf32, #tpu.memory_space<vmem>>
      %dma_wait3A_109 = tpu.memref_slice %arg9[%add3A_20] : memref<10000xi32, #tpu.memory_space<vmem>> -> memref<80xi32, #tpu.memory_space<vmem>>
      %dma_wait3A_110 = arith.constant 0 : i32
      %dma_wait3A_111 = arith.constant 0 : i32
      %dma_wait3A_112 = tpu.memref_slice %arg3[%dma_wait3A_110, %dma_wait3A_111] : memref<10000x128xf32, #tpu.memory_space<hbm>> -> memref<10000x128xf32, #tpu.memory_space<hbm>>
      tpu.wait_indirect_dma semaphore(%arg13 : memref<!tpu.dma_semaphore, #tpu.memory_space<semaphore_mem>>) src(%dma_wait3A_112 : memref<10000x128xf32, #tpu.memory_space<hbm>>) dst(%dma_wait3A_108 : memref<80x128xf32, #tpu.memory_space<vmem>>)
      %dma_wait3A_113 = arith.constant 80 : i32
      %dma_wait3A_114 = arith.constant 0 : i32
      %dma_wait3A_115 = tpu.memref_slice %arg10[%dma_wait3A_113, %dma_wait3A_114] : memref<400x128xf32, #tpu.memory_space<vmem>> -> memref<80x128xf32, #tpu.memory_space<vmem>>
      %dma_wait3A_116 = tpu.memref_slice %arg8[%add3A_29] : memref<10000xi32, #tpu.memory_space<vmem>> -> memref<80xi32, #tpu.memory_space<vmem>>
      %dma_wait3A_117 = arith.constant 0 : i32
      %dma_wait3A_118 = arith.constant 0 : i32
      %dma_wait3A_119 = tpu.memref_slice %arg2[%dma_wait3A_117, %dma_wait3A_118] : memref<10000x128xf32, #tpu.memory_space<hbm>> -> memref<10000x128xf32, #tpu.memory_space<hbm>>
      tpu.wait_indirect_dma semaphore(%arg12 : memref<!tpu.dma_semaphore, #tpu.memory_space<semaphore_mem>>) src(%dma_wait3A_119 : memref<10000x128xf32, #tpu.memory_space<hbm>>) dst(%dma_wait3A_115 : memref<80x128xf32, #tpu.memory_space<vmem>>)
      %dma_wait3A_120 = arith.constant 80 : i32
      %dma_wait3A_121 = arith.constant 0 : i32
      %dma_wait3A_122 = tpu.memref_slice %arg11[%dma_wait3A_120, %dma_wait3A_121] : memref<400x128xf32, #tpu.memory_space<vmem>> -> memref<80x128xf32, #tpu.memory_space<vmem>>
      %dma_wait3A_123 = tpu.memref_slice %arg9[%add3A_38] : memref<10000xi32, #tpu.memory_space<vmem>> -> memref<80xi32, #tpu.memory_space<vmem>>
      %dma_wait3A_124 = arith.constant 0 : i32
      %dma_wait3A_125 = arith.constant 0 : i32
      %dma_wait3A_126 = tpu.memref_slice %arg3[%dma_wait3A_124, %dma_wait3A_125] : memref<10000x128xf32, #tpu.memory_space<hbm>> -> memref<10000x128xf32, #tpu.memory_space<hbm>>
      tpu.wait_indirect_dma semaphore(%arg13 : memref<!tpu.dma_semaphore, #tpu.memory_space<semaphore_mem>>) src(%dma_wait3A_126 : memref<10000x128xf32, #tpu.memory_space<hbm>>) dst(%dma_wait3A_122 : memref<80x128xf32, #tpu.memory_space<vmem>>)
      %dma_wait3A_127 = arith.constant 160 : i32
      %dma_wait3A_128 = arith.constant 0 : i32
      %dma_wait3A_129 = tpu.memref_slice %arg10[%dma_wait3A_127, %dma_wait3A_128] : memref<400x128xf32, #tpu.memory_space<vmem>> -> memref<80x128xf32, #tpu.memory_space<vmem>>
      %dma_wait3A_130 = tpu.memref_slice %arg8[%add3A_47] : memref<10000xi32, #tpu.memory_space<vmem>> -> memref<80xi32, #tpu.memory_space<vmem>>
      %dma_wait3A_131 = arith.constant 0 : i32
      %dma_wait3A_132 = arith.constant 0 : i32
      %dma_wait3A_133 = tpu.memref_slice %arg2[%dma_wait3A_131, %dma_wait3A_132] : memref<10000x128xf32, #tpu.memory_space<hbm>> -> memref<10000x128xf32, #tpu.memory_space<hbm>>
      tpu.wait_indirect_dma semaphore(%arg12 : memref<!tpu.dma_semaphore, #tpu.memory_space<semaphore_mem>>) src(%dma_wait3A_133 : memref<10000x128xf32, #tpu.memory_space<hbm>>) dst(%dma_wait3A_129 : memref<80x128xf32, #tpu.memory_space<vmem>>)
      %dma_wait3A_134 = arith.constant 160 : i32
      %dma_wait3A_135 = arith.constant 0 : i32
      %dma_wait3A_136 = tpu.memref_slice %arg11[%dma_wait3A_134, %dma_wait3A_135] : memref<400x128xf32, #tpu.memory_space<vmem>> -> memref<80x128xf32, #tpu.memory_space<vmem>>
      %dma_wait3A_137 = tpu.memref_slice %arg9[%add3A_56] : memref<10000xi32, #tpu.memory_space<vmem>> -> memref<80xi32, #tpu.memory_space<vmem>>
      %dma_wait3A_138 = arith.constant 0 : i32
      %dma_wait3A_139 = arith.constant 0 : i32
      %dma_wait3A_140 = tpu.memref_slice %arg3[%dma_wait3A_138, %dma_wait3A_139] : memref<10000x128xf32, #tpu.memory_space<hbm>> -> memref<10000x128xf32, #tpu.memory_space<hbm>>
      tpu.wait_indirect_dma semaphore(%arg13 : memref<!tpu.dma_semaphore, #tpu.memory_space<semaphore_mem>>) src(%dma_wait3A_140 : memref<10000x128xf32, #tpu.memory_space<hbm>>) dst(%dma_wait3A_136 : memref<80x128xf32, #tpu.memory_space<vmem>>)
      %dma_wait3A_141 = arith.constant 240 : i32
      %dma_wait3A_142 = arith.constant 0 : i32
      %dma_wait3A_143 = tpu.memref_slice %arg10[%dma_wait3A_141, %dma_wait3A_142] : memref<400x128xf32, #tpu.memory_space<vmem>> -> memref<80x128xf32, #tpu.memory_space<vmem>>
      %dma_wait3A_144 = tpu.memref_slice %arg8[%add3A_65] : memref<10000xi32, #tpu.memory_space<vmem>> -> memref<80xi32, #tpu.memory_space<vmem>>
      %dma_wait3A_145 = arith.constant 0 : i32
      %dma_wait3A_146 = arith.constant 0 : i32
      %dma_wait3A_147 = tpu.memref_slice %arg2[%dma_wait3A_145, %dma_wait3A_146] : memref<10000x128xf32, #tpu.memory_space<hbm>> -> memref<10000x128xf32, #tpu.memory_space<hbm>>
      tpu.wait_indirect_dma semaphore(%arg12 : memref<!tpu.dma_semaphore, #tpu.memory_space<semaphore_mem>>) src(%dma_wait3A_147 : memref<10000x128xf32, #tpu.memory_space<hbm>>) dst(%dma_wait3A_143 : memref<80x128xf32, #tpu.memory_space<vmem>>)
      %dma_wait3A_148 = arith.constant 240 : i32
      %dma_wait3A_149 = arith.constant 0 : i32
      %dma_wait3A_150 = tpu.memref_slice %arg11[%dma_wait3A_148, %dma_wait3A_149] : memref<400x128xf32, #tpu.memory_space<vmem>> -> memref<80x128xf32, #tpu.memory_space<vmem>>
      %dma_wait3A_151 = tpu.memref_slice %arg9[%add3A_74] : memref<10000xi32, #tpu.memory_space<vmem>> -> memref<80xi32, #tpu.memory_space<vmem>>
      %dma_wait3A_152 = arith.constant 0 : i32
      %dma_wait3A_153 = arith.constant 0 : i32
      %dma_wait3A_154 = tpu.memref_slice %arg3[%dma_wait3A_152, %dma_wait3A_153] : memref<10000x128xf32, #tpu.memory_space<hbm>> -> memref<10000x128xf32, #tpu.memory_space<hbm>>
      tpu.wait_indirect_dma semaphore(%arg13 : memref<!tpu.dma_semaphore, #tpu.memory_space<semaphore_mem>>) src(%dma_wait3A_154 : memref<10000x128xf32, #tpu.memory_space<hbm>>) dst(%dma_wait3A_150 : memref<80x128xf32, #tpu.memory_space<vmem>>)
      %dma_wait3A_155 = arith.constant 320 : i32
      %dma_wait3A_156 = arith.constant 0 : i32
      %dma_wait3A_157 = tpu.memref_slice %arg10[%dma_wait3A_155, %dma_wait3A_156] : memref<400x128xf32, #tpu.memory_space<vmem>> -> memref<80x128xf32, #tpu.memory_space<vmem>>
      %dma_wait3A_158 = tpu.memref_slice %arg8[%add3A_83] : memref<10000xi32, #tpu.memory_space<vmem>> -> memref<80xi32, #tpu.memory_space<vmem>>
      %dma_wait3A_159 = arith.constant 0 : i32
      %dma_wait3A_160 = arith.constant 0 : i32
      %dma_wait3A_161 = tpu.memref_slice %arg2[%dma_wait3A_159, %dma_wait3A_160] : memref<10000x128xf32, #tpu.memory_space<hbm>> -> memref<10000x128xf32, #tpu.memory_space<hbm>>
      tpu.wait_indirect_dma semaphore(%arg12 : memref<!tpu.dma_semaphore, #tpu.memory_space<semaphore_mem>>) src(%dma_wait3A_161 : memref<10000x128xf32, #tpu.memory_space<hbm>>) dst(%dma_wait3A_157 : memref<80x128xf32, #tpu.memory_space<vmem>>)
      %dma_wait3A_162 = arith.constant 320 : i32
      %dma_wait3A_163 = arith.constant 0 : i32
      %dma_wait3A_164 = tpu.memref_slice %arg11[%dma_wait3A_162, %dma_wait3A_163] : memref<400x128xf32, #tpu.memory_space<vmem>> -> memref<80x128xf32, #tpu.memory_space<vmem>>
      %dma_wait3A_165 = tpu.memref_slice %arg9[%add3A_92] : memref<10000xi32, #tpu.memory_space<vmem>> -> memref<80xi32, #tpu.memory_space<vmem>>
      %dma_wait3A_166 = arith.constant 0 : i32
      %dma_wait3A_167 = arith.constant 0 : i32
      %dma_wait3A_168 = tpu.memref_slice %arg3[%dma_wait3A_166, %dma_wait3A_167] : memref<10000x128xf32, #tpu.memory_space<hbm>> -> memref<10000x128xf32, #tpu.memory_space<hbm>>
      tpu.wait_indirect_dma semaphore(%arg13 : memref<!tpu.dma_semaphore, #tpu.memory_space<semaphore_mem>>) src(%dma_wait3A_168 : memref<10000x128xf32, #tpu.memory_space<hbm>>) dst(%dma_wait3A_164 : memref<80x128xf32, #tpu.memory_space<vmem>>)
      %add3A_169 = arith.addi %mul3A_2, %mul3A_10 : i32
      "tpu.region"() ({
        %run_scoped3A = tpu.sem_alloc : memref<!tpu.dma_semaphore, #tpu.memory_space<semaphore_mem>>
        %dma_start3A_171 = arith.constant 0 : i32
        %dma_start3A_172 = tpu.memref_slice %arg6[%add3A_169, %dma_start3A_171] : memref<320000x128xf32, #tpu.memory_space<hbm>> -> memref<400x128xf32, #tpu.memory_space<hbm>>
        %dma_start3A_173 = arith.constant 0 : i32
        %dma_start3A_174 = tpu.memref_slice %arg6[%add3A_169, %dma_start3A_173] : memref<320000x128xf32, #tpu.memory_space<hbm>> -> memref<400x128xf32, #tpu.memory_space<hbm>>
        tpu.enqueue_dma source(%arg10 : memref<400x128xf32, #tpu.memory_space<vmem>>) target(%dma_start3A_174 : memref<400x128xf32, #tpu.memory_space<hbm>>) target_semaphore(%run_scoped3A : memref<!tpu.dma_semaphore, #tpu.memory_space<semaphore_mem>>)
        %dma_wait3A_175 = arith.constant 0 : i32
        %dma_wait3A_176 = tpu.memref_slice %arg6[%add3A_169, %dma_wait3A_175] : memref<320000x128xf32, #tpu.memory_space<hbm>> -> memref<400x128xf32, #tpu.memory_space<hbm>>
        %dma_wait3A_177 = arith.constant 0 : i32
        %dma_wait3A_178 = tpu.memref_slice %arg6[%add3A_169, %dma_wait3A_177] : memref<320000x128xf32, #tpu.memory_space<hbm>> -> memref<400x128xf32, #tpu.memory_space<hbm>>
        tpu.wait_dma2 semaphore(%run_scoped3A : memref<!tpu.dma_semaphore, #tpu.memory_space<semaphore_mem>>) src(%arg10 : memref<400x128xf32, #tpu.memory_space<vmem>>) dst(%dma_wait3A_178 : memref<400x128xf32, #tpu.memory_space<hbm>>)
        tpu.yield
      }) : () -> ()
      %add3A_170 = arith.addi %mul3A_2, %mul3A_10 : i32
      "tpu.region"() ({
        %run_scoped3A = tpu.sem_alloc : memref<!tpu.dma_semaphore, #tpu.memory_space<semaphore_mem>>
        %dma_start3A_171 = arith.constant 0 : i32
        %dma_start3A_172 = tpu.memref_slice %arg7[%add3A_170, %dma_start3A_171] : memref<320000x128xf32, #tpu.memory_space<hbm>> -> memref<400x128xf32, #tpu.memory_space<hbm>>
        %dma_start3A_173 = arith.constant 0 : i32
        %dma_start3A_174 = tpu.memref_slice %arg7[%add3A_170, %dma_start3A_173] : memref<320000x128xf32, #tpu.memory_space<hbm>> -> memref<400x128xf32, #tpu.memory_space<hbm>>
        tpu.enqueue_dma source(%arg11 : memref<400x128xf32, #tpu.memory_space<vmem>>) target(%dma_start3A_174 : memref<400x128xf32, #tpu.memory_space<hbm>>) target_semaphore(%run_scoped3A : memref<!tpu.dma_semaphore, #tpu.memory_space<semaphore_mem>>)
        %dma_wait3A_175 = arith.constant 0 : i32
        %dma_wait3A_176 = tpu.memref_slice %arg7[%add3A_170, %dma_wait3A_175] : memref<320000x128xf32, #tpu.memory_space<hbm>> -> memref<400x128xf32, #tpu.memory_space<hbm>>
        %dma_wait3A_177 = arith.constant 0 : i32
        %dma_wait3A_178 = tpu.memref_slice %arg7[%add3A_170, %dma_wait3A_177] : memref<320000x128xf32, #tpu.memory_space<hbm>> -> memref<400x128xf32, #tpu.memory_space<hbm>>
        tpu.wait_dma2 semaphore(%run_scoped3A : memref<!tpu.dma_semaphore, #tpu.memory_space<semaphore_mem>>) src(%arg11 : memref<400x128xf32, #tpu.memory_space<vmem>>) dst(%dma_wait3A_178 : memref<400x128xf32, #tpu.memory_space<hbm>>)
        tpu.yield
      }) : () -> ()
    }
    %scan3A_7 = arith.constant 25 : i32
    return
  }
}

module attributes {stable_mosaic.version = 14 : i64} {
  func.func @_s1_body(%arg0: i32, %arg1: memref<2000x128xf32, #tpu.memory_space<vmem>>, %arg2: memref<1x128xf32, #tpu.memory_space<vmem>>, %arg3: memref<1x128xf32, #tpu.memory_space<vmem>>, %arg4: memref<128x128xf32, #tpu.memory_space<vmem>>, %arg5: memref<128x128xf32, #tpu.memory_space<vmem>>, %arg6: memref<2000x128xf32, #tpu.memory_space<vmem>>, %arg7: memref<2000x128xf32, #tpu.memory_space<vmem>>, %arg8: memref<2000x128xf32, #tpu.memory_space<vmem>>) attributes {dimension_semantics = [#tpu.dimension_semantics<arbitrary>], iteration_bounds = array<i64: 5>, scalar_prefetch = 0 : i64, scratch_operands = 0 : i64, tpu.core_type = #tpu.core_type<tc>, window_params = [{transform_indices = @transform_0, window_bounds = array<i64: 2000, 128>}, {pipeline_mode = #tpu.pipeline_mode<synchronous>, transform_indices = @transform_1, window_bounds = array<i64: 1, 128>}, {pipeline_mode = #tpu.pipeline_mode<synchronous>, transform_indices = @transform_2, window_bounds = array<i64: 1, 128>}, {pipeline_mode = #tpu.pipeline_mode<synchronous>, transform_indices = @transform_3, window_bounds = array<i64: 128, 128>}, {pipeline_mode = #tpu.pipeline_mode<synchronous>, transform_indices = @transform_4, window_bounds = array<i64: 128, 128>}, {transform_indices = @transform_5, window_bounds = array<i64: 2000, 128>}, {transform_indices = @transform_6, window_bounds = array<i64: 2000, 128>}, {transform_indices = @transform_7, window_bounds = array<i64: 2000, 128>}]} {
    %get3A = arith.constant 0 : index
    %get3A_0 = arith.constant 0 : index
    %get3A_1 = vector.load %arg1[%get3A, %get3A_0] : memref<2000x128xf32, #tpu.memory_space<vmem>>, vector<2000x128xf32>
    %reduce_sum3A = arith.constant dense<0.000000e+00> : vector<2000xf32>
    %reduce_sum3A_2 = vector.multi_reduction <add>, %get3A_1, %reduce_sum3A [1] : vector<2000x128xf32> to vector<2000xf32>
    %broadcast_in_dim3A = vector.shape_cast %reduce_sum3A_2 : vector<2000xf32> to vector<2000x1xf32>
    %div3A = arith.constant 1.280000e+02 : f32
    %div3A_3 = vector.broadcast %div3A : f32 to vector<2000x1xf32>
    %div3A_4 = arith.divf %broadcast_in_dim3A, %div3A_3 : vector<2000x1xf32>
    %sub3A = vector.broadcast %div3A_4 : vector<2000x1xf32> to vector<2000x128xf32>
    %sub3A_5 = arith.subf %get3A_1, %sub3A : vector<2000x128xf32>
    %integer_pow3A = arith.mulf %sub3A_5, %sub3A_5 : vector<2000x128xf32>
    %reduce_sum3A_6 = arith.constant dense<0.000000e+00> : vector<2000xf32>
    %reduce_sum3A_7 = vector.multi_reduction <add>, %integer_pow3A, %reduce_sum3A_6 [1] : vector<2000x128xf32> to vector<2000xf32>
    %broadcast_in_dim3A_8 = vector.shape_cast %reduce_sum3A_7 : vector<2000xf32> to vector<2000x1xf32>
    %div3A_9 = arith.constant 1.280000e+02 : f32
    %div3A_10 = vector.broadcast %div3A_9 : f32 to vector<2000x1xf32>
    %div3A_11 = arith.divf %broadcast_in_dim3A_8, %div3A_10 : vector<2000x1xf32>
    %sub3A_12 = vector.broadcast %div3A_4 : vector<2000x1xf32> to vector<2000x128xf32>
    %sub3A_13 = arith.subf %get3A_1, %sub3A_12 : vector<2000x128xf32>
    %add3A = arith.constant 9.99999974E-6 : f32
    %add3A_14 = vector.broadcast %add3A : f32 to vector<2000x1xf32>
    %add3A_15 = arith.addf %div3A_11, %add3A_14 : vector<2000x1xf32>
    %rsqrt3A = math.rsqrt %add3A_15 : vector<2000x1xf32>
    %mul3A = vector.broadcast %rsqrt3A : vector<2000x1xf32> to vector<2000x128xf32>
    %mul3A_16 = arith.mulf %sub3A_13, %mul3A : vector<2000x128xf32>
    %get3A_17 = arith.constant 0 : index
    %get3A_18 = arith.constant 0 : index
    %get3A_19 = vector.load %arg2[%get3A_17, %get3A_18] : memref<1x128xf32, #tpu.memory_space<vmem>>, vector<1x128xf32>
    %mul3A_20 = vector.broadcast %get3A_19 : vector<1x128xf32> to vector<2000x128xf32>
    %mul3A_21 = arith.mulf %mul3A_16, %mul3A_20 : vector<2000x128xf32>
    %get3A_22 = arith.constant 0 : index
    %get3A_23 = arith.constant 0 : index
    %get3A_24 = vector.load %arg3[%get3A_22, %get3A_23] : memref<1x128xf32, #tpu.memory_space<vmem>>, vector<1x128xf32>
    %add3A_25 = vector.broadcast %get3A_24 : vector<1x128xf32> to vector<2000x128xf32>
    %add3A_26 = arith.addf %mul3A_21, %add3A_25 : vector<2000x128xf32>
    %swap3A = arith.constant 0 : index
    %swap3A_27 = arith.constant 0 : index
    %swap3A_28 = vector.load %arg6[%swap3A, %swap3A_27] : memref<2000x128xf32, #tpu.memory_space<vmem>>, vector<2000x128xf32>
    tpu.vector_store %arg6[%swap3A, %swap3A_27], %add3A_26 {strides = array<i32>} : memref<2000x128xf32, #tpu.memory_space<vmem>>, vector<2000x128xf32>,
    %get3A_29 = arith.constant 0 : index
    %get3A_30 = arith.constant 0 : index
    %get3A_31 = vector.load %arg4[%get3A_29, %get3A_30] : memref<128x128xf32, #tpu.memory_space<vmem>>, vector<128x128xf32>
    %dot_general3A = arith.constant dense<0.000000e+00> : vector<2000x128xf32>
    %dot_general3A_32 = tpu.matmul %add3A_26, %get3A_31, %dot_general3A {dimension_numbers = #tpu.dot_dimension_numbers<[1], [0], [0], [1], [0, 0, 1, 1], [], []>, precision = #tpu.contract_precision<fp32>, transpose_lhs_hint = false} : vector<2000x128xf32>, vector<128x128xf32>, vector<2000x128xf32> -> vector<2000x128xf32>
    %swap3A_33 = arith.constant 0 : index
    %swap3A_34 = arith.constant 0 : index
    %swap3A_35 = vector.load %arg7[%swap3A_33, %swap3A_34] : memref<2000x128xf32, #tpu.memory_space<vmem>>, vector<2000x128xf32>
    tpu.vector_store %arg7[%swap3A_33, %swap3A_34], %dot_general3A_32 {strides = array<i32>} : memref<2000x128xf32, #tpu.memory_space<vmem>>, vector<2000x128xf32>,
    %get3A_36 = arith.constant 0 : index
    %get3A_37 = arith.constant 0 : index
    %get3A_38 = vector.load %arg5[%get3A_36, %get3A_37] : memref<128x128xf32, #tpu.memory_space<vmem>>, vector<128x128xf32>
    %dot_general3A_39 = arith.constant dense<0.000000e+00> : vector<2000x128xf32>
    %dot_general3A_40 = tpu.matmul %add3A_26, %get3A_38, %dot_general3A_39 {dimension_numbers = #tpu.dot_dimension_numbers<[1], [0], [0], [1], [0, 0, 1, 1], [], []>, precision = #tpu.contract_precision<fp32>, transpose_lhs_hint = false} : vector<2000x128xf32>, vector<128x128xf32>, vector<2000x128xf32> -> vector<2000x128xf32>
    %swap3A_41 = arith.constant 0 : index
    %swap3A_42 = arith.constant 0 : index
    %swap3A_43 = vector.load %arg8[%swap3A_41, %swap3A_42] : memref<2000x128xf32, #tpu.memory_space<vmem>>, vector<2000x128xf32>
    tpu.vector_store %arg8[%swap3A_41, %swap3A_42], %dot_general3A_40 {strides = array<i32>} : memref<2000x128xf32, #tpu.memory_space<vmem>>, vector<2000x128xf32>,
    return
  }
  func.func @transform_0(%arg0: i32) -> (i32, i32) {
    %c0_i32 = arith.constant 0 : i32
    %c0_i32_0 = arith.constant 0 : i32
    return %arg0, %c0_i32 : i32, i32
  }
  func.func @transform_1(%arg0: i32) -> (i32, i32) {
    %c0_i32 = arith.constant 0 : i32
    %c0_i32_0 = arith.constant 0 : i32
    %c0_i32_1 = arith.constant 0 : i32
    return %c0_i32, %c0_i32_0 : i32, i32
  }
  func.func @transform_2(%arg0: i32) -> (i32, i32) {
    %c0_i32 = arith.constant 0 : i32
    %c0_i32_0 = arith.constant 0 : i32
    %c0_i32_1 = arith.constant 0 : i32
    return %c0_i32, %c0_i32_0 : i32, i32
  }
  func.func @transform_3(%arg0: i32) -> (i32, i32) {
    %c0_i32 = arith.constant 0 : i32
    %c0_i32_0 = arith.constant 0 : i32
    %c0_i32_1 = arith.constant 0 : i32
    return %c0_i32, %c0_i32_0 : i32, i32
  }
  func.func @transform_4(%arg0: i32) -> (i32, i32) {
    %c0_i32 = arith.constant 0 : i32
    %c0_i32_0 = arith.constant 0 : i32
    %c0_i32_1 = arith.constant 0 : i32
    return %c0_i32, %c0_i32_0 : i32, i32
  }
  func.func @transform_5(%arg0: i32) -> (i32, i32) {
    %c0_i32 = arith.constant 0 : i32
    %c0_i32_0 = arith.constant 0 : i32
    return %arg0, %c0_i32 : i32, i32
  }
  func.func @transform_6(%arg0: i32) -> (i32, i32) {
    %c0_i32 = arith.constant 0 : i32
    %c0_i32_0 = arith.constant 0 : i32
    return %arg0, %c0_i32 : i32, i32
  }
  func.func @transform_7(%arg0: i32) -> (i32, i32) {
    %c0_i32 = arith.constant 0 : i32
    %c0_i32_0 = arith.constant 0 : i32
    return %arg0, %c0_i32 : i32, i32
  }
}

module attributes {stable_mosaic.version = 14 : i64} {
  func.func @_s3_body(%arg0: i32, %arg1: memref<3200x128xf32, #tpu.memory_space<vmem>>, %arg2: memref<3200x128xf32, #tpu.memory_space<vmem>>, %arg3: memref<3200x3xf32, #tpu.memory_space<vmem>>, %arg4: memref<3200x1xi32, #tpu.memory_space<vmem>>, %arg5: memref<64x9xf32, #tpu.memory_space<vmem>>, %arg6: memref<9x128xf32, #tpu.memory_space<vmem>>, %arg7: memref<1x128xf32, #tpu.memory_space<vmem>>, %arg8: memref<192x128xf32, #tpu.memory_space<vmem>>, %arg9: memref<128x128xf32, #tpu.memory_space<vmem>>, %arg10: memref<1x128xf32, #tpu.memory_space<vmem>>, %arg11: memref<3200x128xf32, #tpu.memory_space<vmem>>) attributes {dimension_semantics = [#tpu.dimension_semantics<arbitrary>], iteration_bounds = array<i64: 100>, scalar_prefetch = 0 : i64, scratch_operands = 0 : i64, tpu.core_type = #tpu.core_type<tc>, window_params = [{transform_indices = @transform_0, window_bounds = array<i64: 3200, 128>}, {transform_indices = @transform_1, window_bounds = array<i64: 3200, 128>}, {transform_indices = @transform_2, window_bounds = array<i64: 3200, 3>}, {transform_indices = @transform_3, window_bounds = array<i64: 3200, 1>}, {pipeline_mode = #tpu.pipeline_mode<synchronous>, transform_indices = @transform_4, window_bounds = array<i64: 64, 9>}, {pipeline_mode = #tpu.pipeline_mode<synchronous>, transform_indices = @transform_5, window_bounds = array<i64: 9, 128>}, {pipeline_mode = #tpu.pipeline_mode<synchronous>, transform_indices = @transform_6, window_bounds = array<i64: 1, 128>}, {pipeline_mode = #tpu.pipeline_mode<synchronous>, transform_indices = @transform_7, window_bounds = array<i64: 192, 128>}, {pipeline_mode = #tpu.pipeline_mode<synchronous>, transform_indices = @transform_8, window_bounds = array<i64: 128, 128>}, {pipeline_mode = #tpu.pipeline_mode<synchronous>, transform_indices = @transform_9, window_bounds = array<i64: 1, 128>}, {transform_indices = @transform_10, window_bounds = array<i64: 3200, 128>}]} {
    %get3A = arith.constant 0 : index
    %get3A_0 = arith.constant 0 : index
    %get3A_1 = vector.load %arg7[%get3A, %get3A_0] : memref<1x128xf32, #tpu.memory_space<vmem>>, vector<1x128xf32>
    %broadcast_in_dim3A = vector.shape_cast %get3A_1 : vector<1x128xf32> to vector<1x128xf32>
    %broadcast_in_dim3A_2 = vector.broadcast %broadcast_in_dim3A : vector<1x128xf32> to vector<64x128xf32>
    %get3A_3 = arith.constant 0 : index
    %get3A_4 = arith.constant 0 : index
    %get3A_5 = vector.load %arg5[%get3A_3, %get3A_4] : memref<64x9xf32, #tpu.memory_space<vmem>>, vector<64x1xf32>
    %get3A_6 = arith.constant 0 : index
    %get3A_7 = arith.constant 0 : index
    %get3A_8 = vector.load %arg5[%get3A_6, %get3A_7] : memref<64x9xf32, #tpu.memory_space<vmem>>, vector<64x1xf32>
    %mul3A = arith.mulf %get3A_5, %get3A_8 : vector<64x1xf32>
    %get3A_9 = arith.constant 0 : index
    %get3A_10 = arith.constant 1 : index
    %get3A_11 = vector.load %arg5[%get3A_9, %get3A_10] : memref<64x9xf32, #tpu.memory_space<vmem>>, vector<64x1xf32>
    %get3A_12 = arith.constant 0 : index
    %get3A_13 = arith.constant 1 : index
    %get3A_14 = vector.load %arg5[%get3A_12, %get3A_13] : memref<64x9xf32, #tpu.memory_space<vmem>>, vector<64x1xf32>
    %mul3A_15 = arith.mulf %get3A_11, %get3A_14 : vector<64x1xf32>
    %add3A = arith.addf %mul3A, %mul3A_15 : vector<64x1xf32>
    %get3A_16 = arith.constant 0 : index
    %get3A_17 = arith.constant 2 : index
    %get3A_18 = vector.load %arg5[%get3A_16, %get3A_17] : memref<64x9xf32, #tpu.memory_space<vmem>>, vector<64x1xf32>
    %get3A_19 = arith.constant 0 : index
    %get3A_20 = arith.constant 2 : index
    %get3A_21 = vector.load %arg5[%get3A_19, %get3A_20] : memref<64x9xf32, #tpu.memory_space<vmem>>, vector<64x1xf32>
    %mul3A_22 = arith.mulf %get3A_18, %get3A_21 : vector<64x1xf32>
    %add3A_23 = arith.addf %add3A, %mul3A_22 : vector<64x1xf32>
    %get3A_24 = arith.constant 0 : index
    %get3A_25 = arith.constant 0 : index
    %get3A_26 = vector.load %arg6[%get3A_24, %get3A_25] : memref<9x128xf32, #tpu.memory_space<vmem>>, vector<1x128xf32>
    %mul3A_27 = vector.broadcast %add3A_23 : vector<64x1xf32> to vector<64x128xf32>
    %mul3A_28 = vector.broadcast %get3A_26 : vector<1x128xf32> to vector<64x128xf32>
    %mul3A_29 = arith.mulf %mul3A_27, %mul3A_28 : vector<64x128xf32>
    %add3A_30 = arith.addf %broadcast_in_dim3A_2, %mul3A_29 : vector<64x128xf32>
    %get3A_31 = arith.constant 0 : index
    %get3A_32 = arith.constant 0 : index
    %get3A_33 = vector.load %arg5[%get3A_31, %get3A_32] : memref<64x9xf32, #tpu.memory_space<vmem>>, vector<64x1xf32>
    %get3A_34 = arith.constant 0 : index
    %get3A_35 = arith.constant 3 : index
    %get3A_36 = vector.load %arg5[%get3A_34, %get3A_35] : memref<64x9xf32, #tpu.memory_space<vmem>>, vector<64x1xf32>
    %mul3A_37 = arith.mulf %get3A_33, %get3A_36 : vector<64x1xf32>
    %get3A_38 = arith.constant 0 : index
    %get3A_39 = arith.constant 1 : index
    %get3A_40 = vector.load %arg5[%get3A_38, %get3A_39] : memref<64x9xf32, #tpu.memory_space<vmem>>, vector<64x1xf32>
    %get3A_41 = arith.constant 0 : index
    %get3A_42 = arith.constant 4 : index
    %get3A_43 = vector.load %arg5[%get3A_41, %get3A_42] : memref<64x9xf32, #tpu.memory_space<vmem>>, vector<64x1xf32>
    %mul3A_44 = arith.mulf %get3A_40, %get3A_43 : vector<64x1xf32>
    %add3A_45 = arith.addf %mul3A_37, %mul3A_44 : vector<64x1xf32>
    %get3A_46 = arith.constant 0 : index
    %get3A_47 = arith.constant 2 : index
    %get3A_48 = vector.load %arg5[%get3A_46, %get3A_47] : memref<64x9xf32, #tpu.memory_space<vmem>>, vector<64x1xf32>
    %get3A_49 = arith.constant 0 : index
    %get3A_50 = arith.constant 5 : index
    %get3A_51 = vector.load %arg5[%get3A_49, %get3A_50] : memref<64x9xf32, #tpu.memory_space<vmem>>, vector<64x1xf32>
    %mul3A_52 = arith.mulf %get3A_48, %get3A_51 : vector<64x1xf32>
    %add3A_53 = arith.addf %add3A_45, %mul3A_52 : vector<64x1xf32>
    %get3A_54 = arith.constant 1 : index
    %get3A_55 = arith.constant 0 : index
    %get3A_56 = vector.load %arg6[%get3A_54, %get3A_55] : memref<9x128xf32, #tpu.memory_space<vmem>>, vector<1x128xf32>
    %mul3A_57 = vector.broadcast %add3A_53 : vector<64x1xf32> to vector<64x128xf32>
    %mul3A_58 = vector.broadcast %get3A_56 : vector<1x128xf32> to vector<64x128xf32>
    %mul3A_59 = arith.mulf %mul3A_57, %mul3A_58 : vector<64x128xf32>
    %add3A_60 = arith.addf %add3A_30, %mul3A_59 : vector<64x128xf32>
    %get3A_61 = arith.constant 0 : index
    %get3A_62 = arith.constant 0 : index
    %get3A_63 = vector.load %arg5[%get3A_61, %get3A_62] : memref<64x9xf32, #tpu.memory_space<vmem>>, vector<64x1xf32>
    %get3A_64 = arith.constant 0 : index
    %get3A_65 = arith.constant 6 : index
    %get3A_66 = vector.load %arg5[%get3A_64, %get3A_65] : memref<64x9xf32, #tpu.memory_space<vmem>>, vector<64x1xf32>
    %mul3A_67 = arith.mulf %get3A_63, %get3A_66 : vector<64x1xf32>
    %get3A_68 = arith.constant 0 : index
    %get3A_69 = arith.constant 1 : index
    %get3A_70 = vector.load %arg5[%get3A_68, %get3A_69] : memref<64x9xf32, #tpu.memory_space<vmem>>, vector<64x1xf32>
    %get3A_71 = arith.constant 0 : index
    %get3A_72 = arith.constant 7 : index
    %get3A_73 = vector.load %arg5[%get3A_71, %get3A_72] : memref<64x9xf32, #tpu.memory_space<vmem>>, vector<64x1xf32>
    %mul3A_74 = arith.mulf %get3A_70, %get3A_73 : vector<64x1xf32>
    %add3A_75 = arith.addf %mul3A_67, %mul3A_74 : vector<64x1xf32>
    %get3A_76 = arith.constant 0 : index
    %get3A_77 = arith.constant 2 : index
    %get3A_78 = vector.load %arg5[%get3A_76, %get3A_77] : memref<64x9xf32, #tpu.memory_space<vmem>>, vector<64x1xf32>
    %get3A_79 = arith.constant 0 : index
    %get3A_80 = arith.constant 8 : index
    %get3A_81 = vector.load %arg5[%get3A_79, %get3A_80] : memref<64x9xf32, #tpu.memory_space<vmem>>, vector<64x1xf32>
    %mul3A_82 = arith.mulf %get3A_78, %get3A_81 : vector<64x1xf32>
    %add3A_83 = arith.addf %add3A_75, %mul3A_82 : vector<64x1xf32>
    %get3A_84 = arith.constant 2 : index
    %get3A_85 = arith.constant 0 : index
    %get3A_86 = vector.load %arg6[%get3A_84, %get3A_85] : memref<9x128xf32, #tpu.memory_space<vmem>>, vector<1x128xf32>
    %mul3A_87 = vector.broadcast %add3A_83 : vector<64x1xf32> to vector<64x128xf32>
    %mul3A_88 = vector.broadcast %get3A_86 : vector<1x128xf32> to vector<64x128xf32>
    %mul3A_89 = arith.mulf %mul3A_87, %mul3A_88 : vector<64x128xf32>
    %add3A_90 = arith.addf %add3A_60, %mul3A_89 : vector<64x128xf32>
    %get3A_91 = arith.constant 0 : index
    %get3A_92 = arith.constant 3 : index
    %get3A_93 = vector.load %arg5[%get3A_91, %get3A_92] : memref<64x9xf32, #tpu.memory_space<vmem>>, vector<64x1xf32>
    %get3A_94 = arith.constant 0 : index
    %get3A_95 = arith.constant 0 : index
    %get3A_96 = vector.load %arg5[%get3A_94, %get3A_95] : memref<64x9xf32, #tpu.memory_space<vmem>>, vector<64x1xf32>
    %mul3A_97 = arith.mulf %get3A_93, %get3A_96 : vector<64x1xf32>
    %get3A_98 = arith.constant 0 : index
    %get3A_99 = arith.constant 4 : index
    %get3A_100 = vector.load %arg5[%get3A_98, %get3A_99] : memref<64x9xf32, #tpu.memory_space<vmem>>, vector<64x1xf32>
    %get3A_101 = arith.constant 0 : index
    %get3A_102 = arith.constant 1 : index
    %get3A_103 = vector.load %arg5[%get3A_101, %get3A_102] : memref<64x9xf32, #tpu.memory_space<vmem>>, vector<64x1xf32>
    %mul3A_104 = arith.mulf %get3A_100, %get3A_103 : vector<64x1xf32>
    %add3A_105 = arith.addf %mul3A_97, %mul3A_104 : vector<64x1xf32>
    %get3A_106 = arith.constant 0 : index
    %get3A_107 = arith.constant 5 : index
    %get3A_108 = vector.load %arg5[%get3A_106, %get3A_107] : memref<64x9xf32, #tpu.memory_space<vmem>>, vector<64x1xf32>
    %get3A_109 = arith.constant 0 : index
    %get3A_110 = arith.constant 2 : index
    %get3A_111 = vector.load %arg5[%get3A_109, %get3A_110] : memref<64x9xf32, #tpu.memory_space<vmem>>, vector<64x1xf32>
    %mul3A_112 = arith.mulf %get3A_108, %get3A_111 : vector<64x1xf32>
    %add3A_113 = arith.addf %add3A_105, %mul3A_112 : vector<64x1xf32>
    %get3A_114 = arith.constant 3 : index
    %get3A_115 = arith.constant 0 : index
    %get3A_116 = vector.load %arg6[%get3A_114, %get3A_115] : memref<9x128xf32, #tpu.memory_space<vmem>>, vector<1x128xf32>
    %mul3A_117 = vector.broadcast %add3A_113 : vector<64x1xf32> to vector<64x128xf32>
    %mul3A_118 = vector.broadcast %get3A_116 : vector<1x128xf32> to vector<64x128xf32>
    %mul3A_119 = arith.mulf %mul3A_117, %mul3A_118 : vector<64x128xf32>
    %add3A_120 = arith.addf %add3A_90, %mul3A_119 : vector<64x128xf32>
    %get3A_121 = arith.constant 0 : index
    %get3A_122 = arith.constant 3 : index
    %get3A_123 = vector.load %arg5[%get3A_121, %get3A_122] : memref<64x9xf32, #tpu.memory_space<vmem>>, vector<64x1xf32>
    %get3A_124 = arith.constant 0 : index
    %get3A_125 = arith.constant 3 : index
    %get3A_126 = vector.load %arg5[%get3A_124, %get3A_125] : memref<64x9xf32, #tpu.memory_space<vmem>>, vector<64x1xf32>
    %mul3A_127 = arith.mulf %get3A_123, %get3A_126 : vector<64x1xf32>
    %get3A_128 = arith.constant 0 : index
    %get3A_129 = arith.constant 4 : index
    %get3A_130 = vector.load %arg5[%get3A_128, %get3A_129] : memref<64x9xf32, #tpu.memory_space<vmem>>, vector<64x1xf32>
    %get3A_131 = arith.constant 0 : index
    %get3A_132 = arith.constant 4 : index
    %get3A_133 = vector.load %arg5[%get3A_131, %get3A_132] : memref<64x9xf32, #tpu.memory_space<vmem>>, vector<64x1xf32>
    %mul3A_134 = arith.mulf %get3A_130, %get3A_133 : vector<64x1xf32>
    %add3A_135 = arith.addf %mul3A_127, %mul3A_134 : vector<64x1xf32>
    %get3A_136 = arith.constant 0 : index
    %get3A_137 = arith.constant 5 : index
    %get3A_138 = vector.load %arg5[%get3A_136, %get3A_137] : memref<64x9xf32, #tpu.memory_space<vmem>>, vector<64x1xf32>
    %get3A_139 = arith.constant 0 : index
    %get3A_140 = arith.constant 5 : index
    %get3A_141 = vector.load %arg5[%get3A_139, %get3A_140] : memref<64x9xf32, #tpu.memory_space<vmem>>, vector<64x1xf32>
    %mul3A_142 = arith.mulf %get3A_138, %get3A_141 : vector<64x1xf32>
    %add3A_143 = arith.addf %add3A_135, %mul3A_142 : vector<64x1xf32>
    %get3A_144 = arith.constant 4 : index
    %get3A_145 = arith.constant 0 : index
    %get3A_146 = vector.load %arg6[%get3A_144, %get3A_145] : memref<9x128xf32, #tpu.memory_space<vmem>>, vector<1x128xf32>
    %mul3A_147 = vector.broadcast %add3A_143 : vector<64x1xf32> to vector<64x128xf32>
    %mul3A_148 = vector.broadcast %get3A_146 : vector<1x128xf32> to vector<64x128xf32>
    %mul3A_149 = arith.mulf %mul3A_147, %mul3A_148 : vector<64x128xf32>
    %add3A_150 = arith.addf %add3A_120, %mul3A_149 : vector<64x128xf32>
    %get3A_151 = arith.constant 0 : index
    %get3A_152 = arith.constant 3 : index
    %get3A_153 = vector.load %arg5[%get3A_151, %get3A_152] : memref<64x9xf32, #tpu.memory_space<vmem>>, vector<64x1xf32>
    %get3A_154 = arith.constant 0 : index
    %get3A_155 = arith.constant 6 : index
    %get3A_156 = vector.load %arg5[%get3A_154, %get3A_155] : memref<64x9xf32, #tpu.memory_space<vmem>>, vector<64x1xf32>
    %mul3A_157 = arith.mulf %get3A_153, %get3A_156 : vector<64x1xf32>
    %get3A_158 = arith.constant 0 : index
    %get3A_159 = arith.constant 4 : index
    %get3A_160 = vector.load %arg5[%get3A_158, %get3A_159] : memref<64x9xf32, #tpu.memory_space<vmem>>, vector<64x1xf32>
    %get3A_161 = arith.constant 0 : index
    %get3A_162 = arith.constant 7 : index
    %get3A_163 = vector.load %arg5[%get3A_161, %get3A_162] : memref<64x9xf32, #tpu.memory_space<vmem>>, vector<64x1xf32>
    %mul3A_164 = arith.mulf %get3A_160, %get3A_163 : vector<64x1xf32>
    %add3A_165 = arith.addf %mul3A_157, %mul3A_164 : vector<64x1xf32>
    %get3A_166 = arith.constant 0 : index
    %get3A_167 = arith.constant 5 : index
    %get3A_168 = vector.load %arg5[%get3A_166, %get3A_167] : memref<64x9xf32, #tpu.memory_space<vmem>>, vector<64x1xf32>
    %get3A_169 = arith.constant 0 : index
    %get3A_170 = arith.constant 8 : index
    %get3A_171 = vector.load %arg5[%get3A_169, %get3A_170] : memref<64x9xf32, #tpu.memory_space<vmem>>, vector<64x1xf32>
    %mul3A_172 = arith.mulf %get3A_168, %get3A_171 : vector<64x1xf32>
    %add3A_173 = arith.addf %add3A_165, %mul3A_172 : vector<64x1xf32>
    %get3A_174 = arith.constant 5 : index
    %get3A_175 = arith.constant 0 : index
    %get3A_176 = vector.load %arg6[%get3A_174, %get3A_175] : memref<9x128xf32, #tpu.memory_space<vmem>>, vector<1x128xf32>
    %mul3A_177 = vector.broadcast %add3A_173 : vector<64x1xf32> to vector<64x128xf32>
    %mul3A_178 = vector.broadcast %get3A_176 : vector<1x128xf32> to vector<64x128xf32>
    %mul3A_179 = arith.mulf %mul3A_177, %mul3A_178 : vector<64x128xf32>
    %add3A_180 = arith.addf %add3A_150, %mul3A_179 : vector<64x128xf32>
    %get3A_181 = arith.constant 0 : index
    %get3A_182 = arith.constant 6 : index
    %get3A_183 = vector.load %arg5[%get3A_181, %get3A_182] : memref<64x9xf32, #tpu.memory_space<vmem>>, vector<64x1xf32>
    %get3A_184 = arith.constant 0 : index
    %get3A_185 = arith.constant 0 : index
    %get3A_186 = vector.load %arg5[%get3A_184, %get3A_185] : memref<64x9xf32, #tpu.memory_space<vmem>>, vector<64x1xf32>
    %mul3A_187 = arith.mulf %get3A_183, %get3A_186 : vector<64x1xf32>
    %get3A_188 = arith.constant 0 : index
    %get3A_189 = arith.constant 7 : index
    %get3A_190 = vector.load %arg5[%get3A_188, %get3A_189] : memref<64x9xf32, #tpu.memory_space<vmem>>, vector<64x1xf32>
    %get3A_191 = arith.constant 0 : index
    %get3A_192 = arith.constant 1 : index
    %get3A_193 = vector.load %arg5[%get3A_191, %get3A_192] : memref<64x9xf32, #tpu.memory_space<vmem>>, vector<64x1xf32>
    %mul3A_194 = arith.mulf %get3A_190, %get3A_193 : vector<64x1xf32>
    %add3A_195 = arith.addf %mul3A_187, %mul3A_194 : vector<64x1xf32>
    %get3A_196 = arith.constant 0 : index
    %get3A_197 = arith.constant 8 : index
    %get3A_198 = vector.load %arg5[%get3A_196, %get3A_197] : memref<64x9xf32, #tpu.memory_space<vmem>>, vector<64x1xf32>
    %get3A_199 = arith.constant 0 : index
    %get3A_200 = arith.constant 2 : index
    %get3A_201 = vector.load %arg5[%get3A_199, %get3A_200] : memref<64x9xf32, #tpu.memory_space<vmem>>, vector<64x1xf32>
    %mul3A_202 = arith.mulf %get3A_198, %get3A_201 : vector<64x1xf32>
    %add3A_203 = arith.addf %add3A_195, %mul3A_202 : vector<64x1xf32>
    %get3A_204 = arith.constant 6 : index
    %get3A_205 = arith.constant 0 : index
    %get3A_206 = vector.load %arg6[%get3A_204, %get3A_205] : memref<9x128xf32, #tpu.memory_space<vmem>>, vector<1x128xf32>
    %mul3A_207 = vector.broadcast %add3A_203 : vector<64x1xf32> to vector<64x128xf32>
    %mul3A_208 = vector.broadcast %get3A_206 : vector<1x128xf32> to vector<64x128xf32>
    %mul3A_209 = arith.mulf %mul3A_207, %mul3A_208 : vector<64x128xf32>
    %add3A_210 = arith.addf %add3A_180, %mul3A_209 : vector<64x128xf32>
    %get3A_211 = arith.constant 0 : index
    %get3A_212 = arith.constant 6 : index
    %get3A_213 = vector.load %arg5[%get3A_211, %get3A_212] : memref<64x9xf32, #tpu.memory_space<vmem>>, vector<64x1xf32>
    %get3A_214 = arith.constant 0 : index
    %get3A_215 = arith.constant 3 : index
    %get3A_216 = vector.load %arg5[%get3A_214, %get3A_215] : memref<64x9xf32, #tpu.memory_space<vmem>>, vector<64x1xf32>
    %mul3A_217 = arith.mulf %get3A_213, %get3A_216 : vector<64x1xf32>
    %get3A_218 = arith.constant 0 : index
    %get3A_219 = arith.constant 7 : index
    %get3A_220 = vector.load %arg5[%get3A_218, %get3A_219] : memref<64x9xf32, #tpu.memory_space<vmem>>, vector<64x1xf32>
    %get3A_221 = arith.constant 0 : index
    %get3A_222 = arith.constant 4 : index
    %get3A_223 = vector.load %arg5[%get3A_221, %get3A_222] : memref<64x9xf32, #tpu.memory_space<vmem>>, vector<64x1xf32>
    %mul3A_224 = arith.mulf %get3A_220, %get3A_223 : vector<64x1xf32>
    %add3A_225 = arith.addf %mul3A_217, %mul3A_224 : vector<64x1xf32>
    %get3A_226 = arith.constant 0 : index
    %get3A_227 = arith.constant 8 : index
    %get3A_228 = vector.load %arg5[%get3A_226, %get3A_227] : memref<64x9xf32, #tpu.memory_space<vmem>>, vector<64x1xf32>
    %get3A_229 = arith.constant 0 : index
    %get3A_230 = arith.constant 5 : index
    %get3A_231 = vector.load %arg5[%get3A_229, %get3A_230] : memref<64x9xf32, #tpu.memory_space<vmem>>, vector<64x1xf32>
    %mul3A_232 = arith.mulf %get3A_228, %get3A_231 : vector<64x1xf32>
    %add3A_233 = arith.addf %add3A_225, %mul3A_232 : vector<64x1xf32>
    %get3A_234 = arith.constant 7 : index
    %get3A_235 = arith.constant 0 : index
    %get3A_236 = vector.load %arg6[%get3A_234, %get3A_235] : memref<9x128xf32, #tpu.memory_space<vmem>>, vector<1x128xf32>
    %mul3A_237 = vector.broadcast %add3A_233 : vector<64x1xf32> to vector<64x128xf32>
    %mul3A_238 = vector.broadcast %get3A_236 : vector<1x128xf32> to vector<64x128xf32>
    %mul3A_239 = arith.mulf %mul3A_237, %mul3A_238 : vector<64x128xf32>
    %add3A_240 = arith.addf %add3A_210, %mul3A_239 : vector<64x128xf32>
    %get3A_241 = arith.constant 0 : index
    %get3A_242 = arith.constant 6 : index
    %get3A_243 = vector.load %arg5[%get3A_241, %get3A_242] : memref<64x9xf32, #tpu.memory_space<vmem>>, vector<64x1xf32>
    %get3A_244 = arith.constant 0 : index
    %get3A_245 = arith.constant 6 : index
    %get3A_246 = vector.load %arg5[%get3A_244, %get3A_245] : memref<64x9xf32, #tpu.memory_space<vmem>>, vector<64x1xf32>
    %mul3A_247 = arith.mulf %get3A_243, %get3A_246 : vector<64x1xf32>
    %get3A_248 = arith.constant 0 : index
    %get3A_249 = arith.constant 7 : index
    %get3A_250 = vector.load %arg5[%get3A_248, %get3A_249] : memref<64x9xf32, #tpu.memory_space<vmem>>, vector<64x1xf32>
    %get3A_251 = arith.constant 0 : index
    %get3A_252 = arith.constant 7 : index
    %get3A_253 = vector.load %arg5[%get3A_251, %get3A_252] : memref<64x9xf32, #tpu.memory_space<vmem>>, vector<64x1xf32>
    %mul3A_254 = arith.mulf %get3A_250, %get3A_253 : vector<64x1xf32>
    %add3A_255 = arith.addf %mul3A_247, %mul3A_254 : vector<64x1xf32>
    %get3A_256 = arith.constant 0 : index
    %get3A_257 = arith.constant 8 : index
    %get3A_258 = vector.load %arg5[%get3A_256, %get3A_257] : memref<64x9xf32, #tpu.memory_space<vmem>>, vector<64x1xf32>
    %get3A_259 = arith.constant 0 : index
    %get3A_260 = arith.constant 8 : index
    %get3A_261 = vector.load %arg5[%get3A_259, %get3A_260] : memref<64x9xf32, #tpu.memory_space<vmem>>, vector<64x1xf32>
    %mul3A_262 = arith.mulf %get3A_258, %get3A_261 : vector<64x1xf32>
    %add3A_263 = arith.addf %add3A_255, %mul3A_262 : vector<64x1xf32>
    %get3A_264 = arith.constant 8 : index
    %get3A_265 = arith.constant 0 : index
    %get3A_266 = vector.load %arg6[%get3A_264, %get3A_265] : memref<9x128xf32, #tpu.memory_space<vmem>>, vector<1x128xf32>
    %mul3A_267 = vector.broadcast %add3A_263 : vector<64x1xf32> to vector<64x128xf32>
    %mul3A_268 = vector.broadcast %get3A_266 : vector<1x128xf32> to vector<64x128xf32>
    %mul3A_269 = arith.mulf %mul3A_267, %mul3A_268 : vector<64x128xf32>
    %add3A_270 = arith.addf %add3A_240, %mul3A_269 : vector<64x128xf32>
    %get3A_271 = arith.constant 0 : index
    %get3A_272 = arith.constant 0 : index
    %get3A_273 = vector.load %arg4[%get3A_271, %get3A_272] : memref<3200x1xi32, #tpu.memory_space<vmem>>, vector<3200x1xi32>
    %iota3A = tpu.iota {dimensions = array<i32: 1>} : vector<1x64xi32>
    %eq3A = vector.broadcast %get3A_273 : vector<3200x1xi32> to vector<3200x64xi32>
    %eq3A_274 = vector.broadcast %iota3A : vector<1x64xi32> to vector<3200x64xi32>
    %eq3A_275 = arith.cmpi eq, %eq3A, %eq3A_274 : vector<3200x64xi32>
    %convert_element_type3A = arith.extui %eq3A_275 : vector<3200x64xi1> to vector<3200x64xi32>
    %convert_element_type3A_276 = arith.sitofp %convert_element_type3A : vector<3200x64xi32> to vector<3200x64xf32>
    %dot_general3A = arith.constant dense<0.000000e+00> : vector<3200x128xf32>
    %dot_general3A_277 = tpu.matmul %convert_element_type3A_276, %add3A_270, %dot_general3A {dimension_numbers = #tpu.dot_dimension_numbers<[1], [0], [0], [1], [0, 0, 1, 1], [], []>, transpose_lhs_hint = false} : vector<3200x64xf32>, vector<64x128xf32>, vector<3200x128xf32> -> vector<3200x128xf32>
    %get3A_278 = arith.constant 0 : index
    %get3A_279 = arith.constant 0 : index
    %get3A_280 = vector.load %arg3[%get3A_278, %get3A_279] : memref<3200x3xf32, #tpu.memory_space<vmem>>, vector<3200x3xf32>
    %iota3A_281 = tpu.iota {dimensions = array<i32: 1>} : vector<1x32xi32>
    %convert_element_type3A_282 = arith.sitofp %iota3A_281 : vector<1x32xi32> to vector<1x32xf32>
    %mul3A_283 = arith.constant 6.28318548 : f32
    %mul3A_284 = vector.broadcast %mul3A_283 : f32 to vector<1x32xf32>
    %mul3A_285 = arith.mulf %mul3A_284, %convert_element_type3A_282 : vector<1x32xf32>
    %slice3A = vector.extract_strided_slice %get3A_280 {offsets = [0, 0], sizes = [3200, 1], strides = [1, 1]} : vector<3200x3xf32> to vector<3200x1xf32>
    %mul3A_286 = vector.broadcast %slice3A : vector<3200x1xf32> to vector<3200x32xf32>
    %mul3A_287 = vector.broadcast %mul3A_285 : vector<1x32xf32> to vector<3200x32xf32>
    %mul3A_288 = arith.mulf %mul3A_286, %mul3A_287 : vector<3200x32xf32>
    %slice3A_289 = vector.extract_strided_slice %get3A_280 {offsets = [0, 1], sizes = [3200, 1], strides = [1, 1]} : vector<3200x3xf32> to vector<3200x1xf32>
    %mul3A_290 = vector.broadcast %slice3A_289 : vector<3200x1xf32> to vector<3200x32xf32>
    %mul3A_291 = vector.broadcast %mul3A_285 : vector<1x32xf32> to vector<3200x32xf32>
    %mul3A_292 = arith.mulf %mul3A_290, %mul3A_291 : vector<3200x32xf32>
    %slice3A_293 = vector.extract_strided_slice %get3A_280 {offsets = [0, 2], sizes = [3200, 1], strides = [1, 1]} : vector<3200x3xf32> to vector<3200x1xf32>
    %mul3A_294 = vector.broadcast %slice3A_293 : vector<3200x1xf32> to vector<3200x32xf32>
    %mul3A_295 = vector.broadcast %mul3A_285 : vector<1x32xf32> to vector<3200x32xf32>
    %mul3A_296 = arith.mulf %mul3A_294, %mul3A_295 : vector<3200x32xf32>
    %concatenate3A = tpu.concatenate %mul3A_288, %mul3A_292, %mul3A_296 in 1 : vector<3200x32xf32>, vector<3200x32xf32>, vector<3200x32xf32> -> vector<3200x96xf32>
    %sin3A = math.sin %concatenate3A : vector<3200x96xf32>
    %cos3A = math.cos %concatenate3A : vector<3200x96xf32>
    %concatenate3A_297 = tpu.concatenate %sin3A, %cos3A in 1 : vector<3200x96xf32>, vector<3200x96xf32> -> vector<3200x192xf32>
    %get3A_298 = arith.constant 0 : index
    %get3A_299 = arith.constant 0 : index
    %get3A_300 = vector.load %arg1[%get3A_298, %get3A_299] : memref<3200x128xf32, #tpu.memory_space<vmem>>, vector<3200x128xf32>
    %get3A_301 = arith.constant 0 : index
    %get3A_302 = arith.constant 0 : index
    %get3A_303 = vector.load %arg2[%get3A_301, %get3A_302] : memref<3200x128xf32, #tpu.memory_space<vmem>>, vector<3200x128xf32>
    %add3A_304 = arith.addf %get3A_300, %get3A_303 : vector<3200x128xf32>
    %add3A_305 = arith.addf %add3A_304, %dot_general3A_277 : vector<3200x128xf32>
    %get3A_306 = arith.constant 0 : index
    %get3A_307 = arith.constant 0 : index
    %get3A_308 = vector.load %arg8[%get3A_306, %get3A_307] : memref<192x128xf32, #tpu.memory_space<vmem>>, vector<192x128xf32>
    %dot_general3A_309 = arith.constant dense<0.000000e+00> : vector<3200x128xf32>
    %dot_general3A_310 = tpu.matmul %concatenate3A_297, %get3A_308, %dot_general3A_309 {dimension_numbers = #tpu.dot_dimension_numbers<[1], [0], [0], [1], [0, 0, 1, 1], [], []>, transpose_lhs_hint = false} : vector<3200x192xf32>, vector<192x128xf32>, vector<3200x128xf32> -> vector<3200x128xf32>
    %add3A_311 = arith.addf %add3A_305, %dot_general3A_310 : vector<3200x128xf32>
    %neg3A = arith.constant 0.000000e+00 : f32
    %neg3A_312 = vector.broadcast %neg3A : f32 to vector<3200x128xf32>
    %neg3A_313 = arith.subf %neg3A_312, %add3A_311 : vector<3200x128xf32>
    %exp3A = math.exp %neg3A_313 : vector<3200x128xf32>
    %add3A_314 = arith.constant 1.000000e+00 : f32
    %add3A_315 = vector.broadcast %add3A_314 : f32 to vector<3200x128xf32>
    %add3A_316 = arith.addf %add3A_315, %exp3A : vector<3200x128xf32>
    %div3A = arith.divf %add3A_311, %add3A_316 : vector<3200x128xf32>
    %get3A_317 = arith.constant 0 : index
    %get3A_318 = arith.constant 0 : index
    %get3A_319 = vector.load %arg9[%get3A_317, %get3A_318] : memref<128x128xf32, #tpu.memory_space<vmem>>, vector<128x128xf32>
    %dot_general3A_320 = arith.constant dense<0.000000e+00> : vector<3200x128xf32>
    %dot_general3A_321 = tpu.matmul %div3A, %get3A_319, %dot_general3A_320 {dimension_numbers = #tpu.dot_dimension_numbers<[1], [0], [0], [1], [0, 0, 1, 1], [], []>, transpose_lhs_hint = false} : vector<3200x128xf32>, vector<128x128xf32>, vector<3200x128xf32> -> vector<3200x128xf32>
    %get3A_322 = arith.constant 0 : index
    %get3A_323 = arith.constant 0 : index
    %get3A_324 = vector.load %arg10[%get3A_322, %get3A_323] : memref<1x128xf32, #tpu.memory_space<vmem>>, vector<1x128xf32>
    %add3A_325 = vector.broadcast %get3A_324 : vector<1x128xf32> to vector<3200x128xf32>
    %add3A_326 = arith.addf %dot_general3A_321, %add3A_325 : vector<3200x128xf32>
    %neg3A_327 = arith.constant 0.000000e+00 : f32
    %neg3A_328 = vector.broadcast %neg3A_327 : f32 to vector<3200x128xf32>
    %neg3A_329 = arith.subf %neg3A_328, %add3A_326 : vector<3200x128xf32>
    %exp3A_330 = math.exp %neg3A_329 : vector<3200x128xf32>
    %add3A_331 = arith.constant 1.000000e+00 : f32
    %add3A_332 = vector.broadcast %add3A_331 : f32 to vector<3200x128xf32>
    %add3A_333 = arith.addf %add3A_332, %exp3A_330 : vector<3200x128xf32>
    %div3A_334 = arith.divf %add3A_326, %add3A_333 : vector<3200x128xf32>
    %swap3A = arith.constant 0 : index
    %swap3A_335 = arith.constant 0 : index
    %swap3A_336 = vector.load %arg11[%swap3A, %swap3A_335] : memref<3200x128xf32, #tpu.memory_space<vmem>>, vector<3200x128xf32>
    tpu.vector_store %arg11[%swap3A, %swap3A_335], %div3A_334 {strides = array<i32>} : memref<3200x128xf32, #tpu.memory_space<vmem>>, vector<3200x128xf32>,
    return
  }
  func.func @transform_0(%arg0: i32) -> (i32, i32) {
    %c0_i32 = arith.constant 0 : i32
    %c0_i32_0 = arith.constant 0 : i32
    return %arg0, %c0_i32 : i32, i32
  }
  func.func @transform_1(%arg0: i32) -> (i32, i32) {
    %c0_i32 = arith.constant 0 : i32
    %c0_i32_0 = arith.constant 0 : i32
    return %arg0, %c0_i32 : i32, i32
  }
  func.func @transform_2(%arg0: i32) -> (i32, i32) {
    %c0_i32 = arith.constant 0 : i32
    %c0_i32_0 = arith.constant 0 : i32
    return %arg0, %c0_i32 : i32, i32
  }
  func.func @transform_3(%arg0: i32) -> (i32, i32) {
    %c0_i32 = arith.constant 0 : i32
    %c0_i32_0 = arith.constant 0 : i32
    return %arg0, %c0_i32 : i32, i32
  }
  func.func @transform_4(%arg0: i32) -> (i32, i32) {
    %c0_i32 = arith.constant 0 : i32
    %c0_i32_0 = arith.constant 0 : i32
    %c0_i32_1 = arith.constant 0 : i32
    return %c0_i32, %c0_i32_0 : i32, i32
  }
  func.func @transform_5(%arg0: i32) -> (i32, i32) {
    %c0_i32 = arith.constant 0 : i32
    %c0_i32_0 = arith.constant 0 : i32
    %c0_i32_1 = arith.constant 0 : i32
    return %c0_i32, %c0_i32_0 : i32, i32
  }
  func.func @transform_6(%arg0: i32) -> (i32, i32) {
    %c0_i32 = arith.constant 0 : i32
    %c0_i32_0 = arith.constant 0 : i32
    %c0_i32_1 = arith.constant 0 : i32
    return %c0_i32, %c0_i32_0 : i32, i32
  }
  func.func @transform_7(%arg0: i32) -> (i32, i32) {
    %c0_i32 = arith.constant 0 : i32
    %c0_i32_0 = arith.constant 0 : i32
    %c0_i32_1 = arith.constant 0 : i32
    return %c0_i32, %c0_i32_0 : i32, i32
  }
  func.func @transform_8(%arg0: i32) -> (i32, i32) {
    %c0_i32 = arith.constant 0 : i32
    %c0_i32_0 = arith.constant 0 : i32
    %c0_i32_1 = arith.constant 0 : i32
    return %c0_i32, %c0_i32_0 : i32, i32
  }
  func.func @transform_9(%arg0: i32) -> (i32, i32) {
    %c0_i32 = arith.constant 0 : i32
    %c0_i32_0 = arith.constant 0 : i32
    %c0_i32_1 = arith.constant 0 : i32
    return %c0_i32, %c0_i32_0 : i32, i32
  }
  func.func @transform_10(%arg0: i32) -> (i32, i32) {
    %c0_i32 = arith.constant 0 : i32
    %c0_i32_0 = arith.constant 0 : i32
    return %arg0, %c0_i32 : i32, i32
  }
}

module attributes {stable_mosaic.version = 14 : i64} {
  func.func @_s5_body(%arg0: i32, %arg1: memref<2000x128xf32, #tpu.memory_space<vmem>>, %arg2: memref<2000x128xf32, #tpu.memory_space<vmem>>, %arg3: memref<2000x128xf32, #tpu.memory_space<vmem>>, %arg4: memref<2000x128xf32, #tpu.memory_space<vmem>>, %arg5: memref<2000x128xf32, #tpu.memory_space<vmem>>, %arg6: memref<2000x128xf32, #tpu.memory_space<vmem>>, %arg7: memref<128x128xf32, #tpu.memory_space<vmem>>, %arg8: memref<128x128xf32, #tpu.memory_space<vmem>>, %arg9: memref<1x128xf32, #tpu.memory_space<vmem>>, %arg10: memref<128x128xf32, #tpu.memory_space<vmem>>, %arg11: memref<1x128xf32, #tpu.memory_space<vmem>>, %arg12: memref<2000x128xf32, #tpu.memory_space<vmem>>) attributes {dimension_semantics = [#tpu.dimension_semantics<arbitrary>], iteration_bounds = array<i64: 5>, scalar_prefetch = 0 : i64, scratch_operands = 0 : i64, tpu.core_type = #tpu.core_type<tc>, window_params = [{transform_indices = @transform_0, window_bounds = array<i64: 2000, 128>}, {transform_indices = @transform_1, window_bounds = array<i64: 2000, 128>}, {transform_indices = @transform_2, window_bounds = array<i64: 2000, 128>}, {transform_indices = @transform_3, window_bounds = array<i64: 2000, 128>}, {transform_indices = @transform_4, window_bounds = array<i64: 2000, 128>}, {transform_indices = @transform_5, window_bounds = array<i64: 2000, 128>}, {pipeline_mode = #tpu.pipeline_mode<synchronous>, transform_indices = @transform_6, window_bounds = array<i64: 128, 128>}, {pipeline_mode = #tpu.pipeline_mode<synchronous>, transform_indices = @transform_7, window_bounds = array<i64: 128, 128>}, {pipeline_mode = #tpu.pipeline_mode<synchronous>, transform_indices = @transform_8, window_bounds = array<i64: 1, 128>}, {pipeline_mode = #tpu.pipeline_mode<synchronous>, transform_indices = @transform_9, window_bounds = array<i64: 128, 128>}, {pipeline_mode = #tpu.pipeline_mode<synchronous>, transform_indices = @transform_10, window_bounds = array<i64: 1, 128>}, {transform_indices = @transform_11, window_bounds = array<i64: 2000, 128>}]} {
    %get3A = arith.constant 0 : index
    %get3A_0 = arith.constant 0 : index
    %get3A_1 = vector.load %arg3[%get3A, %get3A_0] : memref<2000x128xf32, #tpu.memory_space<vmem>>, vector<2000x128xf32>
    %get3A_2 = arith.constant 0 : index
    %get3A_3 = arith.constant 0 : index
    %get3A_4 = vector.load %arg4[%get3A_2, %get3A_3] : memref<2000x128xf32, #tpu.memory_space<vmem>>, vector<2000x128xf32>
    %add3A = arith.addf %get3A_1, %get3A_4 : vector<2000x128xf32>
    %get3A_5 = arith.constant 0 : index
    %get3A_6 = arith.constant 0 : index
    %get3A_7 = vector.load %arg5[%get3A_5, %get3A_6] : memref<2000x128xf32, #tpu.memory_space<vmem>>, vector<2000x1xf32>
    %get3A_8 = arith.constant 0 : index
    %get3A_9 = arith.constant 0 : index
    %get3A_10 = vector.load %arg6[%get3A_8, %get3A_9] : memref<2000x128xf32, #tpu.memory_space<vmem>>, vector<2000x1xf32>
    %add3A_11 = arith.addf %get3A_7, %get3A_10 : vector<2000x1xf32>
    %max3A = arith.constant 1.000000e+00 : f32
    %max3A_12 = vector.broadcast %max3A : f32 to vector<2000x1xf32>
    %max3A_13 = arith.maximumf %add3A_11, %max3A_12 : vector<2000x1xf32>
    %div3A = vector.broadcast %max3A_13 : vector<2000x1xf32> to vector<2000x128xf32>
    %div3A_14 = arith.divf %add3A, %div3A : vector<2000x128xf32>
    %get3A_15 = arith.constant 0 : index
    %get3A_16 = arith.constant 0 : index
    %get3A_17 = vector.load %arg2[%get3A_15, %get3A_16] : memref<2000x128xf32, #tpu.memory_space<vmem>>, vector<2000x128xf32>
    %get3A_18 = arith.constant 0 : index
    %get3A_19 = arith.constant 0 : index
    %get3A_20 = vector.load %arg7[%get3A_18, %get3A_19] : memref<128x128xf32, #tpu.memory_space<vmem>>, vector<128x128xf32>
    %dot_general3A = arith.constant dense<0.000000e+00> : vector<2000x128xf32>
    %dot_general3A_21 = tpu.matmul %get3A_17, %get3A_20, %dot_general3A {dimension_numbers = #tpu.dot_dimension_numbers<[1], [0], [0], [1], [0, 0, 1, 1], [], []>, precision = #tpu.contract_precision<fp32>, transpose_lhs_hint = false} : vector<2000x128xf32>, vector<128x128xf32>, vector<2000x128xf32> -> vector<2000x128xf32>
    %get3A_22 = arith.constant 0 : index
    %get3A_23 = arith.constant 0 : index
    %get3A_24 = vector.load %arg8[%get3A_22, %get3A_23] : memref<128x128xf32, #tpu.memory_space<vmem>>, vector<128x128xf32>
    %dot_general3A_25 = arith.constant dense<0.000000e+00> : vector<2000x128xf32>
    %dot_general3A_26 = tpu.matmul %div3A_14, %get3A_24, %dot_general3A_25 {dimension_numbers = #tpu.dot_dimension_numbers<[1], [0], [0], [1], [0, 0, 1, 1], [], []>, precision = #tpu.contract_precision<fp32>, transpose_lhs_hint = false} : vector<2000x128xf32>, vector<128x128xf32>, vector<2000x128xf32> -> vector<2000x128xf32>
    %add3A_27 = arith.addf %dot_general3A_21, %dot_general3A_26 : vector<2000x128xf32>
    %get3A_28 = arith.constant 0 : index
    %get3A_29 = arith.constant 0 : index
    %get3A_30 = vector.load %arg9[%get3A_28, %get3A_29] : memref<1x128xf32, #tpu.memory_space<vmem>>, vector<1x128xf32>
    %add3A_31 = vector.broadcast %get3A_30 : vector<1x128xf32> to vector<2000x128xf32>
    %add3A_32 = arith.addf %add3A_27, %add3A_31 : vector<2000x128xf32>
    %neg3A = arith.constant 0.000000e+00 : f32
    %neg3A_33 = vector.broadcast %neg3A : f32 to vector<2000x128xf32>
    %neg3A_34 = arith.subf %neg3A_33, %add3A_32 : vector<2000x128xf32>
    %exp3A = math.exp %neg3A_34 : vector<2000x128xf32>
    %add3A_35 = arith.constant 1.000000e+00 : f32
    %add3A_36 = vector.broadcast %add3A_35 : f32 to vector<2000x128xf32>
    %add3A_37 = arith.addf %add3A_36, %exp3A : vector<2000x128xf32>
    %div3A_38 = arith.divf %add3A_32, %add3A_37 : vector<2000x128xf32>
    %get3A_39 = arith.constant 0 : index
    %get3A_40 = arith.constant 0 : index
    %get3A_41 = vector.load %arg1[%get3A_39, %get3A_40] : memref<2000x128xf32, #tpu.memory_space<vmem>>, vector<2000x128xf32>
    %get3A_42 = arith.constant 0 : index
    %get3A_43 = arith.constant 0 : index
    %get3A_44 = vector.load %arg10[%get3A_42, %get3A_43] : memref<128x128xf32, #tpu.memory_space<vmem>>, vector<128x128xf32>
    %dot_general3A_45 = arith.constant dense<0.000000e+00> : vector<2000x128xf32>
    %dot_general3A_46 = tpu.matmul %div3A_38, %get3A_44, %dot_general3A_45 {dimension_numbers = #tpu.dot_dimension_numbers<[1], [0], [0], [1], [0, 0, 1, 1], [], []>, precision = #tpu.contract_precision<fp32>, transpose_lhs_hint = false} : vector<2000x128xf32>, vector<128x128xf32>, vector<2000x128xf32> -> vector<2000x128xf32>
    %get3A_47 = arith.constant 0 : index
    %get3A_48 = arith.constant 0 : index
    %get3A_49 = vector.load %arg11[%get3A_47, %get3A_48] : memref<1x128xf32, #tpu.memory_space<vmem>>, vector<1x128xf32>
    %add3A_50 = vector.broadcast %get3A_49 : vector<1x128xf32> to vector<2000x128xf32>
    %add3A_51 = arith.addf %dot_general3A_46, %add3A_50 : vector<2000x128xf32>
    %neg3A_52 = arith.constant 0.000000e+00 : f32
    %neg3A_53 = vector.broadcast %neg3A_52 : f32 to vector<2000x128xf32>
    %neg3A_54 = arith.subf %neg3A_53, %add3A_51 : vector<2000x128xf32>
    %exp3A_55 = math.exp %neg3A_54 : vector<2000x128xf32>
    %add3A_56 = arith.constant 1.000000e+00 : f32
    %add3A_57 = vector.broadcast %add3A_56 : f32 to vector<2000x128xf32>
    %add3A_58 = arith.addf %add3A_57, %exp3A_55 : vector<2000x128xf32>
    %div3A_59 = arith.divf %add3A_51, %add3A_58 : vector<2000x128xf32>
    %add3A_60 = arith.addf %get3A_41, %div3A_59 : vector<2000x128xf32>
    %swap3A = arith.constant 0 : index
    %swap3A_61 = arith.constant 0 : index
    %swap3A_62 = vector.load %arg12[%swap3A, %swap3A_61] : memref<2000x128xf32, #tpu.memory_space<vmem>>, vector<2000x128xf32>
    tpu.vector_store %arg12[%swap3A, %swap3A_61], %add3A_60 {strides = array<i32>} : memref<2000x128xf32, #tpu.memory_space<vmem>>, vector<2000x128xf32>,
    return
  }
  func.func @transform_0(%arg0: i32) -> (i32, i32) {
    %c0_i32 = arith.constant 0 : i32
    %c0_i32_0 = arith.constant 0 : i32
    return %arg0, %c0_i32 : i32, i32
  }
  func.func @transform_1(%arg0: i32) -> (i32, i32) {
    %c0_i32 = arith.constant 0 : i32
    %c0_i32_0 = arith.constant 0 : i32
    return %arg0, %c0_i32 : i32, i32
  }
  func.func @transform_2(%arg0: i32) -> (i32, i32) {
    %c0_i32 = arith.constant 0 : i32
    %c0_i32_0 = arith.constant 0 : i32
    return %arg0, %c0_i32 : i32, i32
  }
  func.func @transform_3(%arg0: i32) -> (i32, i32) {
    %c0_i32 = arith.constant 0 : i32
    %c0_i32_0 = arith.constant 0 : i32
    return %arg0, %c0_i32 : i32, i32
  }
  func.func @transform_4(%arg0: i32) -> (i32, i32) {
    %c0_i32 = arith.constant 0 : i32
    %c0_i32_0 = arith.constant 0 : i32
    return %arg0, %c0_i32 : i32, i32
  }
  func.func @transform_5(%arg0: i32) -> (i32, i32) {
    %c0_i32 = arith.constant 0 : i32
    %c0_i32_0 = arith.constant 0 : i32
    return %arg0, %c0_i32 : i32, i32
  }
  func.func @transform_6(%arg0: i32) -> (i32, i32) {
    %c0_i32 = arith.constant 0 : i32
    %c0_i32_0 = arith.constant 0 : i32
    %c0_i32_1 = arith.constant 0 : i32
    return %c0_i32, %c0_i32_0 : i32, i32
  }
  func.func @transform_7(%arg0: i32) -> (i32, i32) {
    %c0_i32 = arith.constant 0 : i32
    %c0_i32_0 = arith.constant 0 : i32
    %c0_i32_1 = arith.constant 0 : i32
    return %c0_i32, %c0_i32_0 : i32, i32
  }
  func.func @transform_8(%arg0: i32) -> (i32, i32) {
    %c0_i32 = arith.constant 0 : i32
    %c0_i32_0 = arith.constant 0 : i32
    %c0_i32_1 = arith.constant 0 : i32
    return %c0_i32, %c0_i32_0 : i32, i32
  }
  func.func @transform_9(%arg0: i32) -> (i32, i32) {
    %c0_i32 = arith.constant 0 : i32
    %c0_i32_0 = arith.constant 0 : i32
    %c0_i32_1 = arith.constant 0 : i32
    return %c0_i32, %c0_i32_0 : i32, i32
  }
  func.func @transform_10(%arg0: i32) -> (i32, i32) {
    %c0_i32 = arith.constant 0 : i32
    %c0_i32_0 = arith.constant 0 : i32
    %c0_i32_1 = arith.constant 0 : i32
    return %c0_i32, %c0_i32_0 : i32, i32
  }
  func.func @transform_11(%arg0: i32) -> (i32, i32) {
    %c0_i32 = arith.constant 0 : i32
    %c0_i32_0 = arith.constant 0 : i32
    return %arg0, %c0_i32 : i32, i32
  }
}

</mosaic_0001>

<sc_bundles>
// kernel: kernel.11.cloned.1.call-start
scs
__scs_entry_jumppad:
0x0: {  	(pc) =	sbr.rel $0x88, $3  }
0x1: {  	(tag) =	ssettag $0x0;
	lr =	simm.s32 $0x1  }
0x2: {  	[smem:$0x3F92] =	sst lr;
	_ =	strace $0xD0000000  }
0x3: {  	_ = 	snop  }
0x4: {  	_ = 	snop  }
0x5: {  	_ = 	snop  }
0x6: {  	_ = 	snop  }
0x7: {  	_ = 	snop  }
__scs_overlays_trampoline_lowered:
0x8: {  	[smem:$0x3FA1] =	sst s0  }
0x9: {  	[smem:$0x3FA2] =	sst s1  }
0xa: {  	[smem:$0x3FA3] =	sst s2  }
0xb: {  	[smem:$0x3FA4] =	sst s3  }
0xc: {  	[smem:$0x3FA5] =	sst s4  }
0xd: {  	[smem:$0x3FA6] =	sst s5  }
0xe: {  	[smem:$0x3FA7] =	sst s6  }
0xf: {  	[smem:$0x3FA8] =	sst s7  }
0x10: {  	[smem:$0x3FA9] =	sst s8  }
0x11: {  	[smem:$0x3FAA] =	sst s9;
	s0 =	simm.s32 @!p0 $0x0  }
0x12: {  	s1 =	sld [smem:$0x3F90];
	s0 =	simm.s32 @p0 $0x1  }
0x13: {  	[smem:$0x3FAB] =	sst s0;
	s0 =	simm.s32 @!p1 $0x0  }
0x14: {  	s2 =	sld [smem:$0x3F8F];
	s0 =	simm.s32 @p1 $0x1  }
0x15: {  	[smem:$0x3FAC] =	sst s0;
	s0 =	simm.s32 @!p2 $0x0  }
0x16: {  	s3 =	sld [smem:$0x3FDB];
	s0 =	simm.s32 @p2 $0x1  }
0x17: {  	s4 =	simm.s32 $0x1BF5;
	[smem:$0x3FAE] =	sst s0  }
0x18: {  	s0 =	sld [smem:$0x3F91];
	_ =	swait.ge [sflag:s4], $0x0  }
0x19: {  	s7 =	sld [smem:$0x3F92]  }
0x1a: {  	s8 =	sadd.s32 $0xFFFFE003, lr  }
0x1b: {  	s9 =	sadd.s32 $0xFFFFFEF7, lr;
	s5 =	simm.s32 $0xFFFFFFFF;
	p2 =	slt.u32 s8, $0xFFFFF086  }
0x1c: {  	p1 =	slt.u32 s9, $0xF7A;
	s5 =	simm.s32 @!p2 $0x0  }
0x1d: {  	s5 =	simm.s32 @p1 $0x1;
	p0 =	seq.s32 s7, s2  }
0x1e: {  	s7 =	smul.u32 @!p0 $0xF7A, s2;
	p2 =	seq.s32 @!p0 s5, $0x0  }
0x1f: {  	s9 =	smul.u32 $0xF7A, s1;
	s8 =	simm.s32 @!p0 $0x1BF5;
	p2 =	por !p2, p0  }
0x20: {  	[sflag:s8] =	ssyncset.s32 @!p0 $0xFFFFF086;
	s6 =	sadd.s32 @!p0 s3, s7;
	s7 =	simm.s32 @!p0 $0x108  }
0x21: {  	s3 =	sadd.s32 s3, s9;
	s6 =	sadd.s32 @!p0 $0x88, s6;
	s7 =	simm.s32 @p2 $0x1082  }
0x22: {  	[simem:s7], [sflag:s8] =	dma.local @!p0 [hbm:s6], $0xF7A  }
0x23: {  	s9 =	sor.u32 $0xD0000000, s2;
	s6 =	simm.s32 $0x108;
	_ =	swait.ge @!p0 [sflag:s8], $0x0  }
0x24: {  	s3 =	sadd.s32 $0x88, s3;
	s6 =	simm.s32 @!p1 $0x1082;
	[sflag:s4] =	ssyncset.s32 $0xFFFFF086  }
0x25: {  	[simem:s6], [sflag:s4] =	dma.local [hbm:s3], $0xF7A  }
0x26: {  	[smem:$0x3F92] =	sst s1;
	(tag) =	ssettag s2;
	_ =	strace s9  }
0x27: {  	s1 =	sld [smem:$0x3FA2]  }
0x28: {  	s2 =	sld [smem:$0x3FA3]  }
0x29: {  	s4 =	sld [smem:$0x3FA5]  }
0x2a: {  	p0 =	seq.s32 s5, $0x0;
	s5 =	sld [smem:$0x3FA6]  }
0x2b: {  	s6 =	sld [smem:$0x3FA7]  }
0x2c: {  	s7 =	sld [smem:$0x3FA8]  }
0x2d: {  	s3 =	simm.s32 $0x108;
	s8 =	sld [smem:$0x3FA9]  }
0x2e: {  	s3 =	simm.s32 @!p0 $0x1082;
	s9 =	sld [smem:$0x3FAA]  }
0x2f: {  	lr =	sadd.s32 s0, s3;
	s0 =	sld [smem:$0x3FA1]  }
0x30: {  	s3 =	sld [smem:$0x3FA4]  }
0x31: {  	[smem:$0x3FAD] =	sst s10  }
0x32: {  	s10 =	sld [smem:$0x3FAB];
	_ =	sdelay $0x3  }
0x33: {  	p0 =	seq.s32 s10, $0x1;
	s10 =	sld [smem:$0x3FAD];
	_ =	sdelay $0x3  }
0x34: {  	[smem:$0x3FAD] =	sst s10  }
0x35: {  	s10 =	sld [smem:$0x3FAC];
	_ =	sdelay $0x3  }
0x36: {  	p1 =	seq.s32 s10, $0x1;
	s10 =	sld [smem:$0x3FAD];
	_ =	sdelay $0x3  }
0x37: {  	[smem:$0x3FAD] =	sst s10  }
0x38: {  	s10 =	sld [smem:$0x3FAE]  }
0x39: {  	_ = 	snop;
	(pc) =	sbr.ind lr, $3  }
0x3a: {  	_ = 	snop  }
0x3b: {  	_ = 	snop  }
0x3c: {  	p2 =	seq.s32 s10, $0x1;
	s10 =	sld [smem:$0x3FAD]  }
0x3d: {  	_ =	shalt  }
0x3e: {  	_ =	shalt  }
0x3f: {  	_ =	shalt  }
0x40: {  	_ =	shalt  }
0x41: {  	_ =	shalt  }
0x42: {  	_ =	shalt  }
0x43: {  	_ =	shalt  }
0x44: {  	_ =	shalt  }
0x45: {  	_ =	shalt  }
0x46: {  	_ =	shalt  }
0x47: {  	_ =	shalt  }
0x48: {  	_ =	shalt  }
0x49: {  	_ =	shalt  }
0x4a: {  	_ =	shalt  }
0x4b: {  	_ =	shalt  }
0x4c: {  	_ =	shalt  }
0x4d: {  	_ =	shalt  }
0x4e: {  	_ =	shalt  }
0x4f: {  	_ =	shalt  }
0x50: {  	_ =	shalt  }
0x51: {  	_ =	shalt  }
0x52: {  	_ =	shalt  }
0x53: {  	_ =	shalt  }
0x54: {  	_ =	shalt  }
0x55: {  	_ =	shalt  }
0x56: {  	_ =	shalt  }
0x57: {  	_ =	shalt  }
0x58: {  	_ =	shalt  }
0x59: {  	_ =	shalt  }
0x5a: {  	_ =	shalt  }
0x5b: {  	_ =	shalt  }
0x5c: {  	_ =	shalt  }
0x5d: {  	_ =	shalt  }
0x5e: {  	_ =	shalt  }
0x5f: {  	_ =	shalt  }
0x60: {  	_ =	shalt  }
0x61: {  	_ =	shalt  }
0x62: {  	_ =	shalt  }
0x63: {  	_ =	shalt  }
0x64: {  	_ =	shalt  }
0x65: {  	_ =	shalt  }
0x66: {  	_ =	shalt  }
0x67: {  	_ =	shalt  }
0x68: {  	_ =	shalt  }
0x69: {  	_ =	shalt  }
0x6a: {  	_ =	shalt  }
0x6b: {  	_ =	shalt  }
0x6c: {  	_ =	shalt  }
0x6d: {  	_ =	shalt  }
0x6e: {  	_ =	shalt  }
0x6f: {  	_ =	shalt  }
0x70: {  	_ =	shalt  }
0x71: {  	_ =	shalt  }
0x72: {  	_ =	shalt  }
0x73: {  	_ =	shalt  }
0x74: {  	_ =	shalt  }
0x75: {  	_ =	shalt  }
0x76: {  	_ =	shalt  }
0x77: {  	_ =	shalt  }
0x78: {  	_ =	shalt  }
0x79: {  	_ =	shalt  }
0x7a: {  	_ =	shalt  }
0x7b: {  	_ =	shalt  }
0x7c: {  	_ =	shalt  }
0x7d: {  	_ =	shalt  }
0x7e: {  	_ =	shalt  }
0x7f: {  	_ =	shalt  }
0x80: {  	_ =	shalt  }
0x81: {  	_ =	shalt  }
0x82: {  	_ =	shalt  }
0x83: {  	_ =	shalt  }
0x84: {  	_ =	shalt  }
0x85: {  	_ =	shalt  }
0x86: {  	_ =	shalt  }
0x87: {  	_ =	shalt  }
.Lfunc_end0:
.L_simem_size_0:
called_computation.1_lowered:
.L_overlay_start_0:
0x88: {  	s2 =	sld [smem:$0x3FD9]  }
0x89: {  	s3 =	sld [smem:$0x3FFE];
	_ =	sdelay $0x1  }
0x8a: {  	s1 =	srdreg.scid  }
0x8b: {  	s0 =	sand.u32 $0x1, s1  }
0x8c: {  	s17 =	sshll.u32 s0, $0xA;
	s2 =	sadd.s32 s3, s2  }
0x8d: {  	s2 =	sadd.s32 s2, s17  }
0x8e: {  	[smem:$0x3FB9] =	sst s2  }
0x8f: {  	_ = 	snop  }
0x90: {  	(tm) =	ssettm $0x1  }
0x91: {  	s18 =	sld [smem:$0x3FFB];
	_ =	sdelay $0x3  }
0x92: {  	_ =	strace s18  }
0x93: {  	s2 =	sld [smem:$0x3FFC];
	_ =	sdelay $0x3  }
0x94: {  	_ =	strace s2  }
0x95: {  	s2 =	sld [smem:$0x3FFD];
	_ =	sdelay $0x3  }
0x96: {  	_ =	strace s2  }
0x97: {  	_ =	strace $0x8FFFFFFF  }
0x98: {  	s19 =	sld [smem:$0x3FDB];
	_ =	sdelay $0x1  }
0x99: {  	s20 =	simm.s32 $_scs_section_size  }
0x9a: {  	s4 =	simm.s32 $_size__tile_overlayer_lowered;
	s5 =	simm.s32 $_tile_overlayer_lowered  }
0x9b: {  	s6 =	simm.s32 $0x1BFF;
	s21 =	sshll.u32 s5, $0x1;
	s3 =	sadd.s32 s20, s19  }
0x9c: {  	s22 =	simm.s32 $0x0;
	s4 =	sshll.u32 s4, $0x1;
	s5 =	sadd.s32 s21, s3  }
0x9d: {  	[timem:s22], [sflag:s6] =	dma.local [hbm:s5], s4  }
0x9e: {  	_ =	swait.ge [sflag:s6], s4  }
0x9f: {  	s4 =	ssub.s32 $0x0, s4;
	[sflag:s6] =	ssyncset.done $0x0  }
0xa0: {  	[sflag:s6] =	ssyncadd.s32 s4;
	_ =	sdelay $0x1  }
0xa1: {  	s23 =	simm.s32 $0x1B8B  }
0xa2: {  	_ =	swait.ge [sflag:s23], $0x1  }
0xa3: {  	[sflag:s23] =	ssyncset.done $0x0  }
0xa4: {  	[sflag:s23] =	ssyncadd.s32 $0xFFFFFFFF  }
0xa5: {  	s4 =	sld [smem:$0x0]  }
0xa6: {  	s5 =	sand.u32 $0xFFFFFFFE, s1  }
0xa7: {  	p0 =	sne.s32 s1, s5  }
0xa8: {  	s5 =	sshll.u32 @p0 s5, $0xE  }
0xa9: {  	s5 =	sadd.s32 @p0 $0x11B8D, s5;
	s6 =	sshll.u32 @p0 s4, $0x11  }
0xaa: {  	s5 =	sor.u32 @p0 s6, s5  }
0xab: {  	[sflag:s5] =	ssyncadd.remote.s32 @p0 $0x1;
	_ =	sdelay $0x1  }
0xac: {  	s5 =	simm.s32 @p0 $0x1B8D  }
0xad: {  	_ =	swait.eq @p0 [sflag:s5], $0x1  }
0xae: {  	[sflag:s5] =	ssyncadd.s32 @p0 $0xFFFFFFFF  }
0xaf: {  	s6 =	sshll.u32 @!p0 s1, $0xE  }
0xb0: {  	s6 =	sor.u32 @!p0 $0x4000, s6;
	s5 =	simm.s32 @!p0 $0x1B8D  }
0xb1: {  	s4 =	sshll.u32 @!p0 s4, $0x11;
	s6 =	sadd.s32 @!p0 $0x11B8D, s6;
	_ =	swait.eq @!p0 [sflag:s5], $0x1  }
0xb2: {  	s4 =	sor.u32 @!p0 s4, s6;
	[sflag:s5] =	ssyncadd.s32 @!p0 $0xFFFFFFFF  }
0xb3: {  	s25 =	simm.s32 $0x1B8E;
	s24 =	sld [smem:$0x3FFE];
	[sflag:s4] =	ssyncadd.remote.s32 @!p0 $0x1  }
0xb4: {  	s26 =	simm.s32 $execute0_lowered;
	[smem:$0x3FD2] =	sst s25  }
0xb5: {  	s5 =	sshll.u32 s26, $0x1;
	_ =	strace $0x80000049;
	[dreg:$0x1] =	wrdreg $0xFFFFFFFF  }
0xb6: {  	s28 =	simm.s32 $_size_execute0_lowered;
	s3 =	sadd.s32 s3, s5;
	[dreg:$0x0] =	wrdreg $0x0  }
0xb7: {  	s5 =	sshll.u32 s28, $0x1;
	[dreg:$0x2] =	wrdreg s3  }
0xb8: {  	[dreg:$0x3] =	wrdreg s5  }
0xb9: {  	[dreg:$0x4] =	wrdreg $0xC0  }
0xba: {  	_ =	task [dreg:s22], $0x5FFFF  }
0xbb: {  	[dreg:$0x1] =	wrdreg $0xFFFFFFFF  }
0xbc: {  	[dreg:$0x0] =	wrdreg $0x60  }
0xbd: {  	[dreg:$0x2] =	wrdreg s24  }
0xbe: {  	[dreg:$0x3] =	wrdreg $0x0  }
0xbf: {  	[dreg:$0x4] =	wrdreg $0x9  }
0xc0: {  	_ =	task.clear_ibuf [dreg:s22], $0x5FFFF;
	_ =	strace $0x90000049  }
0xc1: {  	s29 =	simm.s32 $0x9;
	_ =	strace $0x8000004B  }
0xc2: {  	_ =	swait.ge [sflag:s29], $0x1  }
0xc3: {  	[sflag:s29] =	ssyncadd.s32 $0xFFFFFFFF  }
0xc4: {  	_ =	strace $0x9000004B  }
0xc5: {  	_ =	sfence  }
0xc6: {  	s30 =	sld [smem:$0x0];
	_ =	sdelay $0x2  }
0xc7: {  	s31 =	sshll.u32 s1, $0xD;
	s1 =	sshrl.u32 s1, $0x2  }
0xc8: {  	s4 =	sand.u32 $0x4000, s31;
	s1 =	sadd.s32 s1, s30  }
0xc9: {  	s0 =	sor.u32 s4, s0;
	s1 =	sshll.u32 s1, $0x11  }
0xca: {  	s0 =	sor.u32 s1, s0  }
0xcb: {  	s0 =	sadd.s32 $0x8F2B, s0  }
0xcc: {  	[sflag:s0] =	ssyncadd.remote.s32 $0x1  }
0xcd: {  	_ =	sfence.sel $0xFFFF  }
0xce: {  	[dreg:$0x0] =	wrdreg $0xFFFFFFFF;
	(pc) =	sbr.abs _section_cstart, $3  }
0xcf: {  	[dreg:$0x1] =	wrdreg $0xFFFFFFFF  }
0xd0: {  	_ =	task.clear_ibuf [dreg:s22], $0x2FFFF;
	_ =	strace $0x9FFFFFFF  }
0xd1: {  	(tm) =	ssettm $0x7FFFFFFF  }
tec
execute0_lowered:
.L_overlay_start_1:
0x0: {  	(tag) =	ssettag $0x1  }
0x1: {  	s0 =	rddreg [dreg:$0x0]  }
0x2: {  	s1 =	rddreg [dreg:$0x1]  }
0x3: {  	s2 =	simm.s32 $0x0;
	s3 =	srdreg.scid;
	s19 =	stileid.u32  }
0x4: {  	s28 =	simm.s32 $0x13880;
	s29 =	simm.s32 $0x13900;
	s30 =	simm.s32 $0x13980  }
0x5: {  	s31 =	simm.s32 $0x13A00;
	[smem:$0x7FF] =	sst s2;
	s4 =	sadd.s32 $0xE200, s0  }
0x6: {  	s3 =	sand.u32 $0x1, s3;
	s5 =	sadd.s32 $0xA2A400, s0;
	s6 =	sadd.s32 $0xA51600, s0  }
0x7: {  	s20 =	sadd.s32 $0xA51C00, s0;
	s21 =	sshll.u32 s19, $0xE;
	s8 =	sshll.u32 s19, $0xB  }
0x8: {  	s23 =	sor.u32 $0x10, s19;
	s10 =	sor.u32 $0x20, s19;
	s11 =	smul.u32 $0x4E20, s19  }
0x9: {  	s26 =	sor.u32 $0x30, s19;
	p1 =	sgt.u32 s19, $0xD;
	p4 =	slt.u32 s19, $0xE  }
0xa: {  	_ =	strace $0x8000004A;
	[dreg:$0x3] =	wrdreg s6;
	s18 =	ssub.s32 $0x2, s3  }
0xb: {  	s22 =	sadd.s32 s5, s8;
	s9 =	sshll.u32 s23, $0xE;
	s12 =	sshll.u32 s10, $0xE  }
0xc: {  	s13 =	smul.u32 $0x2710, s3;
	s16 =	sshll.u32 s26, $0xE;
	p0 =	seq.s32 s3, $0x1  }
0xd: {  	[dreg:$0x4] =	wrdreg s20;
	p3 =	sne.s32 @!p1 s19, $0x0;
	s7 =	sshrl.u32 s18, $0x1  }
0xe: {  	[dreg:$0x6] =	wrdreg s22;
	s9 =	sadd.s32 s9, s1;
	s25 =	sadd.s32 s12, s1  }
0xf: {  	p2 =	por p3, p1;
	s6 =	ssub.s32 s18, s7;
	[dreg:$0x7] =	wrdreg s9  }
0x10: {  	s7 =	sadd.s32 s21, s1;
	[dreg:$0x9] =	wrdreg s25;
	s9 =	sshll.u32 s10, $0xB  }
0x11: {  	s13 =	sadd.s32 s13, s11;
	s18 =	sor.u32 $0x40, s19;
	[dreg:$0x5] =	wrdreg s7  }
0x12: {  	s7 =	sshll.u32 s23, $0xB;
	s11 =	sadd.s32 $0x140, s13;
	s14 =	sshrl.u32 s13, $0x3  }
0x13: {  	s17 =	sadd.s32 $0xF0, s13;
	s23 =	sadd.s32 s16, s1;
	s24 =	sadd.s32 s5, s7  }
0x14: {  	s15 =	sshrl.u32 s11, $0x3;
	s11 =	sadd.s32 s14, s4;
	s3 =	sshrl.u32 s17, $0x3  }
0x15: {  	s14 =	sadd.s32 $0xA0, s13;
	[dreg:$0xa] =	wrdreg s23;
	s16 =	sadd.s32 s20, s7  }
0x16: {  	[dreg:$0x8] =	wrdreg s24;
	s12 =	sadd.s32 s15, s4;
	s15 =	sadd.s32 $0x50, s13  }
0x17: {  	s13 =	sadd.s32 s3, s4;
	s21 =	sshrl.u32 s14, $0x3;
	s24 =	sadd.s32 s5, s9  }
0x18: {  	[dreg:$0x12] =	wrdreg s16;
	s15 =	sshrl.u32 s15, $0x3;
	s14 =	sadd.s32 s21, s4  }
0x19: {  	[dreg:$0xb] =	wrdreg s24;
	s21 =	sadd.s32 s20, s9;
	s15 =	sadd.s32 s15, s4  }
0x1a: {  	s4 =	sshll.u32 s26, $0xB;
	s26 =	sadd.s32 s20, s8;
	[dreg:$0x14] =	wrdreg s21  }
0x1b: {  	s3 =	sshll.u32 s18, $0xB;
	s25 =	sadd.s32 s5, s4;
	[dreg:$0x10] =	wrdreg s26  }
0x1c: {  	p3 =	por !p3, p1;
	s5 =	sadd.s32 s5, s3;
	[dreg:$0xc] =	wrdreg s25  }
0x1d: {  	s22 =	sshll.u32 s18, $0xE;
	s23 =	sadd.s32 s20, s4;
	[dreg:$0xd] =	wrdreg s5  }
0x1e: {  	s5 =	sadd.s32 $0xA78E00, s0;
	s0 =	sadd.s32 $0xA51400, s0;
	[dreg:$0x16] =	wrdreg s23  }
0x1f: {  	s17 =	sadd.s32 s22, s1;
	s25 =	sadd.s32 s20, s3;
	[dreg:$0xf] =	wrdreg s0  }
0x20: {  	s21 =	simm.s32 $0x0;
	s23 =	smax.u32 s6, $0x1;
	[dreg:$0x18] =	wrdreg s25  }
0x21: {  	s10 =	sadd.s32 s5, s8;
	s18 =	sadd.s32 s5, s7;
	[dreg:$0xe] =	wrdreg s5  }
.Ltmp0:
0x22: {  	s22 =	sadd.s32 s5, s9;
	[dreg:$0x11] =	wrdreg s10;
	(pc) =	sbr.rel .LBB2_1-.Ltmp0, $4  }
0x23: {  	s24 =	sadd.s32 s5, s4;
	s26 =	sadd.s32 s5, s3;
	[dreg:$0x13] =	wrdreg s18  }
0x24: {  	s25 =	simm.s32 $0x13B00;
	s0 =	simm.s32 $0x13A80;
	[dreg:$0x15] =	wrdreg s22  }
0x25: {  	s3 =	simm.s32 $0x1;
	s5 =	simm.s32 $0x50;
	[dreg:$0x17] =	wrdreg s24  }
0x26: {  	[dreg:$0x19] =	wrdreg s26;
	s24 =	sadd.s32 $0x138000, s1;
	s26 =	simm.s32 $0x2  }
.LBB2_5:
0x27: {  	s6 =	sadd.s32 $0x27000, s6;
	s7 =	sshrl.u32 s24, $0x3  }
0x28: {  	[hbm:s6], [sflag:s4] =	dma.local [spmem:s7], $0x100  }
0x29: {  	_ =	swait.ge [sflag:s26], $0x100  }
0x2a: {  	[sflag:s26] =	ssyncset.done $0x0  }
0x2b: {  	[sflag:s26] =	ssyncadd.s32 $0xFFFFFF00  }
.LBB2_6:
0x2c: {  	s21 =	sadd.s32 $0x1, s21  }
0x2d: {  	p5 =	sne.s32 s21, s23  }
.Ltmp1:
0x2e: {  	_ = 	snop;
	(pc) =	sbr.rel @!p5 .LBB2_7-.Ltmp1, $1  }
0x2f: {  	_ =	sdelay $0x3  }
.LBB2_1:
0x30: {  	s4 =	rddreg [dreg:$0x3];
	s7 =	stileid.u32  }
0x31: {  	[tilespmem:s25], [sflag:$0x2] =	stream.linear.gather [hbm4b:s4+s2], $0x2800, $0x38;
	[tilespmem:$0x16300] =	vst v63  }
0x32: {  	s4 =	sshll.u32 s7, $0x6;
	_ =	swait.ge [sflag:s26], $0x2800  }
0x33: {  	s4 =	sor.u32 $0x1C02, s4;
	[sflag:s26] =	ssyncset.done $0x0;
	s6 =	rddreg [dreg:$0x5]  }
0x34: {  	s8 =	rddreg [dreg:$0x6];
	[sflag:s26] =	ssyncadd.s32 $0xFFFFD800;
	s9 =	sshrl.u32 s6, $0x3  }
0x35: {  	[spmem:s9], [sflag:s4] =	dma.local [hbm:s8], $0x800  }
0x36: {  	_ =	swait.ge [sflag:s26], $0x800  }
0x37: {  	[sflag:s26] =	ssyncset.done $0x0;
	s10 =	rddreg [dreg:$0x7]  }
0x38: {  	s16 =	rddreg [dreg:$0x8];
	[sflag:s26] =	ssyncadd.s32 $0xFFFFF800;
	s8 =	sshrl.u32 s10, $0x3  }
0x39: {  	[spmem:s8], [sflag:s4] =	dma.local [hbm:s16], $0x800  }
0x3a: {  	_ =	swait.ge [sflag:s26], $0x800  }
0x3b: {  	[sflag:s26] =	ssyncset.done $0x0;
	s18 =	rddreg [dreg:$0x9]  }
0x3c: {  	s19 =	rddreg [dreg:$0xb];
	[sflag:s26] =	ssyncadd.s32 $0xFFFFF800;
	s7 =	sshrl.u32 s18, $0x3  }
0x3d: {  	[spmem:s7], [sflag:s4] =	dma.local [hbm:s19], $0x800  }
0x3e: {  	_ =	swait.ge [sflag:s26], $0x800  }
0x3f: {  	[sflag:s26] =	ssyncset.done $0x0;
	s20 =	rddreg [dreg:$0xa]  }
0x40: {  	s10 =	rddreg [dreg:$0xc];
	[sflag:s26] =	ssyncadd.s32 $0xFFFFF800;
	s6 =	sshrl.u32 s20, $0x3  }
0x41: {  	[spmem:s6], [sflag:s4] =	dma.local [hbm:s10], $0x800  }
0x42: {  	_ =	swait.ge [sflag:s26], $0x800  }
0x43: {  	[sflag:s26] =	ssyncset.done $0x0  }
0x44: {  	s10 =	sshrl.u32 @!p1 s17, $0x3;
	s16 =	rddreg [dreg:$0xd];
	[sflag:s26] =	ssyncadd.s32 $0xFFFFF800  }
0x45: {  	[spmem:s10], [sflag:s4] =	dma.local @!p1 [hbm:s16], $0x800  }
0x46: {  	s16 =	simm.s32 @!p1 $0x2  }
0x47: {  	_ =	swait.ge @!p1 [sflag:s16], $0x800  }
0x48: {  	[sflag:s16] =	ssyncset.done @!p1 $0x0  }
0x49: {  	s18 =	rddreg [dreg:$0xf];
	[sflag:s16] =	ssyncadd.s32 @!p1 $0xFFFFF800;
	s16 =	sshrl.u32 @!p2 s24, $0x3  }
0x4a: {  	[spmem:s16], [sflag:s4] =	dma.local @!p2 [hbm:s18], $0x100  }
0x4b: {  	s16 =	simm.s32 @!p2 $0x2  }
0x4c: {  	_ =	swait.ge @!p2 [sflag:s16], $0x100  }
0x4d: {  	[sflag:s16] =	ssyncset.done @!p2 $0x0  }
0x4e: {  	[sflag:s16] =	ssyncadd.s32 @!p2 $0xFFFFFF00  }
0x4f: {  	s22 =	sadd.s32 $0x0, s11;
	[bflag:$0x0] =	sbarrier.arrive $0xFFFF  }
0x50: {  	[tilespmem:s28], [sflag:$0x1] =	stream.linear.gather [hbm4b:s22+s2], $0x50, $0x38;
	[tilespmem:$0x16300] =	vst v63  }
0x51: {  	s18 =	sadd.s32 $0x0, s15  }
0x52: {  	[tilespmem:s29], [sflag:$0x1] =	stream.linear.gather [hbm4b:s18+s2], $0x50, $0x38;
	[tilespmem:$0x16300] =	vst v63  }
0x53: {  	s19 =	sadd.s32 $0x0, s14  }
0x54: {  	[tilespmem:s30], [sflag:$0x1] =	stream.linear.gather [hbm4b:s19+s2], $0x50, $0x38;
	[tilespmem:$0x16300] =	vst v63  }
0x55: {  	s20 =	sadd.s32 $0x0, s13  }
0x56: {  	[tilespmem:s31], [sflag:$0x1] =	stream.linear.gather [hbm4b:s20+s2], $0x50, $0x38;
	[tilespmem:$0x16300] =	vst v63  }
0x57: {  	s22 =	sadd.s32 $0x0, s12  }
0x58: {  	[tilespmem:s0], [sflag:$0x1] =	stream.linear.gather [hbm4b:s22+s2], $0x50, $0x38;
	[tilespmem:$0x16300] =	vst v63  }
0x59: {  	_ =	swait.ge [sflag:s3], $0x50  }
0x5a: {  	[sflag:s3] =	ssyncset.done $0x0  }
0x5b: {  	[sflag:s3] =	ssyncadd.s32 $0xFFFFFFB0  }
0x5c: {  	_ =	swait.ge [sflag:s3], $0x50  }
0x5d: {  	[sflag:s3] =	ssyncset.done $0x0  }
0x5e: {  	[sflag:s3] =	ssyncadd.s32 $0xFFFFFFB0  }
0x5f: {  	_ =	swait.ge [sflag:s3], $0x50  }
0x60: {  	[sflag:s3] =	ssyncset.done $0x0  }
0x61: {  	[sflag:s3] =	ssyncadd.s32 $0xFFFFFFB0  }
0x62: {  	_ =	swait.ge [sflag:s3], $0x50  }
0x63: {  	[sflag:s3] =	ssyncset.done $0x0  }
0x64: {  	[sflag:s3] =	ssyncadd.s32 $0xFFFFFFB0  }
0x65: {  	_ =	swait.ge [sflag:s3], $0x50  }
0x66: {  	[sflag:s3] =	ssyncset.done $0x0  }
0x67: {  	[sflag:s3] =	ssyncadd.s32 $0xFFFFFFB0  }
0x68: {  	[spmem:s1] =	stream.indirect.scatter.add.f32 [tilespmem:s25], [sflag:$0x2], $0x80, s28, s5, $0xb8;
	[tilespmem:$0x16300] =	vst v63  }
0x69: {  	_ =	swait.ge [sflag:s26], $0x2800  }
0x6a: {  	[sflag:s26] =	ssyncset.done $0x0  }
0x6b: {  	[sflag:s26] =	ssyncadd.s32 $0xFFFFD800  }
0x6c: {  	[spmem:s1] =	stream.indirect.scatter.add.f32 [tilespmem:s25], [sflag:$0x2], $0x80, s29, s5, $0xb8;
	[tilespmem:$0x16300] =	vst v63  }
0x6d: {  	_ =	swait.ge [sflag:s26], $0x2800  }
0x6e: {  	[sflag:s26] =	ssyncset.done $0x0  }
0x6f: {  	[sflag:s26] =	ssyncadd.s32 $0xFFFFD800  }
0x70: {  	[spmem:s1] =	stream.indirect.scatter.add.f32 [tilespmem:s25], [sflag:$0x2], $0x80, s30, s5, $0xb8;
	[tilespmem:$0x16300] =	vst v63  }
0x71: {  	_ =	swait.ge [sflag:s26], $0x2800  }
0x72: {  	[sflag:s26] =	ssyncset.done $0x0  }
0x73: {  	[sflag:s26] =	ssyncadd.s32 $0xFFFFD800  }
0x74: {  	[spmem:s1] =	stream.indirect.scatter.add.f32 [tilespmem:s25], [sflag:$0x2], $0x80, s31, s5, $0xb8;
	[tilespmem:$0x16300] =	vst v63  }
0x75: {  	_ =	swait.ge [sflag:s26], $0x2800  }
0x76: {  	p5 =	por @!p1 $0x0, $0x0;
	p6 =	por @!p2 $0x1, $0x1;
	[sflag:s26] =	ssyncset.done $0x0  }
0x77: {  	p6 =	por @!p3 p5, p5;
	p5 =	por $0x0, $0x0;
	[sflag:s26] =	ssyncadd.s32 $0xFFFFD800  }
0x78: {  	[spmem:s1] =	stream.indirect.scatter.add.f32 [tilespmem:s25], [sflag:$0x2], $0x80, s0, s5, $0xb8;
	[tilespmem:$0x16300] =	vst v63  }
0x79: {  	p5 =	por @!p1 p6, p6;
	_ =	swait.ge [sflag:s26], $0x2800  }
0x7a: {  	s16 =	simm.s32 $0x32;
	s18 =	simm.s32 $0x64;
	[sflag:s26] =	ssyncset.done $0x0  }
.LBB2_2:
0x7b: {  	s20 =	sadd.s32 s16, s11  }
0x7c: {  	[sflag:s26] =	ssyncadd.s32 $0xFFFFD800;
	s22 =	smov.u32 s18;
	s19 =	sadd.s32 $0x32, s18  }
0x7d: {  	[tilespmem:s28], [sflag:$0x1] =	stream.linear.gather [hbm4b:s20+s2], $0x50, $0x38;
	[tilespmem:$0x16300] =	vst v63  }
0x7e: {  	p6 =	sne.s32 s18, $0x4B0;
	s18 =	sadd.s32 s16, s15  }
0x7f: {  	[tilespmem:s29], [sflag:$0x1] =	stream.linear.gather [hbm4b:s18+s2], $0x50, $0x38;
	[tilespmem:$0x16300] =	vst v63  }
0x80: {  	s18 =	sadd.s32 s16, s14  }
0x81: {  	[tilespmem:s30], [sflag:$0x1] =	stream.linear.gather [hbm4b:s18+s2], $0x50, $0x38;
	[tilespmem:$0x16300] =	vst v63  }
0x82: {  	s18 =	sadd.s32 s16, s13  }
0x83: {  	[tilespmem:s31], [sflag:$0x1] =	stream.linear.gather [hbm4b:s18+s2], $0x50, $0x38;
	[tilespmem:$0x16300] =	vst v63  }
0x84: {  	s18 =	sadd.s32 s16, s12;
	s16 =	smov.u32 s22  }
0x85: {  	[tilespmem:s0], [sflag:$0x1] =	stream.linear.gather [hbm4b:s18+s2], $0x50, $0x38;
	[tilespmem:$0x16300] =	vst v63  }
0x86: {  	_ =	swait.ge [sflag:s3], $0x50  }
0x87: {  	[sflag:s3] =	ssyncset.done $0x0  }
0x88: {  	[sflag:s3] =	ssyncadd.s32 $0xFFFFFFB0  }
0x89: {  	_ =	swait.ge [sflag:s3], $0x50  }
0x8a: {  	[sflag:s3] =	ssyncset.done $0x0  }
0x8b: {  	[sflag:s3] =	ssyncadd.s32 $0xFFFFFFB0  }
0x8c: {  	_ =	swait.ge [sflag:s3], $0x50  }
0x8d: {  	[sflag:s3] =	ssyncset.done $0x0  }
0x8e: {  	[sflag:s3] =	ssyncadd.s32 $0xFFFFFFB0  }
0x8f: {  	_ =	swait.ge [sflag:s3], $0x50  }
0x90: {  	[sflag:s3] =	ssyncset.done $0x0  }
0x91: {  	[sflag:s3] =	ssyncadd.s32 $0xFFFFFFB0  }
0x92: {  	_ =	swait.ge [sflag:s3], $0x50  }
0x93: {  	[sflag:s3] =	ssyncset.done $0x0  }
0x94: {  	[sflag:s3] =	ssyncadd.s32 $0xFFFFFFB0  }
0x95: {  	[spmem:s1] =	stream.indirect.scatter.add.f32 [tilespmem:s25], [sflag:$0x2], $0x80, s28, s5, $0xb8;
	[tilespmem:$0x16300] =	vst v63  }
0x96: {  	_ =	swait.ge [sflag:s26], $0x2800  }
0x97: {  	[sflag:s26] =	ssyncset.done $0x0  }
0x98: {  	[sflag:s26] =	ssyncadd.s32 $0xFFFFD800  }
0x99: {  	[spmem:s1] =	stream.indirect.scatter.add.f32 [tilespmem:s25], [sflag:$0x2], $0x80, s29, s5, $0xb8;
	[tilespmem:$0x16300] =	vst v63  }
0x9a: {  	_ =	swait.ge [sflag:s26], $0x2800  }
0x9b: {  	[sflag:s26] =	ssyncset.done $0x0  }
0x9c: {  	[sflag:s26] =	ssyncadd.s32 $0xFFFFD800  }
0x9d: {  	[spmem:s1] =	stream.indirect.scatter.add.f32 [tilespmem:s25], [sflag:$0x2], $0x80, s30, s5, $0xb8;
	[tilespmem:$0x16300] =	vst v63  }
0x9e: {  	_ =	swait.ge [sflag:s26], $0x2800  }
0x9f: {  	[sflag:s26] =	ssyncset.done $0x0  }
0xa0: {  	[sflag:s26] =	ssyncadd.s32 $0xFFFFD800  }
0xa1: {  	[spmem:s1] =	stream.indirect.scatter.add.f32 [tilespmem:s25], [sflag:$0x2], $0x80, s31, s5, $0xb8;
	[tilespmem:$0x16300] =	vst v63  }
0xa2: {  	_ =	swait.ge [sflag:s26], $0x2800  }
.Ltmp2:
0xa3: {  	[sflag:s26] =	ssyncset.done $0x0;
	(pc) =	sbr.rel @p6 .LBB2_2-.Ltmp2, $4  }
0xa4: {  	[sflag:s26] =	ssyncadd.s32 $0xFFFFD800  }
0xa5: {  	[spmem:s1] =	stream.indirect.scatter.add.f32 [tilespmem:s25], [sflag:$0x2], $0x80, s0, s5, $0xb8;
	[tilespmem:$0x16300] =	vst v63  }
0xa6: {  	_ =	swait.ge [sflag:s26], $0x2800  }
0xa7: {  	s18 =	smov.u32 s19;
	[sflag:s26] =	ssyncset.done $0x0  }
0xa8: {  	s18 =	sadd.s32 s16, s11;
	[sflag:s26] =	ssyncadd.s32 $0xFFFFD800  }
0xa9: {  	[tilespmem:s28], [sflag:$0x1] =	stream.linear.gather [hbm4b:s18+s2], $0x50, $0x38;
	[tilespmem:$0x16300] =	vst v63  }
0xaa: {  	s22 =	sadd.s32 s16, s15  }
0xab: {  	[tilespmem:s29], [sflag:$0x1] =	stream.linear.gather [hbm4b:s22+s2], $0x50, $0x38;
	[tilespmem:$0x16300] =	vst v63  }
0xac: {  	s19 =	sadd.s32 s16, s14  }
0xad: {  	[tilespmem:s30], [sflag:$0x1] =	stream.linear.gather [hbm4b:s19+s2], $0x50, $0x38;
	[tilespmem:$0x16300] =	vst v63  }
0xae: {  	s20 =	sadd.s32 s16, s13  }
0xaf: {  	[tilespmem:s31], [sflag:$0x1] =	stream.linear.gather [hbm4b:s20+s2], $0x50, $0x38;
	[tilespmem:$0x16300] =	vst v63  }
0xb0: {  	s22 =	sadd.s32 s16, s12  }
0xb1: {  	[tilespmem:s0], [sflag:$0x1] =	stream.linear.gather [hbm4b:s22+s2], $0x50, $0x38;
	[tilespmem:$0x16300] =	vst v63  }
0xb2: {  	_ =	swait.ge [sflag:s3], $0x50  }
0xb3: {  	[sflag:s3] =	ssyncset.done $0x0  }
0xb4: {  	[sflag:s3] =	ssyncadd.s32 $0xFFFFFFB0  }
0xb5: {  	_ =	swait.ge [sflag:s3], $0x50  }
0xb6: {  	[sflag:s3] =	ssyncset.done $0x0  }
0xb7: {  	[sflag:s3] =	ssyncadd.s32 $0xFFFFFFB0  }
0xb8: {  	_ =	swait.ge [sflag:s3], $0x50  }
0xb9: {  	[sflag:s3] =	ssyncset.done $0x0  }
0xba: {  	[sflag:s3] =	ssyncadd.s32 $0xFFFFFFB0  }
0xbb: {  	_ =	swait.ge [sflag:s3], $0x50  }
0xbc: {  	[sflag:s3] =	ssyncset.done $0x0  }
0xbd: {  	[sflag:s3] =	ssyncadd.s32 $0xFFFFFFB0  }
0xbe: {  	_ =	swait.ge [sflag:s3], $0x50  }
0xbf: {  	[sflag:s3] =	ssyncset.done $0x0  }
0xc0: {  	[sflag:s3] =	ssyncadd.s32 $0xFFFFFFB0  }
0xc1: {  	[spmem:s1] =	stream.indirect.scatter.add.f32 [tilespmem:s25], [sflag:$0x2], $0x80, s28, s5, $0xb8;
	[tilespmem:$0x16300] =	vst v63  }
0xc2: {  	_ =	swait.ge [sflag:s26], $0x2800  }
0xc3: {  	[sflag:s26] =	ssyncset.done $0x0  }
0xc4: {  	[sflag:s26] =	ssyncadd.s32 $0xFFFFD800  }
0xc5: {  	[spmem:s1] =	stream.indirect.scatter.add.f32 [tilespmem:s25], [sflag:$0x2], $0x80, s29, s5, $0xb8;
	[tilespmem:$0x16300] =	vst v63  }
0xc6: {  	_ =	swait.ge [sflag:s26], $0x2800  }
0xc7: {  	[sflag:s26] =	ssyncset.done $0x0  }
0xc8: {  	[sflag:s26] =	ssyncadd.s32 $0xFFFFD800  }
0xc9: {  	[spmem:s1] =	stream.indirect.scatter.add.f32 [tilespmem:s25], [sflag:$0x2], $0x80, s30, s5, $0xb8;
	[tilespmem:$0x16300] =	vst v63  }
0xca: {  	_ =	swait.ge [sflag:s26], $0x2800  }
0xcb: {  	[sflag:s26] =	ssyncset.done $0x0  }
0xcc: {  	[sflag:s26] =	ssyncadd.s32 $0xFFFFD800  }
0xcd: {  	[spmem:s1] =	stream.indirect.scatter.add.f32 [tilespmem:s25], [sflag:$0x2], $0x80, s31, s5, $0xb8;
	[tilespmem:$0x16300] =	vst v63  }
0xce: {  	_ =	swait.ge [sflag:s26], $0x2800  }
0xcf: {  	[sflag:s26] =	ssyncset.done $0x0  }
0xd0: {  	[sflag:s26] =	ssyncadd.s32 $0xFFFFD800  }
0xd1: {  	[spmem:s1] =	stream.indirect.scatter.add.f32 [tilespmem:s25], [sflag:$0x2], $0x80, s0, s5, $0xb8;
	[tilespmem:$0x16300] =	vst v63  }
.Ltmp3:
0xd2: {  	_ =	swait.ge [sflag:s26], $0x2800;
	(pc) =	sbr.rel @!p0 .LBB2_4-.Ltmp3, $3  }
0xd3: {  	[sflag:s26] =	ssyncset.done $0x0  }
0xd4: {  	[sflag:s26] =	ssyncadd.s32 $0xFFFFD800  }
0xd5: {  	[bflag:$0x0] =	sbarrier.arrive $0xFFFF;
	_ =	sdelay $0x1  }
0xd6: {  	s16 =	rddreg [dreg:$0x11]  }
0xd7: {  	[hbm:s16], [sflag:s4] =	dma.local [spmem:s9], $0x800  }
0xd8: {  	_ =	swait.ge [sflag:s26], $0x800  }
0xd9: {  	[sflag:s26] =	ssyncset.done $0x0  }
0xda: {  	s19 =	rddreg [dreg:$0x13];
	[sflag:s26] =	ssyncadd.s32 $0xFFFFF800  }
0xdb: {  	[hbm:s19], [sflag:s4] =	dma.local [spmem:s8], $0x800  }
0xdc: {  	_ =	swait.ge [sflag:s26], $0x800  }
0xdd: {  	[sflag:s26] =	ssyncset.done $0x0  }
0xde: {  	s20 =	rddreg [dreg:$0x15];
	[sflag:s26] =	ssyncadd.s32 $0xFFFFF800  }
0xdf: {  	[hbm:s20], [sflag:s4] =	dma.local [spmem:s7], $0x800  }
0xe0: {  	_ =	swait.ge [sflag:s26], $0x800  }
0xe1: {  	[sflag:s26] =	ssyncset.done $0x0  }
0xe2: {  	s22 =	rddreg [dreg:$0x17];
	[sflag:s26] =	ssyncadd.s32 $0xFFFFF800  }
0xe3: {  	[hbm:s22], [sflag:s4] =	dma.local [spmem:s6], $0x800  }
0xe4: {  	_ =	swait.ge [sflag:s26], $0x800  }
0xe5: {  	[sflag:s26] =	ssyncset.done $0x0  }
0xe6: {  	s6 =	rddreg [dreg:$0x19];
	[sflag:s26] =	ssyncadd.s32 $0xFFFFF800  }
0xe7: {  	[hbm:s6], [sflag:s4] =	dma.local @!p1 [spmem:s10], $0x800  }
.Ltmp4:
0xe8: {  	_ = 	snop;
	(pc) =	sbr.rel @p5 .LBB2_5-.Ltmp4, $4  }
.Ltmp5:
0xe9: {  	s6 =	simm.s32 @!p1 $0x2;
	(pc) =	sbr.rel @!p5 .LBB2_6-.Ltmp5, $4  }
0xea: {  	_ =	swait.ge @!p1 [sflag:s6], $0x800  }
0xeb: {  	[sflag:s6] =	ssyncset.done @!p1 $0x0  }
0xec: {  	[sflag:s6] =	ssyncadd.s32 @!p1 $0xFFFFF800;
	s6 =	rddreg [dreg:$0xe]  }
0xed: {  	_ = 	snop  }
.LBB2_4:
0xee: {  	s10 =	rddreg [dreg:$0x10]  }
0xef: {  	[hbm:s10], [sflag:s4] =	dma.local [spmem:s9], $0x800  }
0xf0: {  	_ =	swait.ge [sflag:s26], $0x800  }
0xf1: {  	[sflag:s26] =	ssyncset.done $0x0  }
0xf2: {  	s19 =	rddreg [dreg:$0x12];
	[sflag:s26] =	ssyncadd.s32 $0xFFFFF800  }
0xf3: {  	[hbm:s19], [sflag:s4] =	dma.local [spmem:s8], $0x800  }
0xf4: {  	_ =	swait.ge [sflag:s26], $0x800  }
0xf5: {  	[sflag:s26] =	ssyncset.done $0x0  }
0xf6: {  	s20 =	rddreg [dreg:$0x14];
	[sflag:s26] =	ssyncadd.s32 $0xFFFFF800  }
0xf7: {  	[hbm:s20], [sflag:s4] =	dma.local [spmem:s7], $0x800  }
0xf8: {  	_ =	swait.ge [sflag:s26], $0x800  }
0xf9: {  	[sflag:s26] =	ssyncset.done $0x0  }
0xfa: {  	s22 =	rddreg [dreg:$0x16];
	[sflag:s26] =	ssyncadd.s32 $0xFFFFF800  }
0xfb: {  	[hbm:s22], [sflag:s4] =	dma.local [spmem:s6], $0x800  }
0xfc: {  	_ =	swait.ge [sflag:s26], $0x800  }
0xfd: {  	[sflag:s26] =	ssyncset.done $0x0  }
0xfe: {  	s6 =	sshrl.u32 @p4 s17, $0x3;
	s7 =	rddreg @p4 [dreg:$0x18];
	[sflag:s26] =	ssyncadd.s32 $0xFFFFF800  }
0xff: {  	[hbm:s7], [sflag:s4] =	dma.local @p4 [spmem:s6], $0x800  }
.Ltmp6:
0x100: {  	_ = 	snop;
	(pc) =	sbr.rel @!p5 .LBB2_6-.Ltmp6, $4  }
.Ltmp7:
0x101: {  	_ = 	snop;
	(pc) =	sbr.rel @p5 .LBB2_5-.Ltmp7, $4  }
0x102: {  	_ =	swait.ge @p4 [sflag:s26], $0x800  }
0x103: {  	[sflag:s26] =	ssyncset.done @p4 $0x0  }
0x104: {  	s6 =	rddreg [dreg:$0x4];
	[sflag:s26] =	ssyncadd.s32 @p4 $0xFFFFF800  }
0x105: {  	_ = 	snop  }
.LBB2_7:
0x106: {  	_ =	sfence.sel $0x180000  }
0x107: {  	[bflag:$0x0] =	sbarrier.arrive $0xFFFF  }
0x108: {  	_ =	strace $0x9000004A  }
0x109: {  	s0 =	stileid.u32;
	[bflag:$0x2] =	sbarrier.arrive $0xFFFF  }
0x10a: {  	p0 =	sne.s32 s0, $0x0;
	s0 =	rddreg [dreg:$0x2]  }
0x10b: {  	s0 =	sadd.s32 @!p0 $0x100000, s0  }
0x10c: {  	[sflag:s0] =	ssyncadd.tile.s32 @!p0 $0x1;
	_ =	shalt  }
.Lfunc_end2:
_tile_overlayer_lowered:
.L_overlay_start_2:
0x10d: {  	(tag) =	ssettag $0x2  }
0x10e: {  	s0 =	rddreg [dreg:$0x0];
	s2 =	stileid.u32  }
0x10f: {  	s1 =	rddreg [dreg:$0x1];
	p0 =	sne.s32 s2, $0x0  }
0x110: {  	s3 =	rddreg [dreg:$0x2];
	[bflag:$0x3] =	sbarrier.arrive $0xFFFF;
	s2 =	simm.s32 @!p0 $0x1C02  }
0x111: {  	[timem:s3], [sflag:s2] =	dma.local @!p0 [hbm:s0], s1  }
0x112: {  	s0 =	simm.s32 @!p0 $0x2  }
0x113: {  	_ =	swait.ge @!p0 [sflag:s0], s1  }
0x114: {  	s1 =	ssub.s32 @!p0 $0x0, s1;
	[sflag:s0] =	ssyncset.done @!p0 $0x0  }
0x115: {  	[sflag:s0] =	ssyncadd.s32 @!p0 s1  }
0x116: {  	[bflag:$0x3] =	sbarrier.arrive $0xFFFF  }
0x117: {  	_ =	shalt  }

// kernel: kernel.14.cloned.1.call-start
scs
__scs_entry_jumppad:
0x0: {  	(pc) =	sbr.rel $0x88, $3  }
0x1: {  	(tag) =	ssettag $0x0;
	lr =	simm.s32 $0x1  }
0x2: {  	[smem:$0x3F92] =	sst lr;
	_ =	strace $0xD0000000  }
0x3: {  	_ = 	snop  }
0x4: {  	_ = 	snop  }
0x5: {  	_ = 	snop  }
0x6: {  	_ = 	snop  }
0x7: {  	_ = 	snop  }
__scs_overlays_trampoline_lowered:
0x8: {  	[smem:$0x3FA1] =	sst s0  }
0x9: {  	[smem:$0x3FA2] =	sst s1  }
0xa: {  	[smem:$0x3FA3] =	sst s2  }
0xb: {  	[smem:$0x3FA4] =	sst s3  }
0xc: {  	[smem:$0x3FA5] =	sst s4  }
0xd: {  	[smem:$0x3FA6] =	sst s5  }
0xe: {  	[smem:$0x3FA7] =	sst s6  }
0xf: {  	[smem:$0x3FA8] =	sst s7  }
0x10: {  	[smem:$0x3FA9] =	sst s8  }
0x11: {  	[smem:$0x3FAA] =	sst s9;
	s0 =	simm.s32 @!p0 $0x0  }
0x12: {  	s1 =	sld [smem:$0x3F90];
	s0 =	simm.s32 @p0 $0x1  }
0x13: {  	[smem:$0x3FAB] =	sst s0;
	s0 =	simm.s32 @!p1 $0x0  }
0x14: {  	s2 =	sld [smem:$0x3F8F];
	s0 =	simm.s32 @p1 $0x1  }
0x15: {  	[smem:$0x3FAC] =	sst s0;
	s0 =	simm.s32 @!p2 $0x0  }
0x16: {  	s3 =	sld [smem:$0x3FDB];
	s0 =	simm.s32 @p2 $0x1  }
0x17: {  	s4 =	simm.s32 $0x1BF5;
	[smem:$0x3FAE] =	sst s0  }
0x18: {  	s0 =	sld [smem:$0x3F91];
	_ =	swait.ge [sflag:s4], $0x0  }
0x19: {  	s7 =	sld [smem:$0x3F92]  }
0x1a: {  	s8 =	sadd.s32 $0xFFFFE003, lr  }
0x1b: {  	s9 =	sadd.s32 $0xFFFFFEF7, lr;
	s5 =	simm.s32 $0xFFFFFFFF;
	p2 =	slt.u32 s8, $0xFFFFF086  }
0x1c: {  	p1 =	slt.u32 s9, $0xF7A;
	s5 =	simm.s32 @!p2 $0x0  }
0x1d: {  	s5 =	simm.s32 @p1 $0x1;
	p0 =	seq.s32 s7, s2  }
0x1e: {  	s7 =	smul.u32 @!p0 $0xF7A, s2;
	p2 =	seq.s32 @!p0 s5, $0x0  }
0x1f: {  	s9 =	smul.u32 $0xF7A, s1;
	s8 =	simm.s32 @!p0 $0x1BF5;
	p2 =	por !p2, p0  }
0x20: {  	[sflag:s8] =	ssyncset.s32 @!p0 $0xFFFFF086;
	s6 =	sadd.s32 @!p0 s3, s7;
	s7 =	simm.s32 @!p0 $0x108  }
0x21: {  	s3 =	sadd.s32 s3, s9;
	s6 =	sadd.s32 @!p0 $0x88, s6;
	s7 =	simm.s32 @p2 $0x1082  }
0x22: {  	[simem:s7], [sflag:s8] =	dma.local @!p0 [hbm:s6], $0xF7A  }
0x23: {  	s9 =	sor.u32 $0xD0000000, s2;
	s6 =	simm.s32 $0x108;
	_ =	swait.ge @!p0 [sflag:s8], $0x0  }
0x24: {  	s3 =	sadd.s32 $0x88, s3;
	s6 =	simm.s32 @!p1 $0x1082;
	[sflag:s4] =	ssyncset.s32 $0xFFFFF086  }
0x25: {  	[simem:s6], [sflag:s4] =	dma.local [hbm:s3], $0xF7A  }
0x26: {  	[smem:$0x3F92] =	sst s1;
	(tag) =	ssettag s2;
	_ =	strace s9  }
0x27: {  	s1 =	sld [smem:$0x3FA2]  }
0x28: {  	s2 =	sld [smem:$0x3FA3]  }
0x29: {  	s4 =	sld [smem:$0x3FA5]  }
0x2a: {  	p0 =	seq.s32 s5, $0x0;
	s5 =	sld [smem:$0x3FA6]  }
0x2b: {  	s6 =	sld [smem:$0x3FA7]  }
0x2c: {  	s7 =	sld [smem:$0x3FA8]  }
0x2d: {  	s3 =	simm.s32 $0x108;
	s8 =	sld [smem:$0x3FA9]  }
0x2e: {  	s3 =	simm.s32 @!p0 $0x1082;
	s9 =	sld [smem:$0x3FAA]  }
0x2f: {  	lr =	sadd.s32 s0, s3;
	s0 =	sld [smem:$0x3FA1]  }
0x30: {  	s3 =	sld [smem:$0x3FA4]  }
0x31: {  	[smem:$0x3FAD] =	sst s10  }
0x32: {  	s10 =	sld [smem:$0x3FAB];
	_ =	sdelay $0x3  }
0x33: {  	p0 =	seq.s32 s10, $0x1;
	s10 =	sld [smem:$0x3FAD];
	_ =	sdelay $0x3  }
0x34: {  	[smem:$0x3FAD] =	sst s10  }
0x35: {  	s10 =	sld [smem:$0x3FAC];
	_ =	sdelay $0x3  }
0x36: {  	p1 =	seq.s32 s10, $0x1;
	s10 =	sld [smem:$0x3FAD];
	_ =	sdelay $0x3  }
0x37: {  	[smem:$0x3FAD] =	sst s10  }
0x38: {  	s10 =	sld [smem:$0x3FAE]  }
0x39: {  	_ = 	snop;
	(pc) =	sbr.ind lr, $3  }
0x3a: {  	_ = 	snop  }
0x3b: {  	_ = 	snop  }
0x3c: {  	p2 =	seq.s32 s10, $0x1;
	s10 =	sld [smem:$0x3FAD]  }
0x3d: {  	_ =	shalt  }
0x3e: {  	_ =	shalt  }
0x3f: {  	_ =	shalt  }
0x40: {  	_ =	shalt  }
0x41: {  	_ =	shalt  }
0x42: {  	_ =	shalt  }
0x43: {  	_ =	shalt  }
0x44: {  	_ =	shalt  }
0x45: {  	_ =	shalt  }
0x46: {  	_ =	shalt  }
0x47: {  	_ =	shalt  }
0x48: {  	_ =	shalt  }
0x49: {  	_ =	shalt  }
0x4a: {  	_ =	shalt  }
0x4b: {  	_ =	shalt  }
0x4c: {  	_ =	shalt  }
0x4d: {  	_ =	shalt  }
0x4e: {  	_ =	shalt  }
0x4f: {  	_ =	shalt  }
0x50: {  	_ =	shalt  }
0x51: {  	_ =	shalt  }
0x52: {  	_ =	shalt  }
0x53: {  	_ =	shalt  }
0x54: {  	_ =	shalt  }
0x55: {  	_ =	shalt  }
0x56: {  	_ =	shalt  }
0x57: {  	_ =	shalt  }
0x58: {  	_ =	shalt  }
0x59: {  	_ =	shalt  }
0x5a: {  	_ =	shalt  }
0x5b: {  	_ =	shalt  }
0x5c: {  	_ =	shalt  }
0x5d: {  	_ =	shalt  }
0x5e: {  	_ =	shalt  }
0x5f: {  	_ =	shalt  }
0x60: {  	_ =	shalt  }
0x61: {  	_ =	shalt  }
0x62: {  	_ =	shalt  }
0x63: {  	_ =	shalt  }
0x64: {  	_ =	shalt  }
0x65: {  	_ =	shalt  }
0x66: {  	_ =	shalt  }
0x67: {  	_ =	shalt  }
0x68: {  	_ =	shalt  }
0x69: {  	_ =	shalt  }
0x6a: {  	_ =	shalt  }
0x6b: {  	_ =	shalt  }
0x6c: {  	_ =	shalt  }
0x6d: {  	_ =	shalt  }
0x6e: {  	_ =	shalt  }
0x6f: {  	_ =	shalt  }
0x70: {  	_ =	shalt  }
0x71: {  	_ =	shalt  }
0x72: {  	_ =	shalt  }
0x73: {  	_ =	shalt  }
0x74: {  	_ =	shalt  }
0x75: {  	_ =	shalt  }
0x76: {  	_ =	shalt  }
0x77: {  	_ =	shalt  }
0x78: {  	_ =	shalt  }
0x79: {  	_ =	shalt  }
0x7a: {  	_ =	shalt  }
0x7b: {  	_ =	shalt  }
0x7c: {  	_ =	shalt  }
0x7d: {  	_ =	shalt  }
0x7e: {  	_ =	shalt  }
0x7f: {  	_ =	shalt  }
0x80: {  	_ =	shalt  }
0x81: {  	_ =	shalt  }
0x82: {  	_ =	shalt  }
0x83: {  	_ =	shalt  }
0x84: {  	_ =	shalt  }
0x85: {  	_ =	shalt  }
0x86: {  	_ =	shalt  }
0x87: {  	_ =	shalt  }
.Lfunc_end0:
.L_simem_size_0:
called_computation.2_lowered:
.L_overlay_start_0:
0x88: {  	s2 =	sld [smem:$0x3FD9]  }
0x89: {  	s3 =	sld [smem:$0x3FFE];
	_ =	sdelay $0x1  }
0x8a: {  	s1 =	srdreg.scid  }
0x8b: {  	s0 =	sand.u32 $0x1, s1  }
0x8c: {  	s17 =	sshll.u32 s0, $0xA;
	s2 =	sadd.s32 s3, s2  }
0x8d: {  	s2 =	sadd.s32 s2, s17  }
0x8e: {  	[smem:$0x3FB9] =	sst s2  }
0x8f: {  	_ = 	snop  }
0x90: {  	(tm) =	ssettm $0x1  }
0x91: {  	s18 =	sld [smem:$0x3FFB];
	_ =	sdelay $0x3  }
0x92: {  	_ =	strace s18  }
0x93: {  	s2 =	sld [smem:$0x3FFC];
	_ =	sdelay $0x3  }
0x94: {  	_ =	strace s2  }
0x95: {  	s2 =	sld [smem:$0x3FFD];
	_ =	sdelay $0x3  }
0x96: {  	_ =	strace s2  }
0x97: {  	_ =	strace $0x8FFFFFFF  }
0x98: {  	s19 =	sld [smem:$0x3FDB];
	_ =	sdelay $0x1  }
0x99: {  	s20 =	simm.s32 $_scs_section_size  }
0x9a: {  	s4 =	simm.s32 $_size__tile_overlayer_lowered;
	s5 =	simm.s32 $_tile_overlayer_lowered  }
0x9b: {  	s6 =	simm.s32 $0x1BFF;
	s21 =	sshll.u32 s5, $0x1;
	s3 =	sadd.s32 s20, s19  }
0x9c: {  	s22 =	simm.s32 $0x0;
	s4 =	sshll.u32 s4, $0x1;
	s5 =	sadd.s32 s21, s3  }
0x9d: {  	[timem:s22], [sflag:s6] =	dma.local [hbm:s5], s4  }
0x9e: {  	_ =	swait.ge [sflag:s6], s4  }
0x9f: {  	s4 =	ssub.s32 $0x0, s4;
	[sflag:s6] =	ssyncset.done $0x0  }
0xa0: {  	[sflag:s6] =	ssyncadd.s32 s4;
	_ =	sdelay $0x1  }
0xa1: {  	s23 =	simm.s32 $0x1B8B  }
0xa2: {  	_ =	swait.ge [sflag:s23], $0x1  }
0xa3: {  	[sflag:s23] =	ssyncset.done $0x0  }
0xa4: {  	[sflag:s23] =	ssyncadd.s32 $0xFFFFFFFF  }
0xa5: {  	s4 =	sld [smem:$0x0]  }
0xa6: {  	s5 =	sand.u32 $0xFFFFFFFE, s1  }
0xa7: {  	p0 =	sne.s32 s1, s5  }
0xa8: {  	s5 =	sshll.u32 @p0 s5, $0xE  }
0xa9: {  	s5 =	sadd.s32 @p0 $0x11B8D, s5;
	s6 =	sshll.u32 @p0 s4, $0x11  }
0xaa: {  	s5 =	sor.u32 @p0 s6, s5  }
0xab: {  	[sflag:s5] =	ssyncadd.remote.s32 @p0 $0x1;
	_ =	sdelay $0x1  }
0xac: {  	s5 =	simm.s32 @p0 $0x1B8D  }
0xad: {  	_ =	swait.eq @p0 [sflag:s5], $0x1  }
0xae: {  	[sflag:s5] =	ssyncadd.s32 @p0 $0xFFFFFFFF  }
0xaf: {  	s6 =	sshll.u32 @!p0 s1, $0xE  }
0xb0: {  	s6 =	sor.u32 @!p0 $0x4000, s6;
	s5 =	simm.s32 @!p0 $0x1B8D  }
0xb1: {  	s4 =	sshll.u32 @!p0 s4, $0x11;
	s6 =	sadd.s32 @!p0 $0x11B8D, s6;
	_ =	swait.eq @!p0 [sflag:s5], $0x1  }
0xb2: {  	s4 =	sor.u32 @!p0 s4, s6;
	[sflag:s5] =	ssyncadd.s32 @!p0 $0xFFFFFFFF  }
0xb3: {  	s25 =	simm.s32 $0x1B8E;
	s24 =	sld [smem:$0x3FFE];
	[sflag:s4] =	ssyncadd.remote.s32 @!p0 $0x1  }
0xb4: {  	s26 =	simm.s32 $execute0_lowered;
	[smem:$0x3FD2] =	sst s25  }
0xb5: {  	s5 =	sshll.u32 s26, $0x1;
	_ =	strace $0x8000004C;
	[dreg:$0x1] =	wrdreg $0xFFFFFFFF  }
0xb6: {  	s28 =	simm.s32 $_size_execute0_lowered;
	s3 =	sadd.s32 s3, s5;
	[dreg:$0x0] =	wrdreg $0x0  }
0xb7: {  	s5 =	sshll.u32 s28, $0x1;
	[dreg:$0x2] =	wrdreg s3  }
0xb8: {  	[dreg:$0x3] =	wrdreg s5  }
0xb9: {  	[dreg:$0x4] =	wrdreg $0xC0  }
0xba: {  	_ =	task [dreg:s22], $0x5FFFF  }
0xbb: {  	[dreg:$0x1] =	wrdreg $0xFFFFFFFF  }
0xbc: {  	[dreg:$0x0] =	wrdreg $0x60  }
0xbd: {  	[dreg:$0x2] =	wrdreg s24  }
0xbe: {  	[dreg:$0x3] =	wrdreg $0x0  }
0xbf: {  	[dreg:$0x4] =	wrdreg $0xA  }
0xc0: {  	_ =	task.clear_ibuf [dreg:s22], $0x5FFFF;
	_ =	strace $0x9000004C  }
0xc1: {  	s29 =	simm.s32 $0xA;
	_ =	strace $0x8000004E  }
0xc2: {  	_ =	swait.ge [sflag:s29], $0x1  }
0xc3: {  	[sflag:s29] =	ssyncadd.s32 $0xFFFFFFFF  }
0xc4: {  	_ =	strace $0x9000004E  }
0xc5: {  	_ =	sfence  }
0xc6: {  	s30 =	sld [smem:$0x0];
	_ =	sdelay $0x2  }
0xc7: {  	s31 =	sshll.u32 s1, $0xD;
	s1 =	sshrl.u32 s1, $0x2  }
0xc8: {  	s4 =	sand.u32 $0x4000, s31;
	s1 =	sadd.s32 s1, s30  }
0xc9: {  	s0 =	sor.u32 s4, s0;
	s1 =	sshll.u32 s1, $0x11  }
0xca: {  	s0 =	sor.u32 s1, s0  }
0xcb: {  	s0 =	sadd.s32 $0x8F2B, s0  }
0xcc: {  	[sflag:s0] =	ssyncadd.remote.s32 $0x1  }
0xcd: {  	_ =	sfence.sel $0xFFFF  }
0xce: {  	[dreg:$0x0] =	wrdreg $0xFFFFFFFF;
	(pc) =	sbr.abs _section_cstart, $3  }
0xcf: {  	[dreg:$0x1] =	wrdreg $0xFFFFFFFF  }
0xd0: {  	_ =	task.clear_ibuf [dreg:s22], $0x2FFFF;
	_ =	strace $0x9FFFFFFF  }
0xd1: {  	(tm) =	ssettm $0x7FFFFFFF  }
tec
execute0_lowered:
.L_overlay_start_1:
0x0: {  	(tag) =	ssettag $0x1  }
0x1: {  	s0 =	rddreg [dreg:$0x0]  }
0x2: {  	s1 =	rddreg [dreg:$0x1];
	s2 =	simm.s32 $0x0;
	s3 =	srdreg.scid  }
0x3: {  	s17 =	stileid.u32;
	s29 =	simm.s32 $0x3;
	s30 =	simm.s32 $0x13A80  }
0x4: {  	s31 =	simm.s32 $0x13880;
	[smem:$0x7FF] =	sst s2;
	s4 =	sadd.s32 $0x1464000, s0  }
0x5: {  	s5 =	sadd.s32 $0xE200, s0;
	s7 =	sand.u32 $0x1, s3;
	s8 =	sadd.s32 $0xA2A400, s0  }
0x6: {  	s6 =	sshll.u32 s17, $0x1;
	s20 =	sadd.s32 $0xAA0000, s0;
	s18 =	sshll.u32 s17, $0xE  }
0x7: {  	s19 =	sshll.u32 s17, $0x6;
	s10 =	sor.u32 $0x10, s17;
	s11 =	sshll.u32 s17, $0xB  }
0x8: {  	s21 =	sor.u32 $0x20, s17;
	s13 =	sor.u32 $0x30, s17;
	s23 =	smul.u32 $0x4E20, s17  }
0x9: {  	s26 =	smul.u32 $0x4E200, s17;
	p1 =	sgt.u32 s17, $0xD;
	_ =	strace $0x8000004D  }
0xa: {  	s3 =	ssub.s32 $0x2, s7;
	s6 =	sor.u32 s7, s6;
	s12 =	sshll.u32 s10, $0xE  }
0xb: {  	s10 =	sshll.u32 s10, $0xB;
	s14 =	sshll.u32 s21, $0xE;
	s15 =	sshll.u32 s13, $0xE  }
0xc: {  	s25 =	smul.u32 $0x2710, s7;
	p0 =	seq.s32 s7, $0x1;
	[dreg:$0x3] =	wrdreg s20  }
0xd: {  	s9 =	sshrl.u32 s3, $0x1;
	s16 =	smul.u32 $0x2710, s6;
	s6 =	sadd.s32 s18, s1  }
0xe: {  	s12 =	sadd.s32 s12, s1;
	s14 =	sadd.s32 s14, s1;
	[dreg:$0x4] =	wrdreg s6  }
0xf: {  	s22 =	sadd.s32 s15, s1;
	s18 =	sshll.u32 s13, $0xB;
	[dreg:$0x5] =	wrdreg s12  }
0x10: {  	s3 =	ssub.s32 s3, s9;
	s6 =	sor.u32 $0x1C03, s19;
	[dreg:$0x6] =	wrdreg s14  }
0x11: {  	s12 =	sshll.u32 s21, $0xB;
	[dreg:$0x7] =	wrdreg s22;
	s19 =	sor.u32 $0x40, s17  }
0x12: {  	s15 =	sadd.s32 s25, s23;
	s9 =	sadd.s32 $0x26C0, s16;
	s16 =	smul.u32 $0x27100, s7  }
0x13: {  	s21 =	sshrl.u32 s15, $0x3;
	s22 =	sadd.s32 $0xF0, s15;
	s23 =	sadd.s32 $0xA0, s15  }
0x14: {  	s7 =	sadd.s32 s20, s11;
	s24 =	sshrl.u32 s9, $0x3;
	s9 =	sshll.u32 s9, $0x4  }
0x15: {  	s13 =	sadd.s32 s21, s5;
	s21 =	sadd.s32 s8, s10;
	[dreg:$0x12] =	wrdreg s7  }
0x16: {  	s25 =	sshrl.u32 s23, $0x3;
	s23 =	sadd.s32 s8, s18;
	[dreg:$0xc] =	wrdreg s21  }
0x17: {  	s14 =	sadd.s32 s5, s24;
	s9 =	sadd.s32 s4, s9;
	[dreg:$0xe] =	wrdreg s23  }
0x18: {  	s4 =	sadd.s32 s26, s4;
	s21 =	sadd.s32 s20, s18;
	[dreg:$0x8] =	wrdreg s14  }
0x19: {  	[dreg:$0x9] =	wrdreg s9;
	s24 =	sadd.s32 s16, s4;
	s4 =	sshrl.u32 s22, $0x3  }
0x1a: {  	s9 =	sadd.s32 $0x50, s15;
	s22 =	sadd.s32 s8, s12;
	[dreg:$0x18] =	wrdreg s21  }
0x1b: {  	s14 =	sadd.s32 s4, s5;
	s26 =	sshrl.u32 s9, $0x3;
	s9 =	sshll.u32 s19, $0xE  }
0x1c: {  	[dreg:$0xd] =	wrdreg s22;
	s16 =	sadd.s32 s26, s5;
	s4 =	sadd.s32 s9, s1  }
0x1d: {  	s26 =	sadd.s32 $0xAC7200, s0;
	s0 =	sadd.s32 $0xA51400, s0;
	[dreg:$0xa] =	wrdreg s4  }
0x1e: {  	p4 =	slt.u32 s17, $0xE;
	s9 =	sadd.s32 s20, s10;
	[dreg:$0x11] =	wrdreg s0  }
0x1f: {  	s28 =	sadd.s32 $0x138000, s1;
	p3 =	sne.s32 @!p1 s17, $0x0;
	[dreg:$0x14] =	wrdreg s9  }
0x20: {  	s4 =	sshll.u32 s19, $0xB;
	s19 =	sadd.s32 s8, s11;
	[dreg:$0x10] =	wrdreg s26  }
0x21: {  	p2 =	por p3, p1;
	s10 =	sadd.s32 s26, s10;
	[dreg:$0xb] =	wrdreg s19  }
0x22: {  	p3 =	por !p3, p1;
	s22 =	sadd.s32 s26, s18;
	[dreg:$0x15] =	wrdreg s10  }
0x23: {  	s15 =	sadd.s32 s25, s5;
	s25 =	sadd.s32 s8, s4;
	[dreg:$0x19] =	wrdreg s22  }
0x24: {  	s7 =	simm.s32 $0x16280;
	s8 =	sadd.s32 s26, s11;
	[dreg:$0xf] =	wrdreg s25  }
0x25: {  	s5 =	simm.s32 $0x50;
	s11 =	sadd.s32 s20, s12;
	[dreg:$0x13] =	wrdreg s8  }
0x26: {  	s0 =	simm.s32 $0x13900;
	s19 =	sadd.s32 s26, s12;
	[dreg:$0x16] =	wrdreg s11  }
.Ltmp0:
0x27: {  	s23 =	sadd.s32 s20, s4;
	[dreg:$0x17] =	wrdreg s19;
	(pc) =	sbr.rel .LBB2_1-.Ltmp0, $4  }
0x28: {  	s9 =	simm.s32 $0x1B280;
	s10 =	simm.s32 $0x0;
	[dreg:$0x1a] =	wrdreg s23  }
0x29: {  	s25 =	sadd.s32 s26, s4;
	s26 =	smax.u32 s3, $0x1;
	s3 =	simm.s32 $0x13980  }
0x2a: {  	s4 =	simm.s32 $0x1;
	s23 =	simm.s32 $0x2;
	[dreg:$0x1b] =	wrdreg s25  }
0x2b: {  	s8 =	simm.s32 $0x18A80;
	[dreg:$0x1c] =	wrdreg s26;
	s25 =	simm.s32 $0x13A00  }
.LBB2_5:
0x2c: {  	s11 =	sadd.s32 $0x27000, s11;
	s12 =	sshrl.u32 s28, $0x3  }
0x2d: {  	[hbm:s11], [sflag:s6] =	dma.local [spmem:s12], $0x100  }
0x2e: {  	_ =	swait.ge [sflag:s29], $0x100  }
0x2f: {  	[sflag:s29] =	ssyncset.done $0x0  }
0x30: {  	[sflag:s29] =	ssyncadd.s32 $0xFFFFFF00  }
.LBB2_6:
0x31: {  	s10 =	sadd.s32 $0x1, s10;
	s11 =	rddreg [dreg:$0x1c]  }
0x32: {  	p5 =	sne.s32 s10, s11  }
.Ltmp1:
0x33: {  	_ = 	snop;
	(pc) =	sbr.rel @!p5 .LBB2_7-.Ltmp1, $1  }
0x34: {  	_ =	sdelay $0x3  }
.LBB2_1:
0x35: {  	s11 =	rddreg [dreg:$0x4]  }
0x36: {  	s26 =	rddreg [dreg:$0xb];
	s20 =	sshrl.u32 s11, $0x3  }
0x37: {  	[spmem:s20], [sflag:s6] =	dma.local [hbm:s26], $0x800  }
0x38: {  	_ =	swait.ge [sflag:s29], $0x800  }
0x39: {  	[sflag:s29] =	ssyncset.done $0x0;
	s12 =	rddreg [dreg:$0x5]  }
0x3a: {  	s17 =	rddreg [dreg:$0xc];
	[sflag:s29] =	ssyncadd.s32 $0xFFFFF800;
	s19 =	sshrl.u32 s12, $0x3  }
0x3b: {  	[spmem:s19], [sflag:s6] =	dma.local [hbm:s17], $0x800  }
0x3c: {  	_ =	swait.ge [sflag:s29], $0x800  }
0x3d: {  	[sflag:s29] =	ssyncset.done $0x0;
	s18 =	rddreg [dreg:$0x6]  }
0x3e: {  	s21 =	rddreg [dreg:$0xd];
	[sflag:s29] =	ssyncadd.s32 $0xFFFFF800;
	s18 =	sshrl.u32 s18, $0x3  }
0x3f: {  	[spmem:s18], [sflag:s6] =	dma.local [hbm:s21], $0x800  }
0x40: {  	_ =	swait.ge [sflag:s29], $0x800  }
0x41: {  	[sflag:s29] =	ssyncset.done $0x0;
	s22 =	rddreg [dreg:$0x7]  }
0x42: {  	s12 =	rddreg [dreg:$0xe];
	[sflag:s29] =	ssyncadd.s32 $0xFFFFF800;
	s11 =	sshrl.u32 s22, $0x3  }
0x43: {  	[spmem:s11], [sflag:s6] =	dma.local [hbm:s12], $0x800  }
0x44: {  	_ =	swait.ge [sflag:s29], $0x800  }
0x45: {  	[sflag:s29] =	ssyncset.done $0x0;
	s12 =	rddreg [dreg:$0xa]  }
0x46: {  	[sflag:s29] =	ssyncadd.s32 $0xFFFFF800;
	s21 =	sshrl.u32 @!p1 s12, $0x3;
	s12 =	rddreg [dreg:$0xf]  }
0x47: {  	[spmem:s21], [sflag:s6] =	dma.local @!p1 [hbm:s12], $0x800  }
0x48: {  	s12 =	simm.s32 @!p1 $0x3  }
0x49: {  	_ =	swait.ge @!p1 [sflag:s12], $0x800  }
0x4a: {  	[sflag:s12] =	ssyncset.done @!p1 $0x0  }
0x4b: {  	s17 =	rddreg [dreg:$0x11];
	[sflag:s12] =	ssyncadd.s32 @!p1 $0xFFFFF800;
	s12 =	sshrl.u32 @!p2 s28, $0x3  }
0x4c: {  	[spmem:s12], [sflag:s6] =	dma.local @!p2 [hbm:s17], $0x100  }
0x4d: {  	s12 =	simm.s32 @!p2 $0x3  }
0x4e: {  	_ =	swait.ge @!p2 [sflag:s12], $0x100  }
0x4f: {  	[sflag:s12] =	ssyncset.done @!p2 $0x0  }
0x50: {  	[sflag:s12] =	ssyncadd.s32 @!p2 $0xFFFFFF00  }
0x51: {  	[bflag:$0x0] =	sbarrier.arrive $0xFFFF  }
0x52: {  	[tilespmem:s30], [sflag:$0x1] =	stream.linear.gather [hbm4b:s24+s2], $0xA000, $0x38;
	[tilespmem:$0x1DA80] =	vst v63  }
0x53: {  	s26 =	sadd.s32 $0x0, s13  }
0x54: {  	[tilespmem:s31], [sflag:$0x2] =	stream.linear.gather [hbm4b:s26+s2], $0x50, $0x38;
	[tilespmem:$0x1DA80] =	vst v63  }
0x55: {  	s17 =	sadd.s32 $0x0, s16  }
0x56: {  	[tilespmem:s0], [sflag:$0x2] =	stream.linear.gather [hbm4b:s17+s2], $0x50, $0x38;
	[tilespmem:$0x1DA80] =	vst v63  }
0x57: {  	s22 =	sadd.s32 $0x0, s15  }
0x58: {  	[tilespmem:s3], [sflag:$0x2] =	stream.linear.gather [hbm4b:s22+s2], $0x50, $0x38;
	[tilespmem:$0x1DA80] =	vst v63  }
0x59: {  	s26 =	sadd.s32 $0x0, s14  }
0x5a: {  	[tilespmem:s25], [sflag:$0x2] =	stream.linear.gather [hbm4b:s26+s2], $0x50, $0x38;
	[tilespmem:$0x1DA80] =	vst v63  }
0x5b: {  	_ =	swait.ge [sflag:s4], $0xA000  }
0x5c: {  	[sflag:s4] =	ssyncset.done $0x0  }
0x5d: {  	[sflag:s4] =	ssyncadd.s32 $0xFFFF6000  }
0x5e: {  	_ =	swait.ge [sflag:s23], $0x50  }
0x5f: {  	[sflag:s23] =	ssyncset.done $0x0  }
0x60: {  	[sflag:s23] =	ssyncadd.s32 $0xFFFFFFB0  }
0x61: {  	_ =	swait.ge [sflag:s23], $0x50  }
0x62: {  	[sflag:s23] =	ssyncset.done $0x0  }
0x63: {  	[sflag:s23] =	ssyncadd.s32 $0xFFFFFFB0  }
0x64: {  	_ =	swait.ge [sflag:s23], $0x50  }
0x65: {  	[sflag:s23] =	ssyncset.done $0x0  }
0x66: {  	[sflag:s23] =	ssyncadd.s32 $0xFFFFFFB0  }
0x67: {  	_ =	swait.ge [sflag:s23], $0x50  }
0x68: {  	[sflag:s23] =	ssyncset.done $0x0  }
0x69: {  	[sflag:s23] =	ssyncadd.s32 $0xFFFFFFB0  }
0x6a: {  	[spmem:s1] =	stream.indirect.scatter.add.f32 [tilespmem:s30], [sflag:$0x3], $0x80, s31, s5, $0xb8;
	[tilespmem:$0x1DA80] =	vst v63  }
0x6b: {  	_ =	swait.ge [sflag:s29], $0x2800  }
0x6c: {  	[sflag:s29] =	ssyncset.done $0x0  }
0x6d: {  	[sflag:s29] =	ssyncadd.s32 $0xFFFFD800  }
0x6e: {  	[spmem:s1] =	stream.indirect.scatter.add.f32 [tilespmem:s7], [sflag:$0x3], $0x80, s0, s5, $0xb8;
	[tilespmem:$0x1DA80] =	vst v63  }
0x6f: {  	_ =	swait.ge [sflag:s29], $0x2800  }
0x70: {  	[sflag:s29] =	ssyncset.done $0x0  }
0x71: {  	[sflag:s29] =	ssyncadd.s32 $0xFFFFD800  }
0x72: {  	[spmem:s1] =	stream.indirect.scatter.add.f32 [tilespmem:s8], [sflag:$0x3], $0x80, s3, s5, $0xb8;
	[tilespmem:$0x1DA80] =	vst v63  }
0x73: {  	_ =	swait.ge [sflag:s29], $0x2800  }
0x74: {  	p5 =	por @!p1 $0x0, $0x0;
	p6 =	por @!p2 $0x1, $0x1;
	[sflag:s29] =	ssyncset.done $0x0  }
0x75: {  	p6 =	por @!p3 p5, p5;
	p5 =	por $0x0, $0x0;
	[sflag:s29] =	ssyncadd.s32 $0xFFFFD800  }
0x76: {  	[spmem:s1] =	stream.indirect.scatter.add.f32 [tilespmem:s9], [sflag:$0x3], $0x80, s25, s5, $0xb8;
	[tilespmem:$0x1DA80] =	vst v63  }
0x77: {  	p5 =	por @!p1 p6, p6;
	_ =	swait.ge [sflag:s29], $0x2800  }
0x78: {  	s12 =	smov.u32 s24;
	s22 =	simm.s32 $0x28;
	[sflag:s29] =	ssyncset.done $0x0  }
.LBB2_2:
0x79: {  	p6 =	sne.s32 s22, $0x4B0;
	[sflag:s29] =	ssyncadd.s32 $0xFFFFD800;
	s12 =	sadd.s32 $0x1400, s12  }
0x7a: {  	[tilespmem:s30], [sflag:$0x1] =	stream.linear.gather [hbm4b:s12+s2], $0xA000, $0x38;
	[tilespmem:$0x1DA80] =	vst v63  }
0x7b: {  	s26 =	sadd.s32 s22, s13;
	s17 =	smov.u32 s22;
	s22 =	sadd.s32 $0x28, s22  }
0x7c: {  	[tilespmem:s31], [sflag:$0x2] =	stream.linear.gather [hbm4b:s26+s2], $0x50, $0x38;
	[tilespmem:$0x1DA80] =	vst v63  }
0x7d: {  	s26 =	sadd.s32 s17, s16  }
0x7e: {  	[tilespmem:s0], [sflag:$0x2] =	stream.linear.gather [hbm4b:s26+s2], $0x50, $0x38;
	[tilespmem:$0x1DA80] =	vst v63  }
0x7f: {  	s26 =	sadd.s32 s17, s15  }
0x80: {  	[tilespmem:s3], [sflag:$0x2] =	stream.linear.gather [hbm4b:s26+s2], $0x50, $0x38;
	[tilespmem:$0x1DA80] =	vst v63  }
0x81: {  	s17 =	sadd.s32 s17, s14  }
0x82: {  	[tilespmem:s25], [sflag:$0x2] =	stream.linear.gather [hbm4b:s17+s2], $0x50, $0x38;
	[tilespmem:$0x1DA80] =	vst v63  }
0x83: {  	_ =	swait.ge [sflag:s4], $0xA000  }
0x84: {  	[sflag:s4] =	ssyncset.done $0x0  }
0x85: {  	[sflag:s4] =	ssyncadd.s32 $0xFFFF6000  }
0x86: {  	_ =	swait.ge [sflag:s23], $0x50  }
0x87: {  	[sflag:s23] =	ssyncset.done $0x0  }
0x88: {  	[sflag:s23] =	ssyncadd.s32 $0xFFFFFFB0  }
0x89: {  	_ =	swait.ge [sflag:s23], $0x50  }
0x8a: {  	[sflag:s23] =	ssyncset.done $0x0  }
0x8b: {  	[sflag:s23] =	ssyncadd.s32 $0xFFFFFFB0  }
0x8c: {  	_ =	swait.ge [sflag:s23], $0x50  }
0x8d: {  	[sflag:s23] =	ssyncset.done $0x0  }
0x8e: {  	[sflag:s23] =	ssyncadd.s32 $0xFFFFFFB0  }
0x8f: {  	_ =	swait.ge [sflag:s23], $0x50  }
0x90: {  	[sflag:s23] =	ssyncset.done $0x0  }
0x91: {  	[sflag:s23] =	ssyncadd.s32 $0xFFFFFFB0  }
0x92: {  	[spmem:s1] =	stream.indirect.scatter.add.f32 [tilespmem:s30], [sflag:$0x3], $0x80, s31, s5, $0xb8;
	[tilespmem:$0x1DA80] =	vst v63  }
0x93: {  	_ =	swait.ge [sflag:s29], $0x2800  }
0x94: {  	[sflag:s29] =	ssyncset.done $0x0  }
0x95: {  	[sflag:s29] =	ssyncadd.s32 $0xFFFFD800  }
0x96: {  	[spmem:s1] =	stream.indirect.scatter.add.f32 [tilespmem:s7], [sflag:$0x3], $0x80, s0, s5, $0xb8;
	[tilespmem:$0x1DA80] =	vst v63  }
0x97: {  	_ =	swait.ge [sflag:s29], $0x2800  }
0x98: {  	[sflag:s29] =	ssyncset.done $0x0  }
0x99: {  	[sflag:s29] =	ssyncadd.s32 $0xFFFFD800  }
0x9a: {  	[spmem:s1] =	stream.indirect.scatter.add.f32 [tilespmem:s8], [sflag:$0x3], $0x80, s3, s5, $0xb8;
	[tilespmem:$0x1DA80] =	vst v63  }
0x9b: {  	_ =	swait.ge [sflag:s29], $0x2800  }
.Ltmp2:
0x9c: {  	[sflag:s29] =	ssyncset.done $0x0;
	(pc) =	sbr.rel @p6 .LBB2_2-.Ltmp2, $4  }
0x9d: {  	[sflag:s29] =	ssyncadd.s32 $0xFFFFD800  }
0x9e: {  	[spmem:s1] =	stream.indirect.scatter.add.f32 [tilespmem:s9], [sflag:$0x3], $0x80, s25, s5, $0xb8;
	[tilespmem:$0x1DA80] =	vst v63  }
0x9f: {  	_ =	swait.ge [sflag:s29], $0x2800  }
0xa0: {  	[sflag:s29] =	ssyncset.done $0x0  }
0xa1: {  	[sflag:s29] =	ssyncadd.s32 $0xFFFFD800;
	s12 =	rddreg [dreg:$0x8]  }
0xa2: {  	[tilespmem:s31], [sflag:$0x3] =	stream.linear.gather [hbm4b:s12+s2], $0x50, $0x38;
	[tilespmem:$0x1DA80] =	vst v63  }
0xa3: {  	_ =	swait.ge [sflag:s29], $0x50  }
0xa4: {  	[sflag:s29] =	ssyncset.done $0x0  }
0xa5: {  	s26 =	rddreg [dreg:$0x9];
	[sflag:s29] =	ssyncadd.s32 $0xFFFFFFB0  }
0xa6: {  	[tilespmem:s30], [sflag:$0x3] =	stream.linear.gather [hbm4b:s26+s2], $0x2800, $0x38;
	[tilespmem:$0x1DA80] =	vst v63  }
0xa7: {  	_ =	swait.ge [sflag:s29], $0x2800  }
0xa8: {  	[sflag:s29] =	ssyncset.done $0x0  }
0xa9: {  	[sflag:s29] =	ssyncadd.s32 $0xFFFFD800  }
0xaa: {  	[spmem:s1] =	stream.indirect.scatter.add.f32 [tilespmem:s30], [sflag:$0x3], $0x80, s31, s5, $0xb8;
	[tilespmem:$0x1DA80] =	vst v63  }
.Ltmp3:
0xab: {  	_ =	swait.ge [sflag:s29], $0x2800;
	(pc) =	sbr.rel @!p0 .LBB2_4-.Ltmp3, $3  }
0xac: {  	[sflag:s29] =	ssyncset.done $0x0  }
0xad: {  	[sflag:s29] =	ssyncadd.s32 $0xFFFFD800  }
0xae: {  	[bflag:$0x0] =	sbarrier.arrive $0xFFFF;
	_ =	sdelay $0x1  }
0xaf: {  	s12 =	rddreg [dreg:$0x13]  }
0xb0: {  	[hbm:s12], [sflag:s6] =	dma.local [spmem:s20], $0x800  }
0xb1: {  	_ =	swait.ge [sflag:s29], $0x800  }
0xb2: {  	[sflag:s29] =	ssyncset.done $0x0  }
0xb3: {  	s20 =	rddreg [dreg:$0x15];
	[sflag:s29] =	ssyncadd.s32 $0xFFFFF800  }
0xb4: {  	[hbm:s20], [sflag:s6] =	dma.local [spmem:s19], $0x800  }
0xb5: {  	_ =	swait.ge [sflag:s29], $0x800  }
0xb6: {  	[sflag:s29] =	ssyncset.done $0x0  }
0xb7: {  	s22 =	rddreg [dreg:$0x17];
	[sflag:s29] =	ssyncadd.s32 $0xFFFFF800  }
0xb8: {  	[hbm:s22], [sflag:s6] =	dma.local [spmem:s18], $0x800  }
0xb9: {  	_ =	swait.ge [sflag:s29], $0x800  }
0xba: {  	[sflag:s29] =	ssyncset.done $0x0  }
0xbb: {  	s26 =	rddreg [dreg:$0x19];
	[sflag:s29] =	ssyncadd.s32 $0xFFFFF800  }
0xbc: {  	[hbm:s26], [sflag:s6] =	dma.local [spmem:s11], $0x800  }
0xbd: {  	_ =	swait.ge [sflag:s29], $0x800  }
0xbe: {  	[sflag:s29] =	ssyncset.done $0x0  }
0xbf: {  	s11 =	rddreg [dreg:$0x1b];
	[sflag:s29] =	ssyncadd.s32 $0xFFFFF800  }
0xc0: {  	[hbm:s11], [sflag:s6] =	dma.local @!p1 [spmem:s21], $0x800  }
.Ltmp4:
0xc1: {  	_ = 	snop;
	(pc) =	sbr.rel @p5 .LBB2_5-.Ltmp4, $4  }
.Ltmp5:
0xc2: {  	s11 =	simm.s32 @!p1 $0x3;
	(pc) =	sbr.rel @!p5 .LBB2_6-.Ltmp5, $4  }
0xc3: {  	_ =	swait.ge @!p1 [sflag:s11], $0x800  }
0xc4: {  	[sflag:s11] =	ssyncset.done @!p1 $0x0  }
0xc5: {  	[sflag:s11] =	ssyncadd.s32 @!p1 $0xFFFFF800;
	s11 =	rddreg [dreg:$0x10]  }
0xc6: {  	_ = 	snop  }
.LBB2_4:
0xc7: {  	s12 =	rddreg [dreg:$0x12]  }
0xc8: {  	[hbm:s12], [sflag:s6] =	dma.local [spmem:s20], $0x800  }
0xc9: {  	_ =	swait.ge [sflag:s29], $0x800  }
0xca: {  	[sflag:s29] =	ssyncset.done $0x0  }
0xcb: {  	s21 =	rddreg [dreg:$0x14];
	[sflag:s29] =	ssyncadd.s32 $0xFFFFF800  }
0xcc: {  	[hbm:s21], [sflag:s6] =	dma.local [spmem:s19], $0x800  }
0xcd: {  	_ =	swait.ge [sflag:s29], $0x800  }
0xce: {  	[sflag:s29] =	ssyncset.done $0x0  }
0xcf: {  	s22 =	rddreg [dreg:$0x16];
	[sflag:s29] =	ssyncadd.s32 $0xFFFFF800  }
0xd0: {  	[hbm:s22], [sflag:s6] =	dma.local [spmem:s18], $0x800  }
0xd1: {  	_ =	swait.ge [sflag:s29], $0x800  }
0xd2: {  	[sflag:s29] =	ssyncset.done $0x0  }
0xd3: {  	s26 =	rddreg [dreg:$0x18];
	[sflag:s29] =	ssyncadd.s32 $0xFFFFF800  }
0xd4: {  	[hbm:s26], [sflag:s6] =	dma.local [spmem:s11], $0x800  }
0xd5: {  	_ =	swait.ge [sflag:s29], $0x800  }
0xd6: {  	[sflag:s29] =	ssyncset.done $0x0;
	s11 =	rddreg @p4 [dreg:$0xa]  }
0xd7: {  	s12 =	rddreg @p4 [dreg:$0x1a];
	[sflag:s29] =	ssyncadd.s32 $0xFFFFF800;
	s11 =	sshrl.u32 @p4 s11, $0x3  }
0xd8: {  	[hbm:s12], [sflag:s6] =	dma.local @p4 [spmem:s11], $0x800  }
.Ltmp6:
0xd9: {  	_ = 	snop;
	(pc) =	sbr.rel @!p5 .LBB2_6-.Ltmp6, $4  }
.Ltmp7:
0xda: {  	_ = 	snop;
	(pc) =	sbr.rel @p5 .LBB2_5-.Ltmp7, $4  }
0xdb: {  	_ =	swait.ge @p4 [sflag:s29], $0x800  }
0xdc: {  	[sflag:s29] =	ssyncset.done @p4 $0x0  }
0xdd: {  	s11 =	rddreg [dreg:$0x3];
	[sflag:s29] =	ssyncadd.s32 @p4 $0xFFFFF800  }
0xde: {  	_ = 	snop  }
.LBB2_7:
0xdf: {  	_ =	sfence.sel $0x180000  }
0xe0: {  	[bflag:$0x0] =	sbarrier.arrive $0xFFFF  }
0xe1: {  	_ =	strace $0x9000004D  }
0xe2: {  	s0 =	stileid.u32;
	[bflag:$0x2] =	sbarrier.arrive $0xFFFF  }
0xe3: {  	p0 =	sne.s32 s0, $0x0;
	s0 =	rddreg [dreg:$0x2]  }
0xe4: {  	s0 =	sadd.s32 @!p0 $0x100000, s0  }
0xe5: {  	[sflag:s0] =	ssyncadd.tile.s32 @!p0 $0x1;
	_ =	shalt  }
.Lfunc_end2:
_tile_overlayer_lowered:
.L_overlay_start_2:
0xe6: {  	(tag) =	ssettag $0x2  }
0xe7: {  	s0 =	rddreg [dreg:$0x0];
	s2 =	stileid.u32  }
0xe8: {  	s1 =	rddreg [dreg:$0x1];
	p0 =	sne.s32 s2, $0x0  }
0xe9: {  	s3 =	rddreg [dreg:$0x2];
	[bflag:$0x3] =	sbarrier.arrive $0xFFFF;
	s2 =	simm.s32 @!p0 $0x1C03  }
0xea: {  	[timem:s3], [sflag:s2] =	dma.local @!p0 [hbm:s0], s1  }
0xeb: {  	s0 =	simm.s32 @!p0 $0x3  }
0xec: {  	_ =	swait.ge @!p0 [sflag:s0], s1  }
0xed: {  	s1 =	ssub.s32 @!p0 $0x0, s1;
	[sflag:s0] =	ssyncset.done @!p0 $0x0  }
0xee: {  	[sflag:s0] =	ssyncadd.s32 @!p0 s1  }
0xef: {  	[bflag:$0x3] =	sbarrier.arrive $0xFFFF  }
0xf0: {  	_ =	shalt  }

// kernel: kernel.8.cloned.1.call-start
scs
__scs_entry_jumppad:
0x0: {  	(pc) =	sbr.rel $0x88, $3  }
0x1: {  	(tag) =	ssettag $0x0;
	lr =	simm.s32 $0x1  }
0x2: {  	[smem:$0x3F92] =	sst lr;
	_ =	strace $0xD0000000  }
0x3: {  	_ = 	snop  }
0x4: {  	_ = 	snop  }
0x5: {  	_ = 	snop  }
0x6: {  	_ = 	snop  }
0x7: {  	_ = 	snop  }
__scs_overlays_trampoline_lowered:
0x8: {  	[smem:$0x3FA1] =	sst s0  }
0x9: {  	[smem:$0x3FA2] =	sst s1  }
0xa: {  	[smem:$0x3FA3] =	sst s2  }
0xb: {  	[smem:$0x3FA4] =	sst s3  }
0xc: {  	[smem:$0x3FA5] =	sst s4  }
0xd: {  	[smem:$0x3FA6] =	sst s5  }
0xe: {  	[smem:$0x3FA7] =	sst s6  }
0xf: {  	[smem:$0x3FA8] =	sst s7  }
0x10: {  	[smem:$0x3FA9] =	sst s8  }
0x11: {  	[smem:$0x3FAA] =	sst s9;
	s0 =	simm.s32 @!p0 $0x0  }
0x12: {  	s1 =	sld [smem:$0x3F90];
	s0 =	simm.s32 @p0 $0x1  }
0x13: {  	[smem:$0x3FAB] =	sst s0;
	s0 =	simm.s32 @!p1 $0x0  }
0x14: {  	s2 =	sld [smem:$0x3F8F];
	s0 =	simm.s32 @p1 $0x1  }
0x15: {  	[smem:$0x3FAC] =	sst s0;
	s0 =	simm.s32 @!p2 $0x0  }
0x16: {  	s3 =	sld [smem:$0x3FDB];
	s0 =	simm.s32 @p2 $0x1  }
0x17: {  	s4 =	simm.s32 $0x1BF5;
	[smem:$0x3FAE] =	sst s0  }
0x18: {  	s0 =	sld [smem:$0x3F91];
	_ =	swait.ge [sflag:s4], $0x0  }
0x19: {  	s7 =	sld [smem:$0x3F92]  }
0x1a: {  	s8 =	sadd.s32 $0xFFFFE003, lr  }
0x1b: {  	s9 =	sadd.s32 $0xFFFFFEF7, lr;
	s5 =	simm.s32 $0xFFFFFFFF;
	p2 =	slt.u32 s8, $0xFFFFF086  }
0x1c: {  	p1 =	slt.u32 s9, $0xF7A;
	s5 =	simm.s32 @!p2 $0x0  }
0x1d: {  	s5 =	simm.s32 @p1 $0x1;
	p0 =	seq.s32 s7, s2  }
0x1e: {  	s7 =	smul.u32 @!p0 $0xF7A, s2;
	p2 =	seq.s32 @!p0 s5, $0x0  }
0x1f: {  	s9 =	smul.u32 $0xF7A, s1;
	s8 =	simm.s32 @!p0 $0x1BF5;
	p2 =	por !p2, p0  }
0x20: {  	[sflag:s8] =	ssyncset.s32 @!p0 $0xFFFFF086;
	s6 =	sadd.s32 @!p0 s3, s7;
	s7 =	simm.s32 @!p0 $0x108  }
0x21: {  	s3 =	sadd.s32 s3, s9;
	s6 =	sadd.s32 @!p0 $0x88, s6;
	s7 =	simm.s32 @p2 $0x1082  }
0x22: {  	[simem:s7], [sflag:s8] =	dma.local @!p0 [hbm:s6], $0xF7A  }
0x23: {  	s9 =	sor.u32 $0xD0000000, s2;
	s6 =	simm.s32 $0x108;
	_ =	swait.ge @!p0 [sflag:s8], $0x0  }
0x24: {  	s3 =	sadd.s32 $0x88, s3;
	s6 =	simm.s32 @!p1 $0x1082;
	[sflag:s4] =	ssyncset.s32 $0xFFFFF086  }
0x25: {  	[simem:s6], [sflag:s4] =	dma.local [hbm:s3], $0xF7A  }
0x26: {  	[smem:$0x3F92] =	sst s1;
	(tag) =	ssettag s2;
	_ =	strace s9  }
0x27: {  	s1 =	sld [smem:$0x3FA2]  }
0x28: {  	s2 =	sld [smem:$0x3FA3]  }
0x29: {  	s4 =	sld [smem:$0x3FA5]  }
0x2a: {  	p0 =	seq.s32 s5, $0x0;
	s5 =	sld [smem:$0x3FA6]  }
0x2b: {  	s6 =	sld [smem:$0x3FA7]  }
0x2c: {  	s7 =	sld [smem:$0x3FA8]  }
0x2d: {  	s3 =	simm.s32 $0x108;
	s8 =	sld [smem:$0x3FA9]  }
0x2e: {  	s3 =	simm.s32 @!p0 $0x1082;
	s9 =	sld [smem:$0x3FAA]  }
0x2f: {  	lr =	sadd.s32 s0, s3;
	s0 =	sld [smem:$0x3FA1]  }
0x30: {  	s3 =	sld [smem:$0x3FA4]  }
0x31: {  	[smem:$0x3FAD] =	sst s10  }
0x32: {  	s10 =	sld [smem:$0x3FAB];
	_ =	sdelay $0x3  }
0x33: {  	p0 =	seq.s32 s10, $0x1;
	s10 =	sld [smem:$0x3FAD];
	_ =	sdelay $0x3  }
0x34: {  	[smem:$0x3FAD] =	sst s10  }
0x35: {  	s10 =	sld [smem:$0x3FAC];
	_ =	sdelay $0x3  }
0x36: {  	p1 =	seq.s32 s10, $0x1;
	s10 =	sld [smem:$0x3FAD];
	_ =	sdelay $0x3  }
0x37: {  	[smem:$0x3FAD] =	sst s10  }
0x38: {  	s10 =	sld [smem:$0x3FAE]  }
0x39: {  	_ = 	snop;
	(pc) =	sbr.ind lr, $3  }
0x3a: {  	_ = 	snop  }
0x3b: {  	_ = 	snop  }
0x3c: {  	p2 =	seq.s32 s10, $0x1;
	s10 =	sld [smem:$0x3FAD]  }
0x3d: {  	_ =	shalt  }
0x3e: {  	_ =	shalt  }
0x3f: {  	_ =	shalt  }
0x40: {  	_ =	shalt  }
0x41: {  	_ =	shalt  }
0x42: {  	_ =	shalt  }
0x43: {  	_ =	shalt  }
0x44: {  	_ =	shalt  }
0x45: {  	_ =	shalt  }
0x46: {  	_ =	shalt  }
0x47: {  	_ =	shalt  }
0x48: {  	_ =	shalt  }
0x49: {  	_ =	shalt  }
0x4a: {  	_ =	shalt  }
0x4b: {  	_ =	shalt  }
0x4c: {  	_ =	shalt  }
0x4d: {  	_ =	shalt  }
0x4e: {  	_ =	shalt  }
0x4f: {  	_ =	shalt  }
0x50: {  	_ =	shalt  }
0x51: {  	_ =	shalt  }
0x52: {  	_ =	shalt  }
0x53: {  	_ =	shalt  }
0x54: {  	_ =	shalt  }
0x55: {  	_ =	shalt  }
0x56: {  	_ =	shalt  }
0x57: {  	_ =	shalt  }
0x58: {  	_ =	shalt  }
0x59: {  	_ =	shalt  }
0x5a: {  	_ =	shalt  }
0x5b: {  	_ =	shalt  }
0x5c: {  	_ =	shalt  }
0x5d: {  	_ =	shalt  }
0x5e: {  	_ =	shalt  }
0x5f: {  	_ =	shalt  }
0x60: {  	_ =	shalt  }
0x61: {  	_ =	shalt  }
0x62: {  	_ =	shalt  }
0x63: {  	_ =	shalt  }
0x64: {  	_ =	shalt  }
0x65: {  	_ =	shalt  }
0x66: {  	_ =	shalt  }
0x67: {  	_ =	shalt  }
0x68: {  	_ =	shalt  }
0x69: {  	_ =	shalt  }
0x6a: {  	_ =	shalt  }
0x6b: {  	_ =	shalt  }
0x6c: {  	_ =	shalt  }
0x6d: {  	_ =	shalt  }
0x6e: {  	_ =	shalt  }
0x6f: {  	_ =	shalt  }
0x70: {  	_ =	shalt  }
0x71: {  	_ =	shalt  }
0x72: {  	_ =	shalt  }
0x73: {  	_ =	shalt  }
0x74: {  	_ =	shalt  }
0x75: {  	_ =	shalt  }
0x76: {  	_ =	shalt  }
0x77: {  	_ =	shalt  }
0x78: {  	_ =	shalt  }
0x79: {  	_ =	shalt  }
0x7a: {  	_ =	shalt  }
0x7b: {  	_ =	shalt  }
0x7c: {  	_ =	shalt  }
0x7d: {  	_ =	shalt  }
0x7e: {  	_ =	shalt  }
0x7f: {  	_ =	shalt  }
0x80: {  	_ =	shalt  }
0x81: {  	_ =	shalt  }
0x82: {  	_ =	shalt  }
0x83: {  	_ =	shalt  }
0x84: {  	_ =	shalt  }
0x85: {  	_ =	shalt  }
0x86: {  	_ =	shalt  }
0x87: {  	_ =	shalt  }
.Lfunc_end0:
.L_simem_size_0:
called_computation_lowered:
.L_overlay_start_0:
0x88: {  	s2 =	sld [smem:$0x3FD9]  }
0x89: {  	s3 =	sld [smem:$0x3FFE];
	_ =	sdelay $0x1  }
0x8a: {  	s1 =	srdreg.scid  }
0x8b: {  	s0 =	sand.u32 $0x1, s1  }
0x8c: {  	s16 =	sshll.u32 s0, $0xA;
	s2 =	sadd.s32 s3, s2  }
0x8d: {  	s2 =	sadd.s32 s2, s16  }
0x8e: {  	[smem:$0x3FB9] =	sst s2  }
0x8f: {  	_ = 	snop  }
0x90: {  	(tm) =	ssettm $0x1  }
0x91: {  	s17 =	sld [smem:$0x3FFB];
	_ =	sdelay $0x3  }
0x92: {  	_ =	strace s17  }
0x93: {  	s2 =	sld [smem:$0x3FFC];
	_ =	sdelay $0x3  }
0x94: {  	_ =	strace s2  }
0x95: {  	s2 =	sld [smem:$0x3FFD];
	_ =	sdelay $0x3  }
0x96: {  	_ =	strace s2  }
0x97: {  	_ =	strace $0x8FFFFFFF  }
0x98: {  	s18 =	sld [smem:$0x3FDB];
	_ =	sdelay $0x1  }
0x99: {  	s19 =	simm.s32 $_scs_section_size  }
0x9a: {  	s4 =	simm.s32 $_size__tile_overlayer_lowered;
	s5 =	simm.s32 $_tile_overlayer_lowered  }
0x9b: {  	s22 =	simm.s32 $0x1BFF;
	s21 =	sshll.u32 s5, $0x1;
	s2 =	sadd.s32 s19, s18  }
0x9c: {  	s6 =	simm.s32 $0x0;
	s20 =	sshll.u32 s4, $0x1;
	s4 =	sadd.s32 s21, s2  }
0x9d: {  	[timem:s6], [sflag:s22] =	dma.local [hbm:s4], s20  }
0x9e: {  	_ =	swait.ge [sflag:s22], s20  }
0x9f: {  	s3 =	ssub.s32 $0x0, s20;
	[sflag:s22] =	ssyncset.done $0x0  }
0xa0: {  	[sflag:s22] =	ssyncadd.s32 s3;
	_ =	sdelay $0x1  }
0xa1: {  	s23 =	simm.s32 $0x1B8B  }
0xa2: {  	_ =	swait.ge [sflag:s23], $0x1  }
0xa3: {  	[sflag:s23] =	ssyncset.done $0x0  }
0xa4: {  	s25 =	simm.s32 $0x1B8E;
	s24 =	sld [smem:$0x3FFE];
	[sflag:s23] =	ssyncadd.s32 $0xFFFFFFFF  }
0xa5: {  	s26 =	simm.s32 $execute0_lowered;
	[smem:$0x3FD2] =	sst s25  }
0xa6: {  	s4 =	sshll.u32 s26, $0x1;
	_ =	strace $0x80000046;
	[dreg:$0x1] =	wrdreg $0xFFFFFFFF  }
0xa7: {  	s28 =	simm.s32 $_size_execute0_lowered;
	s2 =	sadd.s32 s2, s4;
	[dreg:$0x0] =	wrdreg $0x0  }
0xa8: {  	s4 =	sshll.u32 s28, $0x1;
	[dreg:$0x2] =	wrdreg s2  }
0xa9: {  	[dreg:$0x3] =	wrdreg s4  }
0xaa: {  	[dreg:$0x4] =	wrdreg $0xC0  }
0xab: {  	_ =	task [dreg:s6], $0x5FFFF  }
0xac: {  	[dreg:$0x1] =	wrdreg $0xFFFFFFFF  }
0xad: {  	[dreg:$0x0] =	wrdreg $0x60  }
0xae: {  	[dreg:$0x2] =	wrdreg s24  }
0xaf: {  	[dreg:$0x3] =	wrdreg $0xA  }
0xb0: {  	_ =	task.clear_ibuf [dreg:s6], $0x4FFFF;
	_ =	strace $0x90000046  }
0xb1: {  	s29 =	simm.s32 $0xA;
	_ =	strace $0x80000048  }
0xb2: {  	_ =	swait.ge [sflag:s29], $0x1  }
0xb3: {  	[sflag:s29] =	ssyncadd.s32 $0xFFFFFFFF  }
0xb4: {  	_ =	strace $0x90000048  }
0xb5: {  	_ =	sfence  }
0xb6: {  	s30 =	sld [smem:$0x0];
	_ =	sdelay $0x2  }
0xb7: {  	s31 =	sshll.u32 s1, $0xD;
	s1 =	sshrl.u32 s1, $0x2  }
0xb8: {  	s3 =	sand.u32 $0x4000, s31;
	s1 =	sadd.s32 s1, s30  }
0xb9: {  	s0 =	sor.u32 s3, s0;
	s1 =	sshll.u32 s1, $0x11  }
0xba: {  	s0 =	sor.u32 s1, s0  }
0xbb: {  	s0 =	sadd.s32 $0x8F2B, s0  }
0xbc: {  	[sflag:s0] =	ssyncadd.remote.s32 $0x1  }
0xbd: {  	_ =	sfence.sel $0xFFFF  }
0xbe: {  	[dreg:$0x0] =	wrdreg $0xFFFFFFFF;
	(pc) =	sbr.abs _section_cstart, $3  }
0xbf: {  	[dreg:$0x1] =	wrdreg $0xFFFFFFFF  }
0xc0: {  	_ =	task.clear_ibuf [dreg:s6], $0x2FFFF;
	_ =	strace $0x9FFFFFFF  }
0xc1: {  	(tm) =	ssettm $0x7FFFFFFF  }
tec
execute0_lowered:
.L_overlay_start_1:
0x0: {  	(tag) =	ssettag $0x1  }
0x1: {  	s5 =	rddreg [dreg:$0x0]  }
0x2: {  	s3 =	srdreg.scid;
	s1 =	stileid.u32;
	s2 =	simm.s32 $0x0  }
0x3: {  	s11 =	simm.s32 $0x2780;
	s12 =	simm.s32 $0x50;
	s13 =	simm.s32 $0x4F00  }
0x4: {  	s15 =	simm.s32 $0x7700;
	s14 =	simm.s32 $0x11700;
	s16 =	simm.s32 $0x9F00  }
0x5: {  	s17 =	simm.s32 $0x16700;
	s18 =	simm.s32 $0xC700;
	s19 =	simm.s32 $0x18F00  }
0x6: {  	s20 =	simm.s32 $0xEF00;
	s21 =	simm.s32 $0x1B700;
	s22 =	simm.s32 $0x1  }
0x7: {  	s23 =	simm.s32 $0x2;
	s24 =	simm.s32 $0x0;
	s6 =	sand.u32 $0x1, s3  }
0x8: {  	s30 =	sshll.u32 s1, $0x1;
	[smem:$0x7FF] =	sst s2;
	s8 =	smul.u32 $0x4E200, s1  }
0x9: {  	s3 =	sor.u32 s6, s30;
	s9 =	ssub.s32 $0x2, s6;
	s6 =	smul.u32 $0x27100, s6  }
0xa: {  	s4 =	sadd.s32 $0x3F200, s5;
	_ =	strace $0x80000047;
	s7 =	smul.u32 $0x2710, s3  }
0xb: {  	[dreg:$0x2] =	wrdreg s15;
	s15 =	simm.s32 $0x13F00;
	s3 =	sadd.s32 $0x18000, s5  }
0xc: {  	s8 =	sadd.s32 s8, s5;
	s31 =	sshrl.u32 s9, $0x1;
	s7 =	sshrl.u32 s7, $0x3  }
0xd: {  	s9 =	ssub.s32 s9, s31;
	s10 =	sadd.s32 s6, s8;
	s7 =	sadd.s32 s7, s5  }
0xe: {  	s8 =	sadd.s32 $0x66400, s10;
	s5 =	sadd.s32 $0xE200, s7;
	s6 =	sadd.s32 $0x4400, s7  }
0xf: {  	s7 =	smax.u32 s9, $0x1;
	s9 =	sadd.s32 $0x548400, s10;
	s10 =	simm.s32 $0x3  }
.LBB2_1:
0x10: {  	[tilespmem:s2], [sflag:$0x3] =	stream.linear.gather [hbm4b:s5+s2], $0x2710, $0x38;
	[tilespmem:$0x1DF00] =	vst v63  }
0x11: {  	_ =	swait.ge [sflag:s10], $0x2710  }
0x12: {  	[sflag:s10] =	ssyncset.done $0x0  }
0x13: {  	[sflag:s10] =	ssyncadd.s32 $0xFFFFD8F0  }
0x14: {  	[tilespmem:s11], [sflag:$0x3] =	stream.linear.gather [hbm4b:s6+s2], $0x2710, $0x38;
	[tilespmem:$0x1DF00] =	vst v63  }
0x15: {  	_ =	swait.ge [sflag:s10], $0x2710  }
0x16: {  	[sflag:s10] =	ssyncset.done $0x0  }
0x17: {  	s25 =	simm.s32 $0x0;
	[sflag:s10] =	ssyncadd.s32 $0xFFFFD8F0  }
0x18: {  	[tilespmem:s13], [sflag:$0x1] =	stream.indirect.gather [hbm4b:s3+s12], $0x80, s25, s12, $0xb8;
	[tilespmem:$0x1DF00] =	vst v63  }
0x19: {  	s31 =	simm.s32 $0x2780  }
0x1a: {  	[tilespmem:s14], [sflag:$0x2] =	stream.indirect.gather [hbm4b:s4+s12], $0x80, s31, s12, $0xb8;
	[tilespmem:$0x1DF00] =	vst v63  }
0x1b: {  	s0 =	simm.s32 $0x50;
	s26 =	rddreg [dreg:$0x2]  }
0x1c: {  	[tilespmem:s26], [sflag:$0x1] =	stream.indirect.gather [hbm4b:s3+s12], $0x80, s0, s12, $0xb8;
	[tilespmem:$0x1DF00] =	vst v63  }
0x1d: {  	s26 =	simm.s32 $0x27D0  }
0x1e: {  	[tilespmem:s15], [sflag:$0x2] =	stream.indirect.gather [hbm4b:s4+s12], $0x80, s26, s12, $0xb8;
	[tilespmem:$0x1DF00] =	vst v63  }
0x1f: {  	s29 =	simm.s32 $0xA0  }
0x20: {  	[tilespmem:s16], [sflag:$0x1] =	stream.indirect.gather [hbm4b:s3+s12], $0x80, s29, s12, $0xb8;
	[tilespmem:$0x1DF00] =	vst v63  }
0x21: {  	s31 =	simm.s32 $0x2820  }
0x22: {  	[tilespmem:s17], [sflag:$0x2] =	stream.indirect.gather [hbm4b:s4+s12], $0x80, s31, s12, $0xb8;
	[tilespmem:$0x1DF00] =	vst v63  }
0x23: {  	s0 =	simm.s32 $0xF0  }
0x24: {  	[tilespmem:s18], [sflag:$0x1] =	stream.indirect.gather [hbm4b:s3+s12], $0x80, s0, s12, $0xb8;
	[tilespmem:$0x1DF00] =	vst v63  }
0x25: {  	s26 =	simm.s32 $0x2870  }
0x26: {  	[tilespmem:s19], [sflag:$0x2] =	stream.indirect.gather [hbm4b:s4+s12], $0x80, s26, s12, $0xb8;
	[tilespmem:$0x1DF00] =	vst v63  }
0x27: {  	s29 =	simm.s32 $0x140  }
0x28: {  	[tilespmem:s20], [sflag:$0x1] =	stream.indirect.gather [hbm4b:s3+s12], $0x80, s29, s12, $0xb8;
	[tilespmem:$0x1DF00] =	vst v63  }
0x29: {  	s31 =	simm.s32 $0x28C0  }
0x2a: {  	[tilespmem:s21], [sflag:$0x2] =	stream.indirect.gather [hbm4b:s4+s12], $0x80, s31, s12, $0xb8;
	[tilespmem:$0x1DF00] =	vst v63  }
0x2b: {  	_ =	swait.ge [sflag:s22], $0x2800  }
0x2c: {  	[sflag:s22] =	ssyncset.done $0x0  }
0x2d: {  	[sflag:s22] =	ssyncadd.s32 $0xFFFFD800  }
0x2e: {  	_ =	swait.ge [sflag:s23], $0x2800  }
0x2f: {  	[sflag:s23] =	ssyncset.done $0x0  }
0x30: {  	[sflag:s23] =	ssyncadd.s32 $0xFFFFD800  }
0x31: {  	_ =	swait.ge [sflag:s22], $0x2800  }
0x32: {  	[sflag:s22] =	ssyncset.done $0x0  }
0x33: {  	[sflag:s22] =	ssyncadd.s32 $0xFFFFD800  }
0x34: {  	_ =	swait.ge [sflag:s23], $0x2800  }
0x35: {  	[sflag:s23] =	ssyncset.done $0x0  }
0x36: {  	[sflag:s23] =	ssyncadd.s32 $0xFFFFD800  }
0x37: {  	_ =	swait.ge [sflag:s22], $0x2800  }
0x38: {  	[sflag:s22] =	ssyncset.done $0x0  }
0x39: {  	[sflag:s22] =	ssyncadd.s32 $0xFFFFD800  }
0x3a: {  	_ =	swait.ge [sflag:s23], $0x2800  }
0x3b: {  	[sflag:s23] =	ssyncset.done $0x0  }
0x3c: {  	[sflag:s23] =	ssyncadd.s32 $0xFFFFD800  }
0x3d: {  	_ =	swait.ge [sflag:s22], $0x2800  }
0x3e: {  	[sflag:s22] =	ssyncset.done $0x0  }
0x3f: {  	[sflag:s22] =	ssyncadd.s32 $0xFFFFD800  }
0x40: {  	_ =	swait.ge [sflag:s23], $0x2800  }
0x41: {  	[sflag:s23] =	ssyncset.done $0x0  }
0x42: {  	[sflag:s23] =	ssyncadd.s32 $0xFFFFD800  }
0x43: {  	_ =	swait.ge [sflag:s22], $0x2800  }
0x44: {  	[sflag:s22] =	ssyncset.done $0x0  }
0x45: {  	[sflag:s22] =	ssyncadd.s32 $0xFFFFD800  }
0x46: {  	_ =	swait.ge [sflag:s23], $0x2800  }
0x47: {  	[sflag:s23] =	ssyncset.done $0x0  }
0x48: {  	[sflag:s23] =	ssyncadd.s32 $0xFFFFD800  }
0x49: {  	[hbm4b:s8+s2] =	stream.linear.scatter [tilespmem:s13], [sflag:$0x3], $0xC800, $0x38;
	[tilespmem:$0x1DF00] =	vst v63  }
0x4a: {  	_ =	swait.ge [sflag:s10], $0xC800  }
0x4b: {  	[sflag:s10] =	ssyncset.done $0x0  }
0x4c: {  	[sflag:s10] =	ssyncadd.s32 $0xFFFF3800  }
0x4d: {  	[hbm4b:s9+s2] =	stream.linear.scatter [tilespmem:s14], [sflag:$0x3], $0xC800, $0x38;
	[tilespmem:$0x1DF00] =	vst v63  }
0x4e: {  	s28 =	simm.s32 $0x640;
	s30 =	simm.s32 $0xC80;
	_ =	swait.ge [sflag:s10], $0xC800  }
0x4f: {  	s25 =	sadd.s32 $0x1900, s9;
	s26 =	sadd.s32 $0x1900, s8;
	[sflag:s10] =	ssyncset.done $0x0  }
.LBB2_2:
0x50: {  	s31 =	sshra.s32 s28, $0x2;
	[sflag:s10] =	ssyncadd.s32 $0xFFFF3800;
	s28 =	smov.u32 s30  }
0x51: {  	[tilespmem:s13], [sflag:$0x1] =	stream.indirect.gather [hbm4b:s3+s12], $0x80, s31, s12, $0xb8;
	[tilespmem:$0x1DF00] =	vst v63  }
0x52: {  	s29 =	sadd.s32 $0x640, s30;
	p0 =	sne.s32 s30, $0x9600;
	s30 =	sadd.s32 $0x2780, s31  }
0x53: {  	[tilespmem:s14], [sflag:$0x2] =	stream.indirect.gather [hbm4b:s4+s12], $0x80, s30, s12, $0xb8;
	[tilespmem:$0x1DF00] =	vst v63  }
0x54: {  	s0 =	rddreg [dreg:$0x2];
	s30 =	sadd.s32 $0x50, s31  }
0x55: {  	[tilespmem:s0], [sflag:$0x1] =	stream.indirect.gather [hbm4b:s3+s12], $0x80, s30, s12, $0xb8;
	[tilespmem:$0x1DF00] =	vst v63  }
0x56: {  	s0 =	sadd.s32 $0x27D0, s31  }
0x57: {  	[tilespmem:s15], [sflag:$0x2] =	stream.indirect.gather [hbm4b:s4+s12], $0x80, s0, s12, $0xb8;
	[tilespmem:$0x1DF00] =	vst v63  }
0x58: {  	s0 =	sadd.s32 $0xA0, s31  }
0x59: {  	[tilespmem:s16], [sflag:$0x1] =	stream.indirect.gather [hbm4b:s3+s12], $0x80, s0, s12, $0xb8;
	[tilespmem:$0x1DF00] =	vst v63  }
0x5a: {  	s0 =	sadd.s32 $0x2820, s31  }
0x5b: {  	[tilespmem:s17], [sflag:$0x2] =	stream.indirect.gather [hbm4b:s4+s12], $0x80, s0, s12, $0xb8;
	[tilespmem:$0x1DF00] =	vst v63  }
0x5c: {  	s0 =	sadd.s32 $0xF0, s31  }
0x5d: {  	[tilespmem:s18], [sflag:$0x1] =	stream.indirect.gather [hbm4b:s3+s12], $0x80, s0, s12, $0xb8;
	[tilespmem:$0x1DF00] =	vst v63  }
0x5e: {  	s0 =	sadd.s32 $0x2870, s31  }
0x5f: {  	[tilespmem:s19], [sflag:$0x2] =	stream.indirect.gather [hbm4b:s4+s12], $0x80, s0, s12, $0xb8;
	[tilespmem:$0x1DF00] =	vst v63  }
0x60: {  	s0 =	sadd.s32 $0x140, s31  }
0x61: {  	[tilespmem:s20], [sflag:$0x1] =	stream.indirect.gather [hbm4b:s3+s12], $0x80, s0, s12, $0xb8;
	[tilespmem:$0x1DF00] =	vst v63  }
0x62: {  	s31 =	sadd.s32 $0x28C0, s31  }
0x63: {  	[tilespmem:s21], [sflag:$0x2] =	stream.indirect.gather [hbm4b:s4+s12], $0x80, s31, s12, $0xb8;
	[tilespmem:$0x1DF00] =	vst v63  }
0x64: {  	_ =	swait.ge [sflag:s22], $0x2800  }
0x65: {  	[sflag:s22] =	ssyncset.done $0x0  }
0x66: {  	[sflag:s22] =	ssyncadd.s32 $0xFFFFD800  }
0x67: {  	_ =	swait.ge [sflag:s23], $0x2800  }
0x68: {  	[sflag:s23] =	ssyncset.done $0x0  }
0x69: {  	[sflag:s23] =	ssyncadd.s32 $0xFFFFD800  }
0x6a: {  	_ =	swait.ge [sflag:s22], $0x2800  }
0x6b: {  	[sflag:s22] =	ssyncset.done $0x0  }
0x6c: {  	[sflag:s22] =	ssyncadd.s32 $0xFFFFD800  }
0x6d: {  	_ =	swait.ge [sflag:s23], $0x2800  }
0x6e: {  	[sflag:s23] =	ssyncset.done $0x0  }
0x6f: {  	[sflag:s23] =	ssyncadd.s32 $0xFFFFD800  }
0x70: {  	_ =	swait.ge [sflag:s22], $0x2800  }
0x71: {  	[sflag:s22] =	ssyncset.done $0x0  }
0x72: {  	[sflag:s22] =	ssyncadd.s32 $0xFFFFD800  }
0x73: {  	_ =	swait.ge [sflag:s23], $0x2800  }
0x74: {  	[sflag:s23] =	ssyncset.done $0x0  }
0x75: {  	[sflag:s23] =	ssyncadd.s32 $0xFFFFD800  }
0x76: {  	_ =	swait.ge [sflag:s22], $0x2800  }
0x77: {  	[sflag:s22] =	ssyncset.done $0x0  }
0x78: {  	[sflag:s22] =	ssyncadd.s32 $0xFFFFD800  }
0x79: {  	_ =	swait.ge [sflag:s23], $0x2800  }
0x7a: {  	[sflag:s23] =	ssyncset.done $0x0  }
0x7b: {  	[sflag:s23] =	ssyncadd.s32 $0xFFFFD800  }
0x7c: {  	_ =	swait.ge [sflag:s22], $0x2800  }
0x7d: {  	[sflag:s22] =	ssyncset.done $0x0  }
0x7e: {  	[sflag:s22] =	ssyncadd.s32 $0xFFFFD800  }
0x7f: {  	_ =	swait.ge [sflag:s23], $0x2800  }
0x80: {  	[sflag:s23] =	ssyncset.done $0x0  }
0x81: {  	[sflag:s23] =	ssyncadd.s32 $0xFFFFD800  }
0x82: {  	[hbm4b:s26+s2] =	stream.linear.scatter [tilespmem:s13], [sflag:$0x3], $0xC800, $0x38;
	[tilespmem:$0x1DF00] =	vst v63  }
0x83: {  	_ =	swait.ge [sflag:s10], $0xC800  }
.Ltmp0:
0x84: {  	[sflag:s10] =	ssyncset.done $0x0;
	(pc) =	sbr.rel @p0 .LBB2_2-.Ltmp0, $4  }
0x85: {  	[sflag:s10] =	ssyncadd.s32 $0xFFFF3800  }
0x86: {  	[hbm4b:s25+s2] =	stream.linear.scatter [tilespmem:s14], [sflag:$0x3], $0xC800, $0x38;
	[tilespmem:$0x1DF00] =	vst v63  }
0x87: {  	s30 =	smov.u32 s29;
	_ =	swait.ge [sflag:s10], $0xC800  }
0x88: {  	s26 =	sadd.s32 $0x1900, s26;
	s25 =	sadd.s32 $0x1900, s25;
	[sflag:s10] =	ssyncset.done $0x0  }
0x89: {  	s0 =	sshra.s32 s28, $0x2;
	[sflag:s10] =	ssyncadd.s32 $0xFFFF3800  }
0x8a: {  	[tilespmem:s13], [sflag:$0x1] =	stream.indirect.gather [hbm4b:s3+s12], $0x80, s0, s12, $0xb8;
	[tilespmem:$0x1DF00] =	vst v63  }
0x8b: {  	s28 =	sadd.s32 $0x2780, s0  }
0x8c: {  	[tilespmem:s14], [sflag:$0x2] =	stream.indirect.gather [hbm4b:s4+s12], $0x80, s28, s12, $0xb8;
	[tilespmem:$0x1DF00] =	vst v63  }
0x8d: {  	s29 =	rddreg [dreg:$0x2];
	s31 =	sadd.s32 $0x50, s0  }
0x8e: {  	[tilespmem:s29], [sflag:$0x1] =	stream.indirect.gather [hbm4b:s3+s12], $0x80, s31, s12, $0xb8;
	[tilespmem:$0x1DF00] =	vst v63  }
0x8f: {  	s29 =	sadd.s32 $0x27D0, s0  }
0x90: {  	[tilespmem:s15], [sflag:$0x2] =	stream.indirect.gather [hbm4b:s4+s12], $0x80, s29, s12, $0xb8;
	[tilespmem:$0x1DF00] =	vst v63  }
0x91: {  	s30 =	sadd.s32 $0xA0, s0  }
0x92: {  	[tilespmem:s16], [sflag:$0x1] =	stream.indirect.gather [hbm4b:s3+s12], $0x80, s30, s12, $0xb8;
	[tilespmem:$0x1DF00] =	vst v63  }
0x93: {  	s31 =	sadd.s32 $0x2820, s0  }
0x94: {  	[tilespmem:s17], [sflag:$0x2] =	stream.indirect.gather [hbm4b:s4+s12], $0x80, s31, s12, $0xb8;
	[tilespmem:$0x1DF00] =	vst v63  }
0x95: {  	s29 =	sadd.s32 $0xF0, s0  }
0x96: {  	[tilespmem:s18], [sflag:$0x1] =	stream.indirect.gather [hbm4b:s3+s12], $0x80, s29, s12, $0xb8;
	[tilespmem:$0x1DF00] =	vst v63  }
0x97: {  	s30 =	sadd.s32 $0x2870, s0  }
0x98: {  	[tilespmem:s19], [sflag:$0x2] =	stream.indirect.gather [hbm4b:s4+s12], $0x80, s30, s12, $0xb8;
	[tilespmem:$0x1DF00] =	vst v63  }
0x99: {  	s31 =	sadd.s32 $0x140, s0  }
0x9a: {  	[tilespmem:s20], [sflag:$0x1] =	stream.indirect.gather [hbm4b:s3+s12], $0x80, s31, s12, $0xb8;
	[tilespmem:$0x1DF00] =	vst v63  }
0x9b: {  	s0 =	sadd.s32 $0x28C0, s0  }
0x9c: {  	[tilespmem:s21], [sflag:$0x2] =	stream.indirect.gather [hbm4b:s4+s12], $0x80, s0, s12, $0xb8;
	[tilespmem:$0x1DF00] =	vst v63  }
0x9d: {  	_ =	swait.ge [sflag:s22], $0x2800  }
0x9e: {  	[sflag:s22] =	ssyncset.done $0x0  }
0x9f: {  	[sflag:s22] =	ssyncadd.s32 $0xFFFFD800  }
0xa0: {  	_ =	swait.ge [sflag:s23], $0x2800  }
0xa1: {  	[sflag:s23] =	ssyncset.done $0x0  }
0xa2: {  	[sflag:s23] =	ssyncadd.s32 $0xFFFFD800  }
0xa3: {  	_ =	swait.ge [sflag:s22], $0x2800  }
0xa4: {  	[sflag:s22] =	ssyncset.done $0x0  }
0xa5: {  	[sflag:s22] =	ssyncadd.s32 $0xFFFFD800  }
0xa6: {  	_ =	swait.ge [sflag:s23], $0x2800  }
0xa7: {  	[sflag:s23] =	ssyncset.done $0x0  }
0xa8: {  	[sflag:s23] =	ssyncadd.s32 $0xFFFFD800  }
0xa9: {  	_ =	swait.ge [sflag:s22], $0x2800  }
0xaa: {  	[sflag:s22] =	ssyncset.done $0x0  }
0xab: {  	[sflag:s22] =	ssyncadd.s32 $0xFFFFD800  }
0xac: {  	_ =	swait.ge [sflag:s23], $0x2800  }
0xad: {  	[sflag:s23] =	ssyncset.done $0x0  }
0xae: {  	[sflag:s23] =	ssyncadd.s32 $0xFFFFD800  }
0xaf: {  	_ =	swait.ge [sflag:s22], $0x2800  }
0xb0: {  	[sflag:s22] =	ssyncset.done $0x0  }
0xb1: {  	[sflag:s22] =	ssyncadd.s32 $0xFFFFD800  }
0xb2: {  	_ =	swait.ge [sflag:s23], $0x2800  }
0xb3: {  	[sflag:s23] =	ssyncset.done $0x0  }
0xb4: {  	[sflag:s23] =	ssyncadd.s32 $0xFFFFD800  }
0xb5: {  	_ =	swait.ge [sflag:s22], $0x2800  }
0xb6: {  	[sflag:s22] =	ssyncset.done $0x0  }
0xb7: {  	[sflag:s22] =	ssyncadd.s32 $0xFFFFD800  }
0xb8: {  	_ =	swait.ge [sflag:s23], $0x2800  }
0xb9: {  	[sflag:s23] =	ssyncset.done $0x0  }
0xba: {  	[sflag:s23] =	ssyncadd.s32 $0xFFFFD800  }
0xbb: {  	[hbm4b:s26+s2] =	stream.linear.scatter [tilespmem:s13], [sflag:$0x3], $0xC800, $0x38;
	[tilespmem:$0x1DF00] =	vst v63  }
0xbc: {  	s24 =	sadd.s32 $0x1, s24;
	_ =	swait.ge [sflag:s10], $0xC800  }
0xbd: {  	p0 =	sne.s32 s24, s7;
	[sflag:s10] =	ssyncset.done $0x0  }
.Ltmp1:
0xbe: {  	[sflag:s10] =	ssyncadd.s32 $0xFFFF3800;
	(pc) =	sbr.rel @p0 .LBB2_1-.Ltmp1, $4  }
0xbf: {  	[hbm4b:s25+s2] =	stream.linear.scatter [tilespmem:s14], [sflag:$0x3], $0xC800, $0x38;
	[tilespmem:$0x1DF00] =	vst v63  }
0xc0: {  	_ =	swait.ge [sflag:s10], $0xC800  }
0xc1: {  	[sflag:s10] =	ssyncset.done $0x0  }
0xc2: {  	[sflag:s10] =	ssyncadd.s32 $0xFFFF3800  }
0xc3: {  	_ =	sfence.sel $0x180000  }
0xc4: {  	[bflag:$0x0] =	sbarrier.arrive $0xFFFF  }
0xc5: {  	_ =	strace $0x90000047  }
0xc6: {  	[bflag:$0x2] =	sbarrier.arrive $0xFFFF  }
0xc7: {  	p0 =	sne.s32 s1, $0x0;
	s0 =	rddreg [dreg:$0x1]  }
0xc8: {  	s0 =	sadd.s32 @!p0 $0x100000, s0  }
0xc9: {  	[sflag:s0] =	ssyncadd.tile.s32 @!p0 $0x1;
	_ =	shalt  }
.Lfunc_end2:
_tile_overlayer_lowered:
.L_overlay_start_2:
0xca: {  	(tag) =	ssettag $0x2  }
0xcb: {  	s0 =	rddreg [dreg:$0x0];
	s2 =	stileid.u32  }
0xcc: {  	s1 =	rddreg [dreg:$0x1];
	p0 =	sne.s32 s2, $0x0  }
0xcd: {  	s3 =	rddreg [dreg:$0x2];
	[bflag:$0x3] =	sbarrier.arrive $0xFFFF;
	s2 =	simm.s32 @!p0 $0x1C03  }
0xce: {  	[timem:s3], [sflag:s2] =	dma.local @!p0 [hbm:s0], s1  }
0xcf: {  	s0 =	simm.s32 @!p0 $0x3  }
0xd0: {  	_ =	swait.ge @!p0 [sflag:s0], s1  }
0xd1: {  	s1 =	ssub.s32 @!p0 $0x0, s1;
	[sflag:s0] =	ssyncset.done @!p0 $0x0  }
0xd2: {  	[sflag:s0] =	ssyncadd.s32 @!p0 s1  }
0xd3: {  	[bflag:$0x3] =	sbarrier.arrive $0xFFFF  }
0xd4: {  	_ =	shalt  }

</sc_bundles>
